<compile_context>
chip_gen: v7x
topology: tpu7x:2x2x1
jax: 0.10.2.dev20260603
libtpu: 0.0.44.dev20260713+nightly
codegen_flags: <defaults>
</compile_context>

<pallas_src>
import functools

import jax
import jax.numpy as jnp
from jax import lax
from jax.experimental import pallas as pl
from jax.experimental.pallas import tpu as pltpu
from jax.experimental.pallas import tpu_sc as plsc

B = 8
N = 2048
KNN = 20
M = B * N
EPS = 1e-5
NEG = float("-inf")

BLK_R = 256
NC, NS = 2, 16
NW = NC * NS
NPTS = M // NW
GRP = 8
GK = GRP * KNN
NGRP = NPTS // GRP

BLK_C = 128
BLK_M = 256


def _leaky(v):
    return jnp.where(v >= 0, v, 0.2 * v)



def _knn_body(h_ref, ht_ref, xx_ref, xxt_ref, idx_ref, hat_ref):
    b = pl.program_id(0)
    r = pl.program_id(1)

    @pl.when(r == 0)
    def _():
        hat_ref[...] = ht_ref[0].astype(jnp.bfloat16)

    hb = h_ref[0, pl.ds(r * BLK_R, BLK_R), :].astype(jnp.bfloat16)
    g = jnp.dot(hb, hat_ref[...], preferred_element_type=jnp.float32)
    p = (-xx_ref[0]) - (-2.0 * g)
    p = p - xxt_ref[0]

    iota = lax.broadcasted_iota(jnp.int32, (BLK_R, N), 1)
    cols = []
    for _ in range(KNN):
        m = jnp.max(p, axis=1, keepdims=True)
        a = jnp.min(jnp.where(p == m, iota, N), axis=1, keepdims=True)
        cols.append(a)
        p = jnp.where(iota == a, NEG, p)
    idx_ref[0] = jnp.concatenate(cols, axis=1) + b * N


def _knn(h, ht, xx, xxt):
    c = h.shape[2]
    return pl.pallas_call(
        _knn_body,
        grid=(B, N // BLK_R),
        in_specs=[
            pl.BlockSpec((1, N, c), lambda b, r: (b, 0, 0)),
            pl.BlockSpec((1, c, N), lambda b, r: (b, 0, 0)),
            pl.BlockSpec((1, 1, N), lambda b, r: (b, 0, 0)),
            pl.BlockSpec((1, BLK_R, 1), lambda b, r: (b, r, 0)),
        ],
        out_specs=pl.BlockSpec((1, BLK_R, KNN), lambda b, r: (b, r, 0)),
        out_shape=jax.ShapeDtypeStruct((B, N, KNN), jnp.int32),
        scratch_shapes=[pltpu.VMEM((c, N), jnp.bfloat16)],
    )(h, ht, xx, xxt)



def _gather_body(idx_hbm, tab_hbm, out_hbm, idxg1, idxg2, rows1, rows2,
                 sem1, sem2):
    wid = lax.axis_index("s") * NC + lax.axis_index("c")
    base_ix = wid * (NPTS * KNN)

    def grp_body(g, carry):
        off = base_ix + g * GK
        pltpu.sync_copy(idx_hbm.at[pl.ds(off, GK // 2)], idxg1)
        pltpu.sync_copy(idx_hbm.at[pl.ds(off + GK // 2, GK // 2)], idxg2)
        cp1 = pltpu.async_copy(tab_hbm.at[idxg1], rows1, sem1)
        cp2 = pltpu.async_copy(tab_hbm.at[idxg2], rows2, sem2)
        cp1.wait()
        cp2.wait()
        pltpu.sync_copy(rows1, out_hbm.at[pl.ds(off, GK // 2)])
        pltpu.sync_copy(rows2, out_hbm.at[pl.ds(off + GK // 2, GK // 2)])
        return carry

    lax.fori_loop(0, NGRP, grp_body, 0)


def _gather(cp, idx_flat, tab):
    mesh = plsc.VectorSubcoreMesh(core_axis_name="c", subcore_axis_name="s",
                                  num_cores=NC, num_subcores=NS)
    fn = pl.kernel(
        _gather_body,
        out_type=jax.ShapeDtypeStruct((M * KNN, cp), jnp.float32),
        mesh=mesh,
        scratch_types=[
            pltpu.VMEM((GK // 2,), jnp.int32),
            pltpu.VMEM((GK // 2,), jnp.int32),
            pltpu.VMEM((GK // 2, cp), jnp.float32),
            pltpu.VMEM((GK // 2, cp), jnp.float32),
            pltpu.SemaphoreType.DMA,
            pltpu.SemaphoreType.DMA,
        ],
    )
    return fn(idx_flat, tab)



def _edge_z(c, hg_ref, h_ref, w_ref):
    xi = h_ref[...]
    gg = hg_ref[...][:, :c]
    diff = gg.reshape(BLK_C, KNN, c) - xi[:, None, :]
    xe = jnp.broadcast_to(xi[:, None, :], (BLK_C, KNN, c))
    edge = jnp.concatenate([diff, xe], axis=2).reshape(BLK_C * KNN, 2 * c)
    return jnp.dot(edge.astype(jnp.bfloat16), w_ref[...].astype(jnp.bfloat16),
                   preferred_element_type=jnp.float32)


def _conv1_body(c, hg_ref, h_ref, w_ref, sum_ref):
    i = pl.program_id(0)
    z = _edge_z(c, hg_ref, h_ref, w_ref)

    @pl.when(i == 0)
    def _():
        sum_ref[...] = jnp.zeros_like(sum_ref)

    sum_ref[...] += jnp.sum(z, axis=0, keepdims=True)


def _conv2_body(c, hg_ref, h_ref, w_ref, m_ref, r_ref, sq_ref):
    i = pl.program_id(0)
    z = _edge_z(c, hg_ref, h_ref, w_ref)
    r_ref[...] = jnp.max(z.reshape(BLK_C, KNN, -1), axis=1)

    @pl.when(i == 0)
    def _():
        sq_ref[...] = jnp.zeros_like(sq_ref)

    d = z - m_ref[...]
    sq_ref[...] += jnp.sum(d * d, axis=0, keepdims=True)


def _convz_body(c, hg_ref, h_ref, w_ref, r_ref, z_ref):
    z = _edge_z(c, hg_ref, h_ref, w_ref)
    z_ref[...] = z
    r_ref[...] = jnp.max(z.reshape(BLK_C, KNN, -1), axis=1)


def _conv_zout(hg, h, w2, c, f):
    cp = hg.shape[1]
    const = lambda i: (0, 0)
    return pl.pallas_call(
        functools.partial(_convz_body, c),
        grid=(M // BLK_C,),
        in_specs=[
            pl.BlockSpec((BLK_C * KNN, cp), lambda i: (i, 0)),
            pl.BlockSpec((BLK_C, c), lambda i: (i, 0)),
            pl.BlockSpec((2 * c, f), const),
        ],
        out_specs=[
            pl.BlockSpec((BLK_C, f), lambda i: (i, 0)),
            pl.BlockSpec((BLK_C * KNN, f), lambda i: (i, 0)),
        ],
        out_shape=[
            jax.ShapeDtypeStruct((M, f), jnp.float32),
            jax.ShapeDtypeStruct((M * KNN, f), jnp.float32),
        ],
    )(hg, h, w2)


def _conv(hg, h, w2, c, f):
    cp = hg.shape[1]
    const = lambda i: (0, 0)
    hg_spec = pl.BlockSpec((BLK_C * KNN, cp), lambda i: (i, 0))
    h_spec = pl.BlockSpec((BLK_C, c), lambda i: (i, 0))
    w_spec = pl.BlockSpec((2 * c, f), const)
    s1 = pl.pallas_call(
        functools.partial(_conv1_body, c),
        grid=(M // BLK_C,),
        in_specs=[hg_spec, h_spec, w_spec],
        out_specs=pl.BlockSpec((1, f), const),
        out_shape=jax.ShapeDtypeStruct((1, f), jnp.float32),
    )(hg, h, w2)
    mean = s1 / float(M * KNN)
    r, s2 = pl.pallas_call(
        functools.partial(_conv2_body, c),
        grid=(M // BLK_C,),
        in_specs=[hg_spec, h_spec, w_spec, pl.BlockSpec((1, f), const)],
        out_specs=[
            pl.BlockSpec((BLK_C, f), lambda i: (i, 0)),
            pl.BlockSpec((1, f), const),
        ],
        out_shape=[
            jax.ShapeDtypeStruct((M, f), jnp.float32),
            jax.ShapeDtypeStruct((1, f), jnp.float32),
        ],
    )(hg, h, w2, mean)
    var = s2 / float(M * KNN)
    return r, mean[0], var[0]



def _final_body(h_ref, wf_ref, y_ref, sum_ref):
    i = pl.program_id(0)
    y = jnp.dot(h_ref[...].astype(jnp.bfloat16),
                wf_ref[...].astype(jnp.bfloat16),
                preferred_element_type=jnp.float32)
    y_ref[...] = y

    @pl.when(i == 0)
    def _():
        sum_ref[...] = jnp.zeros_like(sum_ref)

    sum_ref[...] += jnp.sum(y, axis=0, keepdims=True)


def _final_conv(hcat, wf_t, out_dim):
    cdim = hcat.shape[1]
    const = lambda i: (0, 0)
    return pl.pallas_call(
        _final_body,
        grid=(M // BLK_M,),
        in_specs=[
            pl.BlockSpec((BLK_M, cdim), lambda i: (i, 0)),
            pl.BlockSpec((cdim, out_dim), const),
        ],
        out_specs=[
            pl.BlockSpec((BLK_M, out_dim), lambda i: (i, 0)),
            pl.BlockSpec((1, out_dim), const),
        ],
        out_shape=[
            jax.ShapeDtypeStruct((M, out_dim), jnp.float32),
            jax.ShapeDtypeStruct((1, out_dim), jnp.float32),
        ],
    )(hcat, wf_t)


def _var_body(y_ref, m_ref, sq_ref):
    i = pl.program_id(0)

    @pl.when(i == 0)
    def _():
        sq_ref[...] = jnp.zeros_like(sq_ref)

    d = y_ref[...] - m_ref[...]
    sq_ref[...] += jnp.sum(d * d, axis=0, keepdims=True)


def _var_pass(y, mean, out_dim):
    const = lambda i: (0, 0)
    return pl.pallas_call(
        _var_body,
        grid=(M // BLK_M,),
        in_specs=[
            pl.BlockSpec((BLK_M, out_dim), lambda i: (i, 0)),
            pl.BlockSpec((1, out_dim), const),
        ],
        out_specs=pl.BlockSpec((1, out_dim), const),
        out_shape=jax.ShapeDtypeStruct((1, out_dim), jnp.float32),
    )(y, mean)


def _norm_body(m_ref, v_ref, g_ref, b_ref, y_ref, o_ref):
    t = (y_ref[...] - m_ref[...]) / jnp.sqrt(v_ref[...] + EPS)
    t = t * g_ref[...] + b_ref[...]
    o_ref[...] = _leaky(t)


def _normalize(y, m, v, g, b, out_dim):
    const = lambda i: (0, 0)
    return pl.pallas_call(
        _norm_body,
        grid=(M // BLK_M,),
        in_specs=[
            pl.BlockSpec((1, out_dim), const),
            pl.BlockSpec((1, out_dim), const),
            pl.BlockSpec((1, out_dim), const),
            pl.BlockSpec((1, out_dim), const),
            pl.BlockSpec((BLK_M, out_dim), lambda i: (i, 0)),
        ],
        out_specs=pl.BlockSpec((BLK_M, out_dim), lambda i: (i, 0)),
        out_shape=jax.ShapeDtypeStruct((M, out_dim), jnp.float32),
    )(m, v, g, b, y)



def kernel(x, W0, g0, b0, W1, g1, b1, W2, g2, b2, W3, g3, b3, Wf, gf, bf):
    params = [(W0, g0, b0), (W1, g1, b1), (W2, g2, b2), (W3, g3, b3)]
    cnt = float(M * KNN)

    h = x
    feats = []
    for (W, g, bb) in params:
        f, c2 = W.shape
        c = c2 // 2
        ht = jnp.transpose(h, (0, 2, 1))
        xx = jnp.sum(ht ** 2, axis=1, keepdims=True)
        xxt = jnp.transpose(xx, (0, 2, 1))
        idx = _knn(h, ht, xx, xxt)

        cp = max(c, 128)
        tab = h.reshape(M, c)
        if cp != c:
            tab = jnp.pad(tab, ((0, 0), (0, cp - c)))
        hg = _gather(cp, idx.reshape(M * KNN), tab)

        if len(feats) < 3:
            r, z = _conv_zout(hg, h.reshape(M, c), W.T, c, f)
            mean = jnp.mean(z, axis=0)
            z4 = z.reshape(B, N, KNN, f).transpose(0, 3, 1, 2)
            z4 = lax.optimization_barrier(z4)
            var = jnp.mean((z4 - mean.reshape(1, f, 1, 1)) ** 2,
                           axis=(0, 2, 3)).reshape(f)
        else:
            r, mean, var = _conv(hg, h.reshape(M, c), W.T, c, f)
        t = (r - mean) / jnp.sqrt(var + EPS) * g + bb
        hf = jnp.where(t >= 0, t, 0.2 * t)
        feats.append(hf)
        h = hf.reshape(B, N, f)

    out_dim = Wf.shape[0]
    hcat = jnp.concatenate(feats, axis=1)
    y, s1 = _final_conv(hcat, Wf.T, out_dim)
    mean = s1 / float(M)
    var = _var_pass(y, mean, out_dim) / float(M)
    out = _normalize(y, mean, var, gf.reshape(1, out_dim),
                     bf.reshape(1, out_dim), out_dim)
    return out.reshape(B, N, out_dim)

# --- scband reference (transcript-rebuilt; emitter-appended) ---
"""Pipeline reference for scband-dgcnn-773094114042 (READ-ONLY COPY).

The authoritative reference and input builder live on the scoring server;
editing this copy changes nothing except your own understanding.
"""

import jax, jax.numpy as jnp
import numpy as np

B, N, K = 8, 2048, 20
DIMS = [64, 64, 128, 256]
OUT_DIM = 1024
EPS = 1e-5


def setup_inputs(seed: int = 0) -> dict:
    key = jax.random.key(seed)
    ks = jax.random.split(key, 16)
    inp = {"x": jax.random.normal(ks[0], (B, N, 3), dtype=jnp.float32)}
    in_c = 3
    for i, f in enumerate(DIMS):
        inp[f"W{i}"] = jax.random.normal(ks[1 + i], (f, in_c * 2), dtype=jnp.float32) * (1.0 / np.sqrt(in_c * 2))
        inp[f"g{i}"] = jnp.ones((f,), dtype=jnp.float32)
        inp[f"b{i}"] = jnp.zeros((f,), dtype=jnp.float32)
        in_c = f
    inp["Wf"] = jax.random.normal(ks[10], (OUT_DIM, sum(DIMS)), dtype=jnp.float32) * (1.0 / np.sqrt(sum(DIMS)))
    inp["gf"] = jnp.ones((OUT_DIM,), dtype=jnp.float32)
    inp["bf"] = jnp.zeros((OUT_DIM,), dtype=jnp.float32)
    return inp


def knn(x, k):
    # x: [B, C, N]
    inner = -2.0 * jnp.einsum('bcn,bcm->bnm', x, x)
    xx = jnp.sum(x ** 2, axis=1, keepdims=True)  # [B, 1, N]
    pairwise = -xx - inner - jnp.transpose(xx, (0, 2, 1))
    _, idx = jax.lax.top_k(pairwise, k)
    return idx  # [B, N, k]


def get_graph_feature(x, k, subtract=True):
    # x: [B, C, N]
    idx = knn(x, k)
    xt = jnp.transpose(x, (0, 2, 1))  # [B, N, C]
    feature = jax.vmap(lambda xb, ib: xb[ib])(xt, idx)  # [B, N, k, C] gather
    xe = jnp.broadcast_to(xt[:, :, None, :], feature.shape)
    interaction = feature - xe if subtract else feature
    out = jnp.concatenate([interaction, xe], axis=3)  # [B, N, k, 2C]
    return jnp.transpose(out, (0, 3, 1, 2))  # [B, 2C, N, k]


def batchnorm(x, g, b, axes):
    m = jnp.mean(x, axis=axes, keepdims=True)
    v = jnp.mean((x - m) ** 2, axis=axes, keepdims=True)
    shape = [1] * x.ndim
    shape[1] = -1
    return (x - m) / jnp.sqrt(v + EPS) * g.reshape(shape) + b.reshape(shape)


def leaky_relu(x):
    return jnp.where(x >= 0, x, 0.2 * x)


def reference(x, W0, g0, b0, W1, g1, b1, W2, g2, b2, W3, g3, b3, Wf, gf, bf):
    h = jnp.transpose(x, (0, 2, 1))  # [B, 3, N]
    feats = []
    params = [(W0, g0, b0), (W1, g1, b1), (W2, g2, b2), (W3, g3, b3)]
    for (W, g, b) in params:
        f = get_graph_feature(h, K, subtract=True)  # [B, 2C, N, k]
        f = jnp.einsum('fc,bcnk->bfnk', W, f)  # 1x1 conv2d, no bias
        f = batchnorm(f, g, b, (0, 2, 3))
        f = leaky_relu(f)
        h = jnp.max(f, axis=-1)  # [B, fdim, N]
        feats.append(h)
    h = jnp.concatenate(feats, axis=1)  # [B, 512, N]
    h = jnp.einsum('oc,bcn->bon', Wf, h)  # 1x1 conv1d, no bias
    h = batchnorm(h, gf, bf, (0, 2))
    h = leaky_relu(h)
    return jnp.transpose(h, (0, 2, 1))  # [B, N, out_dim]

if __name__ == "__main__":
    import jax
    _d = setup_inputs()
    print(jax.jit(kernel)(*tuple(_d.values())))

</pallas_src>

<mosaic_0001>
#map = affine_map<(d0, d1) -> (0)>
#map1 = affine_map<(d0, d1) -> (0, 0)>
module attributes {stable_mosaic.version = 14 : i64} {
  func.func @_gather_body(%arg0: i32, %arg1: i32, %arg2: memref<327680xi32, #tpu.memory_space<hbm>>, %arg3: memref<16384x128xf32, #tpu.memory_space<hbm>>, %arg4: memref<327680x128xf32, #tpu.memory_space<hbm>>, %arg5: memref<80xi32, #tpu.memory_space<vmem>>, %arg6: memref<80xi32, #tpu.memory_space<vmem>>, %arg7: memref<80x128xf32, #tpu.memory_space<vmem>>, %arg8: memref<80x128xf32, #tpu.memory_space<vmem>>, %arg9: memref<!tpu.dma_semaphore, #tpu.memory_space<semaphore_mem>>, %arg10: memref<!tpu.dma_semaphore, #tpu.memory_space<semaphore_mem>>) attributes {dimension_semantics = [#tpu.dimension_semantics<core_parallel>, #tpu.dimension_semantics<subcore_parallel>], iteration_bounds = array<i64: 2, 16>, scalar_prefetch = 0 : i64, scratch_operands = 6 : i64, tpu.core_type = #tpu.core_type<sc_vector_subcore>, window_params = [{transform_indices = #map}, {transform_indices = #map1}, {transform_indices = #map1}]} {
    %mul3A = arith.constant 2 : i32
    %mul3A_0 = arith.muli %arg1, %mul3A : i32
    %add3A = arith.addi %mul3A_0, %arg0 : i32
    %mul3A_1 = arith.constant 10240 : i32
    %mul3A_2 = arith.muli %add3A, %mul3A_1 : i32
    %scan3A = arith.constant 0 : i32
    %scan3A_3 = arith.constant 0 : i32
    %scan3A_4 = arith.constant 64 : i32
    %scan3A_5 = arith.addi %scan3A_3, %scan3A_4 : i32
    %scan3A_6 = arith.constant 1 : i32
    scf.for %scan3A_8 = %scan3A_3 to %scan3A_5 step %scan3A_6  : i32 {
      %mul3A_9 = arith.constant 160 : i32
      %mul3A_10 = arith.muli %scan3A_8, %mul3A_9 : i32
      %add3A_11 = arith.addi %mul3A_2, %mul3A_10 : i32
      "tpu.region"() ({
        %run_scoped3A = tpu.sem_alloc : memref<!tpu.dma_semaphore, #tpu.memory_space<semaphore_mem>>
        %dma_start3A_26 = tpu.memref_slice %arg2[%add3A_11] : memref<327680xi32, #tpu.memory_space<hbm>> -> memref<80xi32, #tpu.memory_space<hbm>>
        %dma_start3A_27 = tpu.memref_slice %arg2[%add3A_11] : memref<327680xi32, #tpu.memory_space<hbm>> -> memref<80xi32, #tpu.memory_space<hbm>>
        tpu.enqueue_dma source(%dma_start3A_27 : memref<80xi32, #tpu.memory_space<hbm>>) target(%arg5 : memref<80xi32, #tpu.memory_space<vmem>>) target_semaphore(%run_scoped3A : memref<!tpu.dma_semaphore, #tpu.memory_space<semaphore_mem>>)
        %dma_wait3A_28 = tpu.memref_slice %arg2[%add3A_11] : memref<327680xi32, #tpu.memory_space<hbm>> -> memref<80xi32, #tpu.memory_space<hbm>>
        %dma_wait3A_29 = tpu.memref_slice %arg2[%add3A_11] : memref<327680xi32, #tpu.memory_space<hbm>> -> memref<80xi32, #tpu.memory_space<hbm>>
        tpu.wait_dma2 semaphore(%run_scoped3A : memref<!tpu.dma_semaphore, #tpu.memory_space<semaphore_mem>>) src(%dma_wait3A_29 : memref<80xi32, #tpu.memory_space<hbm>>) dst(%arg5 : memref<80xi32, #tpu.memory_space<vmem>>)
        tpu.yield
      }) : () -> ()
      %add3A_12 = arith.constant 80 : i32
      %add3A_13 = arith.addi %add3A_11, %add3A_12 : i32
      "tpu.region"() ({
        %run_scoped3A = tpu.sem_alloc : memref<!tpu.dma_semaphore, #tpu.memory_space<semaphore_mem>>
        %dma_start3A_26 = tpu.memref_slice %arg2[%add3A_13] : memref<327680xi32, #tpu.memory_space<hbm>> -> memref<80xi32, #tpu.memory_space<hbm>>
        %dma_start3A_27 = tpu.memref_slice %arg2[%add3A_13] : memref<327680xi32, #tpu.memory_space<hbm>> -> memref<80xi32, #tpu.memory_space<hbm>>
        tpu.enqueue_dma source(%dma_start3A_27 : memref<80xi32, #tpu.memory_space<hbm>>) target(%arg6 : memref<80xi32, #tpu.memory_space<vmem>>) target_semaphore(%run_scoped3A : memref<!tpu.dma_semaphore, #tpu.memory_space<semaphore_mem>>)
        %dma_wait3A_28 = tpu.memref_slice %arg2[%add3A_13] : memref<327680xi32, #tpu.memory_space<hbm>> -> memref<80xi32, #tpu.memory_space<hbm>>
        %dma_wait3A_29 = tpu.memref_slice %arg2[%add3A_13] : memref<327680xi32, #tpu.memory_space<hbm>> -> memref<80xi32, #tpu.memory_space<hbm>>
        tpu.wait_dma2 semaphore(%run_scoped3A : memref<!tpu.dma_semaphore, #tpu.memory_space<semaphore_mem>>) src(%dma_wait3A_29 : memref<80xi32, #tpu.memory_space<hbm>>) dst(%arg6 : memref<80xi32, #tpu.memory_space<vmem>>)
        tpu.yield
      }) : () -> ()
      %dma_start3A = arith.constant 0 : i32
      %dma_start3A_14 = arith.constant 0 : i32
      %dma_start3A_15 = tpu.memref_slice %arg3[%dma_start3A, %dma_start3A_14] : memref<16384x128xf32, #tpu.memory_space<hbm>> -> memref<16384x128xf32, #tpu.memory_space<hbm>>
      tpu.enqueue_indirect_dma source(%dma_start3A_15 : memref<16384x128xf32, #tpu.memory_space<hbm>>) target(%arg7 : memref<80x128xf32, #tpu.memory_space<vmem>>) offsets(%arg5 : memref<80xi32, #tpu.memory_space<vmem>>) semaphore(%arg9 : memref<!tpu.dma_semaphore, #tpu.memory_space<semaphore_mem>>)
      %dma_start3A_16 = arith.constant 0 : i32
      %dma_start3A_17 = arith.constant 0 : i32
      %dma_start3A_18 = tpu.memref_slice %arg3[%dma_start3A_16, %dma_start3A_17] : memref<16384x128xf32, #tpu.memory_space<hbm>> -> memref<16384x128xf32, #tpu.memory_space<hbm>>
      tpu.enqueue_indirect_dma source(%dma_start3A_18 : memref<16384x128xf32, #tpu.memory_space<hbm>>) target(%arg8 : memref<80x128xf32, #tpu.memory_space<vmem>>) offsets(%arg6 : memref<80xi32, #tpu.memory_space<vmem>>) semaphore(%arg10 : memref<!tpu.dma_semaphore, #tpu.memory_space<semaphore_mem>>)
      %dma_wait3A = arith.constant 0 : i32
      %dma_wait3A_19 = arith.constant 0 : i32
      %dma_wait3A_20 = tpu.memref_slice %arg3[%dma_wait3A, %dma_wait3A_19] : memref<16384x128xf32, #tpu.memory_space<hbm>> -> memref<16384x128xf32, #tpu.memory_space<hbm>>
      tpu.wait_indirect_dma semaphore(%arg9 : memref<!tpu.dma_semaphore, #tpu.memory_space<semaphore_mem>>) src(%dma_wait3A_20 : memref<16384x128xf32, #tpu.memory_space<hbm>>) dst(%arg7 : memref<80x128xf32, #tpu.memory_space<vmem>>)
      %dma_wait3A_21 = arith.constant 0 : i32
      %dma_wait3A_22 = arith.constant 0 : i32
      %dma_wait3A_23 = tpu.memref_slice %arg3[%dma_wait3A_21, %dma_wait3A_22] : memref<16384x128xf32, #tpu.memory_space<hbm>> -> memref<16384x128xf32, #tpu.memory_space<hbm>>
      tpu.wait_indirect_dma semaphore(%arg10 : memref<!tpu.dma_semaphore, #tpu.memory_space<semaphore_mem>>) src(%dma_wait3A_23 : memref<16384x128xf32, #tpu.memory_space<hbm>>) dst(%arg8 : memref<80x128xf32, #tpu.memory_space<vmem>>)
      "tpu.region"() ({
        %run_scoped3A = tpu.sem_alloc : memref<!tpu.dma_semaphore, #tpu.memory_space<semaphore_mem>>
        %dma_start3A_26 = arith.constant 0 : i32
        %dma_start3A_27 = tpu.memref_slice %arg4[%add3A_11, %dma_start3A_26] : memref<327680x128xf32, #tpu.memory_space<hbm>> -> memref<80x128xf32, #tpu.memory_space<hbm>>
        %dma_start3A_28 = arith.constant 0 : i32
        %dma_start3A_29 = tpu.memref_slice %arg4[%add3A_11, %dma_start3A_28] : memref<327680x128xf32, #tpu.memory_space<hbm>> -> memref<80x128xf32, #tpu.memory_space<hbm>>
        tpu.enqueue_dma source(%arg7 : memref<80x128xf32, #tpu.memory_space<vmem>>) target(%dma_start3A_29 : memref<80x128xf32, #tpu.memory_space<hbm>>) target_semaphore(%run_scoped3A : memref<!tpu.dma_semaphore, #tpu.memory_space<semaphore_mem>>)
        %dma_wait3A_30 = arith.constant 0 : i32
        %dma_wait3A_31 = tpu.memref_slice %arg4[%add3A_11, %dma_wait3A_30] : memref<327680x128xf32, #tpu.memory_space<hbm>> -> memref<80x128xf32, #tpu.memory_space<hbm>>
        %dma_wait3A_32 = arith.constant 0 : i32
        %dma_wait3A_33 = tpu.memref_slice %arg4[%add3A_11, %dma_wait3A_32] : memref<327680x128xf32, #tpu.memory_space<hbm>> -> memref<80x128xf32, #tpu.memory_space<hbm>>
        tpu.wait_dma2 semaphore(%run_scoped3A : memref<!tpu.dma_semaphore, #tpu.memory_space<semaphore_mem>>) src(%arg7 : memref<80x128xf32, #tpu.memory_space<vmem>>) dst(%dma_wait3A_33 : memref<80x128xf32, #tpu.memory_space<hbm>>)
        tpu.yield
      }) : () -> ()
      %add3A_24 = arith.constant 80 : i32
      %add3A_25 = arith.addi %add3A_11, %add3A_24 : i32
      "tpu.region"() ({
        %run_scoped3A = tpu.sem_alloc : memref<!tpu.dma_semaphore, #tpu.memory_space<semaphore_mem>>
        %dma_start3A_26 = arith.constant 0 : i32
        %dma_start3A_27 = tpu.memref_slice %arg4[%add3A_25, %dma_start3A_26] : memref<327680x128xf32, #tpu.memory_space<hbm>> -> memref<80x128xf32, #tpu.memory_space<hbm>>
        %dma_start3A_28 = arith.constant 0 : i32
        %dma_start3A_29 = tpu.memref_slice %arg4[%add3A_25, %dma_start3A_28] : memref<327680x128xf32, #tpu.memory_space<hbm>> -> memref<80x128xf32, #tpu.memory_space<hbm>>
        tpu.enqueue_dma source(%arg8 : memref<80x128xf32, #tpu.memory_space<vmem>>) target(%dma_start3A_29 : memref<80x128xf32, #tpu.memory_space<hbm>>) target_semaphore(%run_scoped3A : memref<!tpu.dma_semaphore, #tpu.memory_space<semaphore_mem>>)
        %dma_wait3A_30 = arith.constant 0 : i32
        %dma_wait3A_31 = tpu.memref_slice %arg4[%add3A_25, %dma_wait3A_30] : memref<327680x128xf32, #tpu.memory_space<hbm>> -> memref<80x128xf32, #tpu.memory_space<hbm>>
        %dma_wait3A_32 = arith.constant 0 : i32
        %dma_wait3A_33 = tpu.memref_slice %arg4[%add3A_25, %dma_wait3A_32] : memref<327680x128xf32, #tpu.memory_space<hbm>> -> memref<80x128xf32, #tpu.memory_space<hbm>>
        tpu.wait_dma2 semaphore(%run_scoped3A : memref<!tpu.dma_semaphore, #tpu.memory_space<semaphore_mem>>) src(%arg8 : memref<80x128xf32, #tpu.memory_space<vmem>>) dst(%dma_wait3A_33 : memref<80x128xf32, #tpu.memory_space<hbm>>)
        tpu.yield
      }) : () -> ()
    }
    %scan3A_7 = arith.constant 64 : i32
    return
  }
}

#map = affine_map<(d0, d1) -> (0)>
#map1 = affine_map<(d0, d1) -> (0, 0)>
module attributes {stable_mosaic.version = 14 : i64} {
  func.func @_gather_body(%arg0: i32, %arg1: i32, %arg2: memref<327680xi32, #tpu.memory_space<hbm>>, %arg3: memref<16384x128xf32, #tpu.memory_space<hbm>>, %arg4: memref<327680x128xf32, #tpu.memory_space<hbm>>, %arg5: memref<80xi32, #tpu.memory_space<vmem>>, %arg6: memref<80xi32, #tpu.memory_space<vmem>>, %arg7: memref<80x128xf32, #tpu.memory_space<vmem>>, %arg8: memref<80x128xf32, #tpu.memory_space<vmem>>, %arg9: memref<!tpu.dma_semaphore, #tpu.memory_space<semaphore_mem>>, %arg10: memref<!tpu.dma_semaphore, #tpu.memory_space<semaphore_mem>>) attributes {dimension_semantics = [#tpu.dimension_semantics<core_parallel>, #tpu.dimension_semantics<subcore_parallel>], iteration_bounds = array<i64: 2, 16>, scalar_prefetch = 0 : i64, scratch_operands = 6 : i64, tpu.core_type = #tpu.core_type<sc_vector_subcore>, window_params = [{transform_indices = #map}, {transform_indices = #map1}, {transform_indices = #map1}]} {
    %mul3A = arith.constant 2 : i32
    %mul3A_0 = arith.muli %arg1, %mul3A : i32
    %add3A = arith.addi %mul3A_0, %arg0 : i32
    %mul3A_1 = arith.constant 10240 : i32
    %mul3A_2 = arith.muli %add3A, %mul3A_1 : i32
    %scan3A = arith.constant 0 : i32
    %scan3A_3 = arith.constant 0 : i32
    %scan3A_4 = arith.constant 64 : i32
    %scan3A_5 = arith.addi %scan3A_3, %scan3A_4 : i32
    %scan3A_6 = arith.constant 1 : i32
    scf.for %scan3A_8 = %scan3A_3 to %scan3A_5 step %scan3A_6  : i32 {
      %mul3A_9 = arith.constant 160 : i32
      %mul3A_10 = arith.muli %scan3A_8, %mul3A_9 : i32
      %add3A_11 = arith.addi %mul3A_2, %mul3A_10 : i32
      "tpu.region"() ({
        %run_scoped3A = tpu.sem_alloc : memref<!tpu.dma_semaphore, #tpu.memory_space<semaphore_mem>>
        %dma_start3A_26 = tpu.memref_slice %arg2[%add3A_11] : memref<327680xi32, #tpu.memory_space<hbm>> -> memref<80xi32, #tpu.memory_space<hbm>>
        %dma_start3A_27 = tpu.memref_slice %arg2[%add3A_11] : memref<327680xi32, #tpu.memory_space<hbm>> -> memref<80xi32, #tpu.memory_space<hbm>>
        tpu.enqueue_dma source(%dma_start3A_27 : memref<80xi32, #tpu.memory_space<hbm>>) target(%arg5 : memref<80xi32, #tpu.memory_space<vmem>>) target_semaphore(%run_scoped3A : memref<!tpu.dma_semaphore, #tpu.memory_space<semaphore_mem>>)
        %dma_wait3A_28 = tpu.memref_slice %arg2[%add3A_11] : memref<327680xi32, #tpu.memory_space<hbm>> -> memref<80xi32, #tpu.memory_space<hbm>>
        %dma_wait3A_29 = tpu.memref_slice %arg2[%add3A_11] : memref<327680xi32, #tpu.memory_space<hbm>> -> memref<80xi32, #tpu.memory_space<hbm>>
        tpu.wait_dma2 semaphore(%run_scoped3A : memref<!tpu.dma_semaphore, #tpu.memory_space<semaphore_mem>>) src(%dma_wait3A_29 : memref<80xi32, #tpu.memory_space<hbm>>) dst(%arg5 : memref<80xi32, #tpu.memory_space<vmem>>)
        tpu.yield
      }) : () -> ()
      %add3A_12 = arith.constant 80 : i32
      %add3A_13 = arith.addi %add3A_11, %add3A_12 : i32
      "tpu.region"() ({
        %run_scoped3A = tpu.sem_alloc : memref<!tpu.dma_semaphore, #tpu.memory_space<semaphore_mem>>
        %dma_start3A_26 = tpu.memref_slice %arg2[%add3A_13] : memref<327680xi32, #tpu.memory_space<hbm>> -> memref<80xi32, #tpu.memory_space<hbm>>
        %dma_start3A_27 = tpu.memref_slice %arg2[%add3A_13] : memref<327680xi32, #tpu.memory_space<hbm>> -> memref<80xi32, #tpu.memory_space<hbm>>
        tpu.enqueue_dma source(%dma_start3A_27 : memref<80xi32, #tpu.memory_space<hbm>>) target(%arg6 : memref<80xi32, #tpu.memory_space<vmem>>) target_semaphore(%run_scoped3A : memref<!tpu.dma_semaphore, #tpu.memory_space<semaphore_mem>>)
        %dma_wait3A_28 = tpu.memref_slice %arg2[%add3A_13] : memref<327680xi32, #tpu.memory_space<hbm>> -> memref<80xi32, #tpu.memory_space<hbm>>
        %dma_wait3A_29 = tpu.memref_slice %arg2[%add3A_13] : memref<327680xi32, #tpu.memory_space<hbm>> -> memref<80xi32, #tpu.memory_space<hbm>>
        tpu.wait_dma2 semaphore(%run_scoped3A : memref<!tpu.dma_semaphore, #tpu.memory_space<semaphore_mem>>) src(%dma_wait3A_29 : memref<80xi32, #tpu.memory_space<hbm>>) dst(%arg6 : memref<80xi32, #tpu.memory_space<vmem>>)
        tpu.yield
      }) : () -> ()
      %dma_start3A = arith.constant 0 : i32
      %dma_start3A_14 = arith.constant 0 : i32
      %dma_start3A_15 = tpu.memref_slice %arg3[%dma_start3A, %dma_start3A_14] : memref<16384x128xf32, #tpu.memory_space<hbm>> -> memref<16384x128xf32, #tpu.memory_space<hbm>>
      tpu.enqueue_indirect_dma source(%dma_start3A_15 : memref<16384x128xf32, #tpu.memory_space<hbm>>) target(%arg7 : memref<80x128xf32, #tpu.memory_space<vmem>>) offsets(%arg5 : memref<80xi32, #tpu.memory_space<vmem>>) semaphore(%arg9 : memref<!tpu.dma_semaphore, #tpu.memory_space<semaphore_mem>>)
      %dma_start3A_16 = arith.constant 0 : i32
      %dma_start3A_17 = arith.constant 0 : i32
      %dma_start3A_18 = tpu.memref_slice %arg3[%dma_start3A_16, %dma_start3A_17] : memref<16384x128xf32, #tpu.memory_space<hbm>> -> memref<16384x128xf32, #tpu.memory_space<hbm>>
      tpu.enqueue_indirect_dma source(%dma_start3A_18 : memref<16384x128xf32, #tpu.memory_space<hbm>>) target(%arg8 : memref<80x128xf32, #tpu.memory_space<vmem>>) offsets(%arg6 : memref<80xi32, #tpu.memory_space<vmem>>) semaphore(%arg10 : memref<!tpu.dma_semaphore, #tpu.memory_space<semaphore_mem>>)
      %dma_wait3A = arith.constant 0 : i32
      %dma_wait3A_19 = arith.constant 0 : i32
      %dma_wait3A_20 = tpu.memref_slice %arg3[%dma_wait3A, %dma_wait3A_19] : memref<16384x128xf32, #tpu.memory_space<hbm>> -> memref<16384x128xf32, #tpu.memory_space<hbm>>
      tpu.wait_indirect_dma semaphore(%arg9 : memref<!tpu.dma_semaphore, #tpu.memory_space<semaphore_mem>>) src(%dma_wait3A_20 : memref<16384x128xf32, #tpu.memory_space<hbm>>) dst(%arg7 : memref<80x128xf32, #tpu.memory_space<vmem>>)
      %dma_wait3A_21 = arith.constant 0 : i32
      %dma_wait3A_22 = arith.constant 0 : i32
      %dma_wait3A_23 = tpu.memref_slice %arg3[%dma_wait3A_21, %dma_wait3A_22] : memref<16384x128xf32, #tpu.memory_space<hbm>> -> memref<16384x128xf32, #tpu.memory_space<hbm>>
      tpu.wait_indirect_dma semaphore(%arg10 : memref<!tpu.dma_semaphore, #tpu.memory_space<semaphore_mem>>) src(%dma_wait3A_23 : memref<16384x128xf32, #tpu.memory_space<hbm>>) dst(%arg8 : memref<80x128xf32, #tpu.memory_space<vmem>>)
      "tpu.region"() ({
        %run_scoped3A = tpu.sem_alloc : memref<!tpu.dma_semaphore, #tpu.memory_space<semaphore_mem>>
        %dma_start3A_26 = arith.constant 0 : i32
        %dma_start3A_27 = tpu.memref_slice %arg4[%add3A_11, %dma_start3A_26] : memref<327680x128xf32, #tpu.memory_space<hbm>> -> memref<80x128xf32, #tpu.memory_space<hbm>>
        %dma_start3A_28 = arith.constant 0 : i32
        %dma_start3A_29 = tpu.memref_slice %arg4[%add3A_11, %dma_start3A_28] : memref<327680x128xf32, #tpu.memory_space<hbm>> -> memref<80x128xf32, #tpu.memory_space<hbm>>
        tpu.enqueue_dma source(%arg7 : memref<80x128xf32, #tpu.memory_space<vmem>>) target(%dma_start3A_29 : memref<80x128xf32, #tpu.memory_space<hbm>>) target_semaphore(%run_scoped3A : memref<!tpu.dma_semaphore, #tpu.memory_space<semaphore_mem>>)
        %dma_wait3A_30 = arith.constant 0 : i32
        %dma_wait3A_31 = tpu.memref_slice %arg4[%add3A_11, %dma_wait3A_30] : memref<327680x128xf32, #tpu.memory_space<hbm>> -> memref<80x128xf32, #tpu.memory_space<hbm>>
        %dma_wait3A_32 = arith.constant 0 : i32
        %dma_wait3A_33 = tpu.memref_slice %arg4[%add3A_11, %dma_wait3A_32] : memref<327680x128xf32, #tpu.memory_space<hbm>> -> memref<80x128xf32, #tpu.memory_space<hbm>>
        tpu.wait_dma2 semaphore(%run_scoped3A : memref<!tpu.dma_semaphore, #tpu.memory_space<semaphore_mem>>) src(%arg7 : memref<80x128xf32, #tpu.memory_space<vmem>>) dst(%dma_wait3A_33 : memref<80x128xf32, #tpu.memory_space<hbm>>)
        tpu.yield
      }) : () -> ()
      %add3A_24 = arith.constant 80 : i32
      %add3A_25 = arith.addi %add3A_11, %add3A_24 : i32
      "tpu.region"() ({
        %run_scoped3A = tpu.sem_alloc : memref<!tpu.dma_semaphore, #tpu.memory_space<semaphore_mem>>
        %dma_start3A_26 = arith.constant 0 : i32
        %dma_start3A_27 = tpu.memref_slice %arg4[%add3A_25, %dma_start3A_26] : memref<327680x128xf32, #tpu.memory_space<hbm>> -> memref<80x128xf32, #tpu.memory_space<hbm>>
        %dma_start3A_28 = arith.constant 0 : i32
        %dma_start3A_29 = tpu.memref_slice %arg4[%add3A_25, %dma_start3A_28] : memref<327680x128xf32, #tpu.memory_space<hbm>> -> memref<80x128xf32, #tpu.memory_space<hbm>>
        tpu.enqueue_dma source(%arg8 : memref<80x128xf32, #tpu.memory_space<vmem>>) target(%dma_start3A_29 : memref<80x128xf32, #tpu.memory_space<hbm>>) target_semaphore(%run_scoped3A : memref<!tpu.dma_semaphore, #tpu.memory_space<semaphore_mem>>)
        %dma_wait3A_30 = arith.constant 0 : i32
        %dma_wait3A_31 = tpu.memref_slice %arg4[%add3A_25, %dma_wait3A_30] : memref<327680x128xf32, #tpu.memory_space<hbm>> -> memref<80x128xf32, #tpu.memory_space<hbm>>
        %dma_wait3A_32 = arith.constant 0 : i32
        %dma_wait3A_33 = tpu.memref_slice %arg4[%add3A_25, %dma_wait3A_32] : memref<327680x128xf32, #tpu.memory_space<hbm>> -> memref<80x128xf32, #tpu.memory_space<hbm>>
        tpu.wait_dma2 semaphore(%run_scoped3A : memref<!tpu.dma_semaphore, #tpu.memory_space<semaphore_mem>>) src(%arg8 : memref<80x128xf32, #tpu.memory_space<vmem>>) dst(%dma_wait3A_33 : memref<80x128xf32, #tpu.memory_space<hbm>>)
        tpu.yield
      }) : () -> ()
    }
    %scan3A_7 = arith.constant 64 : i32
    return
  }
}

#map = affine_map<(d0, d1) -> (0)>
#map1 = affine_map<(d0, d1) -> (0, 0)>
module attributes {stable_mosaic.version = 14 : i64} {
  func.func @_gather_body(%arg0: i32, %arg1: i32, %arg2: memref<327680xi32, #tpu.memory_space<hbm>>, %arg3: memref<16384x128xf32, #tpu.memory_space<hbm>>, %arg4: memref<327680x128xf32, #tpu.memory_space<hbm>>, %arg5: memref<80xi32, #tpu.memory_space<vmem>>, %arg6: memref<80xi32, #tpu.memory_space<vmem>>, %arg7: memref<80x128xf32, #tpu.memory_space<vmem>>, %arg8: memref<80x128xf32, #tpu.memory_space<vmem>>, %arg9: memref<!tpu.dma_semaphore, #tpu.memory_space<semaphore_mem>>, %arg10: memref<!tpu.dma_semaphore, #tpu.memory_space<semaphore_mem>>) attributes {dimension_semantics = [#tpu.dimension_semantics<core_parallel>, #tpu.dimension_semantics<subcore_parallel>], iteration_bounds = array<i64: 2, 16>, scalar_prefetch = 0 : i64, scratch_operands = 6 : i64, tpu.core_type = #tpu.core_type<sc_vector_subcore>, window_params = [{transform_indices = #map}, {transform_indices = #map1}, {transform_indices = #map1}]} {
    %mul3A = arith.constant 2 : i32
    %mul3A_0 = arith.muli %arg1, %mul3A : i32
    %add3A = arith.addi %mul3A_0, %arg0 : i32
    %mul3A_1 = arith.constant 10240 : i32
    %mul3A_2 = arith.muli %add3A, %mul3A_1 : i32
    %scan3A = arith.constant 0 : i32
    %scan3A_3 = arith.constant 0 : i32
    %scan3A_4 = arith.constant 64 : i32
    %scan3A_5 = arith.addi %scan3A_3, %scan3A_4 : i32
    %scan3A_6 = arith.constant 1 : i32
    scf.for %scan3A_8 = %scan3A_3 to %scan3A_5 step %scan3A_6  : i32 {
      %mul3A_9 = arith.constant 160 : i32
      %mul3A_10 = arith.muli %scan3A_8, %mul3A_9 : i32
      %add3A_11 = arith.addi %mul3A_2, %mul3A_10 : i32
      "tpu.region"() ({
        %run_scoped3A = tpu.sem_alloc : memref<!tpu.dma_semaphore, #tpu.memory_space<semaphore_mem>>
        %dma_start3A_26 = tpu.memref_slice %arg2[%add3A_11] : memref<327680xi32, #tpu.memory_space<hbm>> -> memref<80xi32, #tpu.memory_space<hbm>>
        %dma_start3A_27 = tpu.memref_slice %arg2[%add3A_11] : memref<327680xi32, #tpu.memory_space<hbm>> -> memref<80xi32, #tpu.memory_space<hbm>>
        tpu.enqueue_dma source(%dma_start3A_27 : memref<80xi32, #tpu.memory_space<hbm>>) target(%arg5 : memref<80xi32, #tpu.memory_space<vmem>>) target_semaphore(%run_scoped3A : memref<!tpu.dma_semaphore, #tpu.memory_space<semaphore_mem>>)
        %dma_wait3A_28 = tpu.memref_slice %arg2[%add3A_11] : memref<327680xi32, #tpu.memory_space<hbm>> -> memref<80xi32, #tpu.memory_space<hbm>>
        %dma_wait3A_29 = tpu.memref_slice %arg2[%add3A_11] : memref<327680xi32, #tpu.memory_space<hbm>> -> memref<80xi32, #tpu.memory_space<hbm>>
        tpu.wait_dma2 semaphore(%run_scoped3A : memref<!tpu.dma_semaphore, #tpu.memory_space<semaphore_mem>>) src(%dma_wait3A_29 : memref<80xi32, #tpu.memory_space<hbm>>) dst(%arg5 : memref<80xi32, #tpu.memory_space<vmem>>)
        tpu.yield
      }) : () -> ()
      %add3A_12 = arith.constant 80 : i32
      %add3A_13 = arith.addi %add3A_11, %add3A_12 : i32
      "tpu.region"() ({
        %run_scoped3A = tpu.sem_alloc : memref<!tpu.dma_semaphore, #tpu.memory_space<semaphore_mem>>
        %dma_start3A_26 = tpu.memref_slice %arg2[%add3A_13] : memref<327680xi32, #tpu.memory_space<hbm>> -> memref<80xi32, #tpu.memory_space<hbm>>
        %dma_start3A_27 = tpu.memref_slice %arg2[%add3A_13] : memref<327680xi32, #tpu.memory_space<hbm>> -> memref<80xi32, #tpu.memory_space<hbm>>
        tpu.enqueue_dma source(%dma_start3A_27 : memref<80xi32, #tpu.memory_space<hbm>>) target(%arg6 : memref<80xi32, #tpu.memory_space<vmem>>) target_semaphore(%run_scoped3A : memref<!tpu.dma_semaphore, #tpu.memory_space<semaphore_mem>>)
        %dma_wait3A_28 = tpu.memref_slice %arg2[%add3A_13] : memref<327680xi32, #tpu.memory_space<hbm>> -> memref<80xi32, #tpu.memory_space<hbm>>
        %dma_wait3A_29 = tpu.memref_slice %arg2[%add3A_13] : memref<327680xi32, #tpu.memory_space<hbm>> -> memref<80xi32, #tpu.memory_space<hbm>>
        tpu.wait_dma2 semaphore(%run_scoped3A : memref<!tpu.dma_semaphore, #tpu.memory_space<semaphore_mem>>) src(%dma_wait3A_29 : memref<80xi32, #tpu.memory_space<hbm>>) dst(%arg6 : memref<80xi32, #tpu.memory_space<vmem>>)
        tpu.yield
      }) : () -> ()
      %dma_start3A = arith.constant 0 : i32
      %dma_start3A_14 = arith.constant 0 : i32
      %dma_start3A_15 = tpu.memref_slice %arg3[%dma_start3A, %dma_start3A_14] : memref<16384x128xf32, #tpu.memory_space<hbm>> -> memref<16384x128xf32, #tpu.memory_space<hbm>>
      tpu.enqueue_indirect_dma source(%dma_start3A_15 : memref<16384x128xf32, #tpu.memory_space<hbm>>) target(%arg7 : memref<80x128xf32, #tpu.memory_space<vmem>>) offsets(%arg5 : memref<80xi32, #tpu.memory_space<vmem>>) semaphore(%arg9 : memref<!tpu.dma_semaphore, #tpu.memory_space<semaphore_mem>>)
      %dma_start3A_16 = arith.constant 0 : i32
      %dma_start3A_17 = arith.constant 0 : i32
      %dma_start3A_18 = tpu.memref_slice %arg3[%dma_start3A_16, %dma_start3A_17] : memref<16384x128xf32, #tpu.memory_space<hbm>> -> memref<16384x128xf32, #tpu.memory_space<hbm>>
      tpu.enqueue_indirect_dma source(%dma_start3A_18 : memref<16384x128xf32, #tpu.memory_space<hbm>>) target(%arg8 : memref<80x128xf32, #tpu.memory_space<vmem>>) offsets(%arg6 : memref<80xi32, #tpu.memory_space<vmem>>) semaphore(%arg10 : memref<!tpu.dma_semaphore, #tpu.memory_space<semaphore_mem>>)
      %dma_wait3A = arith.constant 0 : i32
      %dma_wait3A_19 = arith.constant 0 : i32
      %dma_wait3A_20 = tpu.memref_slice %arg3[%dma_wait3A, %dma_wait3A_19] : memref<16384x128xf32, #tpu.memory_space<hbm>> -> memref<16384x128xf32, #tpu.memory_space<hbm>>
      tpu.wait_indirect_dma semaphore(%arg9 : memref<!tpu.dma_semaphore, #tpu.memory_space<semaphore_mem>>) src(%dma_wait3A_20 : memref<16384x128xf32, #tpu.memory_space<hbm>>) dst(%arg7 : memref<80x128xf32, #tpu.memory_space<vmem>>)
      %dma_wait3A_21 = arith.constant 0 : i32
      %dma_wait3A_22 = arith.constant 0 : i32
      %dma_wait3A_23 = tpu.memref_slice %arg3[%dma_wait3A_21, %dma_wait3A_22] : memref<16384x128xf32, #tpu.memory_space<hbm>> -> memref<16384x128xf32, #tpu.memory_space<hbm>>
      tpu.wait_indirect_dma semaphore(%arg10 : memref<!tpu.dma_semaphore, #tpu.memory_space<semaphore_mem>>) src(%dma_wait3A_23 : memref<16384x128xf32, #tpu.memory_space<hbm>>) dst(%arg8 : memref<80x128xf32, #tpu.memory_space<vmem>>)
      "tpu.region"() ({
        %run_scoped3A = tpu.sem_alloc : memref<!tpu.dma_semaphore, #tpu.memory_space<semaphore_mem>>
        %dma_start3A_26 = arith.constant 0 : i32
        %dma_start3A_27 = tpu.memref_slice %arg4[%add3A_11, %dma_start3A_26] : memref<327680x128xf32, #tpu.memory_space<hbm>> -> memref<80x128xf32, #tpu.memory_space<hbm>>
        %dma_start3A_28 = arith.constant 0 : i32
        %dma_start3A_29 = tpu.memref_slice %arg4[%add3A_11, %dma_start3A_28] : memref<327680x128xf32, #tpu.memory_space<hbm>> -> memref<80x128xf32, #tpu.memory_space<hbm>>
        tpu.enqueue_dma source(%arg7 : memref<80x128xf32, #tpu.memory_space<vmem>>) target(%dma_start3A_29 : memref<80x128xf32, #tpu.memory_space<hbm>>) target_semaphore(%run_scoped3A : memref<!tpu.dma_semaphore, #tpu.memory_space<semaphore_mem>>)
        %dma_wait3A_30 = arith.constant 0 : i32
        %dma_wait3A_31 = tpu.memref_slice %arg4[%add3A_11, %dma_wait3A_30] : memref<327680x128xf32, #tpu.memory_space<hbm>> -> memref<80x128xf32, #tpu.memory_space<hbm>>
        %dma_wait3A_32 = arith.constant 0 : i32
        %dma_wait3A_33 = tpu.memref_slice %arg4[%add3A_11, %dma_wait3A_32] : memref<327680x128xf32, #tpu.memory_space<hbm>> -> memref<80x128xf32, #tpu.memory_space<hbm>>
        tpu.wait_dma2 semaphore(%run_scoped3A : memref<!tpu.dma_semaphore, #tpu.memory_space<semaphore_mem>>) src(%arg7 : memref<80x128xf32, #tpu.memory_space<vmem>>) dst(%dma_wait3A_33 : memref<80x128xf32, #tpu.memory_space<hbm>>)
        tpu.yield
      }) : () -> ()
      %add3A_24 = arith.constant 80 : i32
      %add3A_25 = arith.addi %add3A_11, %add3A_24 : i32
      "tpu.region"() ({
        %run_scoped3A = tpu.sem_alloc : memref<!tpu.dma_semaphore, #tpu.memory_space<semaphore_mem>>
        %dma_start3A_26 = arith.constant 0 : i32
        %dma_start3A_27 = tpu.memref_slice %arg4[%add3A_25, %dma_start3A_26] : memref<327680x128xf32, #tpu.memory_space<hbm>> -> memref<80x128xf32, #tpu.memory_space<hbm>>
        %dma_start3A_28 = arith.constant 0 : i32
        %dma_start3A_29 = tpu.memref_slice %arg4[%add3A_25, %dma_start3A_28] : memref<327680x128xf32, #tpu.memory_space<hbm>> -> memref<80x128xf32, #tpu.memory_space<hbm>>
        tpu.enqueue_dma source(%arg8 : memref<80x128xf32, #tpu.memory_space<vmem>>) target(%dma_start3A_29 : memref<80x128xf32, #tpu.memory_space<hbm>>) target_semaphore(%run_scoped3A : memref<!tpu.dma_semaphore, #tpu.memory_space<semaphore_mem>>)
        %dma_wait3A_30 = arith.constant 0 : i32
        %dma_wait3A_31 = tpu.memref_slice %arg4[%add3A_25, %dma_wait3A_30] : memref<327680x128xf32, #tpu.memory_space<hbm>> -> memref<80x128xf32, #tpu.memory_space<hbm>>
        %dma_wait3A_32 = arith.constant 0 : i32
        %dma_wait3A_33 = tpu.memref_slice %arg4[%add3A_25, %dma_wait3A_32] : memref<327680x128xf32, #tpu.memory_space<hbm>> -> memref<80x128xf32, #tpu.memory_space<hbm>>
        tpu.wait_dma2 semaphore(%run_scoped3A : memref<!tpu.dma_semaphore, #tpu.memory_space<semaphore_mem>>) src(%arg8 : memref<80x128xf32, #tpu.memory_space<vmem>>) dst(%dma_wait3A_33 : memref<80x128xf32, #tpu.memory_space<hbm>>)
        tpu.yield
      }) : () -> ()
    }
    %scan3A_7 = arith.constant 64 : i32
    return
  }
}

#map = affine_map<(d0, d1) -> (0)>
#map1 = affine_map<(d0, d1) -> (0, 0)>
module attributes {stable_mosaic.version = 14 : i64} {
  func.func @_gather_body(%arg0: i32, %arg1: i32, %arg2: memref<327680xi32, #tpu.memory_space<hbm>>, %arg3: memref<16384x128xf32, #tpu.memory_space<hbm>>, %arg4: memref<327680x128xf32, #tpu.memory_space<hbm>>, %arg5: memref<80xi32, #tpu.memory_space<vmem>>, %arg6: memref<80xi32, #tpu.memory_space<vmem>>, %arg7: memref<80x128xf32, #tpu.memory_space<vmem>>, %arg8: memref<80x128xf32, #tpu.memory_space<vmem>>, %arg9: memref<!tpu.dma_semaphore, #tpu.memory_space<semaphore_mem>>, %arg10: memref<!tpu.dma_semaphore, #tpu.memory_space<semaphore_mem>>) attributes {dimension_semantics = [#tpu.dimension_semantics<core_parallel>, #tpu.dimension_semantics<subcore_parallel>], iteration_bounds = array<i64: 2, 16>, scalar_prefetch = 0 : i64, scratch_operands = 6 : i64, tpu.core_type = #tpu.core_type<sc_vector_subcore>, window_params = [{transform_indices = #map}, {transform_indices = #map1}, {transform_indices = #map1}]} {
    %mul3A = arith.constant 2 : i32
    %mul3A_0 = arith.muli %arg1, %mul3A : i32
    %add3A = arith.addi %mul3A_0, %arg0 : i32
    %mul3A_1 = arith.constant 10240 : i32
    %mul3A_2 = arith.muli %add3A, %mul3A_1 : i32
    %scan3A = arith.constant 0 : i32
    %scan3A_3 = arith.constant 0 : i32
    %scan3A_4 = arith.constant 64 : i32
    %scan3A_5 = arith.addi %scan3A_3, %scan3A_4 : i32
    %scan3A_6 = arith.constant 1 : i32
    scf.for %scan3A_8 = %scan3A_3 to %scan3A_5 step %scan3A_6  : i32 {
      %mul3A_9 = arith.constant 160 : i32
      %mul3A_10 = arith.muli %scan3A_8, %mul3A_9 : i32
      %add3A_11 = arith.addi %mul3A_2, %mul3A_10 : i32
      "tpu.region"() ({
        %run_scoped3A = tpu.sem_alloc : memref<!tpu.dma_semaphore, #tpu.memory_space<semaphore_mem>>
        %dma_start3A_26 = tpu.memref_slice %arg2[%add3A_11] : memref<327680xi32, #tpu.memory_space<hbm>> -> memref<80xi32, #tpu.memory_space<hbm>>
        %dma_start3A_27 = tpu.memref_slice %arg2[%add3A_11] : memref<327680xi32, #tpu.memory_space<hbm>> -> memref<80xi32, #tpu.memory_space<hbm>>
        tpu.enqueue_dma source(%dma_start3A_27 : memref<80xi32, #tpu.memory_space<hbm>>) target(%arg5 : memref<80xi32, #tpu.memory_space<vmem>>) target_semaphore(%run_scoped3A : memref<!tpu.dma_semaphore, #tpu.memory_space<semaphore_mem>>)
        %dma_wait3A_28 = tpu.memref_slice %arg2[%add3A_11] : memref<327680xi32, #tpu.memory_space<hbm>> -> memref<80xi32, #tpu.memory_space<hbm>>
        %dma_wait3A_29 = tpu.memref_slice %arg2[%add3A_11] : memref<327680xi32, #tpu.memory_space<hbm>> -> memref<80xi32, #tpu.memory_space<hbm>>
        tpu.wait_dma2 semaphore(%run_scoped3A : memref<!tpu.dma_semaphore, #tpu.memory_space<semaphore_mem>>) src(%dma_wait3A_29 : memref<80xi32, #tpu.memory_space<hbm>>) dst(%arg5 : memref<80xi32, #tpu.memory_space<vmem>>)
        tpu.yield
      }) : () -> ()
      %add3A_12 = arith.constant 80 : i32
      %add3A_13 = arith.addi %add3A_11, %add3A_12 : i32
      "tpu.region"() ({
        %run_scoped3A = tpu.sem_alloc : memref<!tpu.dma_semaphore, #tpu.memory_space<semaphore_mem>>
        %dma_start3A_26 = tpu.memref_slice %arg2[%add3A_13] : memref<327680xi32, #tpu.memory_space<hbm>> -> memref<80xi32, #tpu.memory_space<hbm>>
        %dma_start3A_27 = tpu.memref_slice %arg2[%add3A_13] : memref<327680xi32, #tpu.memory_space<hbm>> -> memref<80xi32, #tpu.memory_space<hbm>>
        tpu.enqueue_dma source(%dma_start3A_27 : memref<80xi32, #tpu.memory_space<hbm>>) target(%arg6 : memref<80xi32, #tpu.memory_space<vmem>>) target_semaphore(%run_scoped3A : memref<!tpu.dma_semaphore, #tpu.memory_space<semaphore_mem>>)
        %dma_wait3A_28 = tpu.memref_slice %arg2[%add3A_13] : memref<327680xi32, #tpu.memory_space<hbm>> -> memref<80xi32, #tpu.memory_space<hbm>>
        %dma_wait3A_29 = tpu.memref_slice %arg2[%add3A_13] : memref<327680xi32, #tpu.memory_space<hbm>> -> memref<80xi32, #tpu.memory_space<hbm>>
        tpu.wait_dma2 semaphore(%run_scoped3A : memref<!tpu.dma_semaphore, #tpu.memory_space<semaphore_mem>>) src(%dma_wait3A_29 : memref<80xi32, #tpu.memory_space<hbm>>) dst(%arg6 : memref<80xi32, #tpu.memory_space<vmem>>)
        tpu.yield
      }) : () -> ()
      %dma_start3A = arith.constant 0 : i32
      %dma_start3A_14 = arith.constant 0 : i32
      %dma_start3A_15 = tpu.memref_slice %arg3[%dma_start3A, %dma_start3A_14] : memref<16384x128xf32, #tpu.memory_space<hbm>> -> memref<16384x128xf32, #tpu.memory_space<hbm>>
      tpu.enqueue_indirect_dma source(%dma_start3A_15 : memref<16384x128xf32, #tpu.memory_space<hbm>>) target(%arg7 : memref<80x128xf32, #tpu.memory_space<vmem>>) offsets(%arg5 : memref<80xi32, #tpu.memory_space<vmem>>) semaphore(%arg9 : memref<!tpu.dma_semaphore, #tpu.memory_space<semaphore_mem>>)
      %dma_start3A_16 = arith.constant 0 : i32
      %dma_start3A_17 = arith.constant 0 : i32
      %dma_start3A_18 = tpu.memref_slice %arg3[%dma_start3A_16, %dma_start3A_17] : memref<16384x128xf32, #tpu.memory_space<hbm>> -> memref<16384x128xf32, #tpu.memory_space<hbm>>
      tpu.enqueue_indirect_dma source(%dma_start3A_18 : memref<16384x128xf32, #tpu.memory_space<hbm>>) target(%arg8 : memref<80x128xf32, #tpu.memory_space<vmem>>) offsets(%arg6 : memref<80xi32, #tpu.memory_space<vmem>>) semaphore(%arg10 : memref<!tpu.dma_semaphore, #tpu.memory_space<semaphore_mem>>)
      %dma_wait3A = arith.constant 0 : i32
      %dma_wait3A_19 = arith.constant 0 : i32
      %dma_wait3A_20 = tpu.memref_slice %arg3[%dma_wait3A, %dma_wait3A_19] : memref<16384x128xf32, #tpu.memory_space<hbm>> -> memref<16384x128xf32, #tpu.memory_space<hbm>>
      tpu.wait_indirect_dma semaphore(%arg9 : memref<!tpu.dma_semaphore, #tpu.memory_space<semaphore_mem>>) src(%dma_wait3A_20 : memref<16384x128xf32, #tpu.memory_space<hbm>>) dst(%arg7 : memref<80x128xf32, #tpu.memory_space<vmem>>)
      %dma_wait3A_21 = arith.constant 0 : i32
      %dma_wait3A_22 = arith.constant 0 : i32
      %dma_wait3A_23 = tpu.memref_slice %arg3[%dma_wait3A_21, %dma_wait3A_22] : memref<16384x128xf32, #tpu.memory_space<hbm>> -> memref<16384x128xf32, #tpu.memory_space<hbm>>
      tpu.wait_indirect_dma semaphore(%arg10 : memref<!tpu.dma_semaphore, #tpu.memory_space<semaphore_mem>>) src(%dma_wait3A_23 : memref<16384x128xf32, #tpu.memory_space<hbm>>) dst(%arg8 : memref<80x128xf32, #tpu.memory_space<vmem>>)
      "tpu.region"() ({
        %run_scoped3A = tpu.sem_alloc : memref<!tpu.dma_semaphore, #tpu.memory_space<semaphore_mem>>
        %dma_start3A_26 = arith.constant 0 : i32
        %dma_start3A_27 = tpu.memref_slice %arg4[%add3A_11, %dma_start3A_26] : memref<327680x128xf32, #tpu.memory_space<hbm>> -> memref<80x128xf32, #tpu.memory_space<hbm>>
        %dma_start3A_28 = arith.constant 0 : i32
        %dma_start3A_29 = tpu.memref_slice %arg4[%add3A_11, %dma_start3A_28] : memref<327680x128xf32, #tpu.memory_space<hbm>> -> memref<80x128xf32, #tpu.memory_space<hbm>>
        tpu.enqueue_dma source(%arg7 : memref<80x128xf32, #tpu.memory_space<vmem>>) target(%dma_start3A_29 : memref<80x128xf32, #tpu.memory_space<hbm>>) target_semaphore(%run_scoped3A : memref<!tpu.dma_semaphore, #tpu.memory_space<semaphore_mem>>)
        %dma_wait3A_30 = arith.constant 0 : i32
        %dma_wait3A_31 = tpu.memref_slice %arg4[%add3A_11, %dma_wait3A_30] : memref<327680x128xf32, #tpu.memory_space<hbm>> -> memref<80x128xf32, #tpu.memory_space<hbm>>
        %dma_wait3A_32 = arith.constant 0 : i32
        %dma_wait3A_33 = tpu.memref_slice %arg4[%add3A_11, %dma_wait3A_32] : memref<327680x128xf32, #tpu.memory_space<hbm>> -> memref<80x128xf32, #tpu.memory_space<hbm>>
        tpu.wait_dma2 semaphore(%run_scoped3A : memref<!tpu.dma_semaphore, #tpu.memory_space<semaphore_mem>>) src(%arg7 : memref<80x128xf32, #tpu.memory_space<vmem>>) dst(%dma_wait3A_33 : memref<80x128xf32, #tpu.memory_space<hbm>>)
        tpu.yield
      }) : () -> ()
      %add3A_24 = arith.constant 80 : i32
      %add3A_25 = arith.addi %add3A_11, %add3A_24 : i32
      "tpu.region"() ({
        %run_scoped3A = tpu.sem_alloc : memref<!tpu.dma_semaphore, #tpu.memory_space<semaphore_mem>>
        %dma_start3A_26 = arith.constant 0 : i32
        %dma_start3A_27 = tpu.memref_slice %arg4[%add3A_25, %dma_start3A_26] : memref<327680x128xf32, #tpu.memory_space<hbm>> -> memref<80x128xf32, #tpu.memory_space<hbm>>
        %dma_start3A_28 = arith.constant 0 : i32
        %dma_start3A_29 = tpu.memref_slice %arg4[%add3A_25, %dma_start3A_28] : memref<327680x128xf32, #tpu.memory_space<hbm>> -> memref<80x128xf32, #tpu.memory_space<hbm>>
        tpu.enqueue_dma source(%arg8 : memref<80x128xf32, #tpu.memory_space<vmem>>) target(%dma_start3A_29 : memref<80x128xf32, #tpu.memory_space<hbm>>) target_semaphore(%run_scoped3A : memref<!tpu.dma_semaphore, #tpu.memory_space<semaphore_mem>>)
        %dma_wait3A_30 = arith.constant 0 : i32
        %dma_wait3A_31 = tpu.memref_slice %arg4[%add3A_25, %dma_wait3A_30] : memref<327680x128xf32, #tpu.memory_space<hbm>> -> memref<80x128xf32, #tpu.memory_space<hbm>>
        %dma_wait3A_32 = arith.constant 0 : i32
        %dma_wait3A_33 = tpu.memref_slice %arg4[%add3A_25, %dma_wait3A_32] : memref<327680x128xf32, #tpu.memory_space<hbm>> -> memref<80x128xf32, #tpu.memory_space<hbm>>
        tpu.wait_dma2 semaphore(%run_scoped3A : memref<!tpu.dma_semaphore, #tpu.memory_space<semaphore_mem>>) src(%arg8 : memref<80x128xf32, #tpu.memory_space<vmem>>) dst(%dma_wait3A_33 : memref<80x128xf32, #tpu.memory_space<hbm>>)
        tpu.yield
      }) : () -> ()
    }
    %scan3A_7 = arith.constant 64 : i32
    return
  }
}

module attributes {stable_mosaic.version = 14 : i64} {
  func.func @_knn_body(%arg0: i32, %arg1: i32, %arg2: memref<1x2048x3xf32, #tpu.memory_space<vmem>>, %arg3: memref<1x3x2048xf32, #tpu.memory_space<vmem>>, %arg4: memref<1x1x2048xf32, #tpu.memory_space<vmem>>, %arg5: memref<1x256x1xf32, #tpu.memory_space<vmem>>, %arg6: memref<1x256x20xi32, #tpu.memory_space<vmem>>, %arg7: memref<3x2048xbf16, #tpu.memory_space<vmem>>) attributes {dimension_semantics = [#tpu.dimension_semantics<arbitrary>, #tpu.dimension_semantics<arbitrary>], iteration_bounds = array<i64: 8, 8>, scalar_prefetch = 0 : i64, scratch_operands = 1 : i64, tpu.core_type = #tpu.core_type<tc>, window_params = [{transform_indices = @transform_0, window_bounds = array<i64: 1, 2048, 3>}, {transform_indices = @transform_1, window_bounds = array<i64: 1, 3, 2048>}, {transform_indices = @transform_2, window_bounds = array<i64: 1, 1, 2048>}, {transform_indices = @transform_3, window_bounds = array<i64: 1, 256, 1>}, {transform_indices = @transform_4, window_bounds = array<i64: 1, 256, 20>}]} {
    %eq3A = arith.constant 0 : i32
    %eq3A_0 = arith.cmpi eq, %arg1, %eq3A : i32
    %convert_element_type3A = arith.extui %eq3A_0 : i1 to i32
    %cond3A = arith.constant 0 : i32
    %cond3A_1 = arith.cmpi ne, %convert_element_type3A, %cond3A : i32
    scf.if %cond3A_1 {
      %get3A_348 = arith.constant 0 : index
      %get3A_349 = arith.constant 0 : index
      %get3A_350 = arith.constant 0 : index
      %get3A_351 = vector.load %arg3[%get3A_348, %get3A_349, %get3A_350] : memref<1x3x2048xf32, #tpu.memory_space<vmem>>, vector<1x3x2048xf32>
      %get3A_352 = vector.shape_cast %get3A_351 : vector<1x3x2048xf32> to vector<3x2048xf32>
      %convert_element_type3A_353 = arith.truncf %get3A_352 : vector<3x2048xf32> to vector<3x2048xbf16>
      %swap3A_354 = arith.constant 0 : index
      %swap3A_355 = arith.constant 0 : index
      %swap3A_356 = vector.load %arg7[%swap3A_354, %swap3A_355] : memref<3x2048xbf16, #tpu.memory_space<vmem>>, vector<3x2048xbf16>
      tpu.vector_store %arg7[%swap3A_354, %swap3A_355], %convert_element_type3A_353 {strides = array<i32>} : memref<3x2048xbf16, #tpu.memory_space<vmem>>, vector<3x2048xbf16>,
    } else {
    }
    %mul3A = arith.constant 256 : i32
    %mul3A_2 = arith.muli %arg1, %mul3A : i32
    %get3A = arith.constant 0 : index
    %get3A_3 = arith.index_cast %mul3A_2 : i32 to index
    %get3A_4 = arith.constant 0 : index
    %get3A_5 = vector.load %arg2[%get3A, %get3A_3, %get3A_4] : memref<1x2048x3xf32, #tpu.memory_space<vmem>>, vector<1x256x3xf32>
    %get3A_6 = vector.shape_cast %get3A_5 : vector<1x256x3xf32> to vector<256x3xf32>
    %convert_element_type3A_7 = arith.truncf %get3A_6 : vector<256x3xf32> to vector<256x3xbf16>
    %get3A_8 = arith.constant 0 : index
    %get3A_9 = arith.constant 0 : index
    %get3A_10 = vector.load %arg7[%get3A_8, %get3A_9] : memref<3x2048xbf16, #tpu.memory_space<vmem>>, vector<3x2048xbf16>
    %dot_general3A = arith.constant dense<0.000000e+00> : vector<256x2048xf32>
    %dot_general3A_11 = tpu.matmul %convert_element_type3A_7, %get3A_10, %dot_general3A {dimension_numbers = #tpu.dot_dimension_numbers<[1], [0], [0], [1], [0, 0, 1, 1], [], []>, transpose_lhs_hint = false} : vector<256x3xbf16>, vector<3x2048xbf16>, vector<256x2048xf32> -> vector<256x2048xf32>
    %get3A_12 = arith.constant 0 : index
    %get3A_13 = arith.constant 0 : index
    %get3A_14 = arith.constant 0 : index
    %get3A_15 = vector.load %arg4[%get3A_12, %get3A_13, %get3A_14] : memref<1x1x2048xf32, #tpu.memory_space<vmem>>, vector<1x1x2048xf32>
    %get3A_16 = vector.shape_cast %get3A_15 : vector<1x1x2048xf32> to vector<1x2048xf32>
    %neg3A = arith.constant 0.000000e+00 : f32
    %neg3A_17 = vector.broadcast %neg3A : f32 to vector<1x2048xf32>
    %neg3A_18 = arith.subf %neg3A_17, %get3A_16 : vector<1x2048xf32>
    %mul3A_19 = arith.constant -2.000000e+00 : f32
    %mul3A_20 = vector.broadcast %mul3A_19 : f32 to vector<256x2048xf32>
    %mul3A_21 = arith.mulf %mul3A_20, %dot_general3A_11 : vector<256x2048xf32>
    %sub3A = vector.broadcast %neg3A_18 : vector<1x2048xf32> to vector<256x2048xf32>
    %sub3A_22 = arith.subf %sub3A, %mul3A_21 : vector<256x2048xf32>
    %get3A_23 = arith.constant 0 : index
    %get3A_24 = arith.constant 0 : index
    %get3A_25 = arith.constant 0 : index
    %get3A_26 = vector.load %arg5[%get3A_23, %get3A_24, %get3A_25] : memref<1x256x1xf32, #tpu.memory_space<vmem>>, vector<1x256x1xf32>
    %get3A_27 = vector.shape_cast %get3A_26 : vector<1x256x1xf32> to vector<256x1xf32>
    %sub3A_28 = vector.broadcast %get3A_27 : vector<256x1xf32> to vector<256x2048xf32>
    %sub3A_29 = arith.subf %sub3A_22, %sub3A_28 : vector<256x2048xf32>
    %iota3A = tpu.iota {dimensions = array<i32: 1>} : vector<256x2048xi32>
    %reduce_max3A = arith.constant dense<0xFF800000> : vector<256xf32>
    %reduce_max3A_30 = vector.multi_reduction <maximumf>, %sub3A_29, %reduce_max3A [1] : vector<256x2048xf32> to vector<256xf32>
    %broadcast_in_dim3A = vector.shape_cast %reduce_max3A_30 : vector<256xf32> to vector<256x1xf32>
    %eq3A_31 = vector.broadcast %broadcast_in_dim3A : vector<256x1xf32> to vector<256x2048xf32>
    %eq3A_32 = arith.cmpf oeq, %sub3A_29, %eq3A_31 : vector<256x2048xf32>
    %jit3A = arith.constant 2048 : i32
    %broadcast_in_dim3A_33 = vector.broadcast %jit3A : i32 to vector<256x2048xi32>
    %select_n3A = arith.select %eq3A_32, %iota3A, %broadcast_in_dim3A_33 : vector<256x2048xi1>, vector<256x2048xi32>
    %reduce_min3A = arith.constant dense<2147483647> : vector<256xi32>
    %reduce_min3A_34 = vector.multi_reduction <minsi>, %select_n3A, %reduce_min3A [1] : vector<256x2048xi32> to vector<256xi32>
    %broadcast_in_dim3A_35 = vector.shape_cast %reduce_min3A_34 : vector<256xi32> to vector<256x1xi32>
    %eq3A_36 = vector.broadcast %broadcast_in_dim3A_35 : vector<256x1xi32> to vector<256x2048xi32>
    %eq3A_37 = arith.cmpi eq, %iota3A, %eq3A_36 : vector<256x2048xi32>
    %jit3A_38 = arith.constant 0xFF800000 : f32
    %broadcast_in_dim3A_39 = vector.broadcast %jit3A_38 : f32 to vector<256x2048xf32>
    %select_n3A_40 = arith.select %eq3A_37, %broadcast_in_dim3A_39, %sub3A_29 : vector<256x2048xi1>, vector<256x2048xf32>
    %reduce_max3A_41 = arith.constant dense<0xFF800000> : vector<256xf32>
    %reduce_max3A_42 = vector.multi_reduction <maximumf>, %select_n3A_40, %reduce_max3A_41 [1] : vector<256x2048xf32> to vector<256xf32>
    %broadcast_in_dim3A_43 = vector.shape_cast %reduce_max3A_42 : vector<256xf32> to vector<256x1xf32>
    %eq3A_44 = vector.broadcast %broadcast_in_dim3A_43 : vector<256x1xf32> to vector<256x2048xf32>
    %eq3A_45 = arith.cmpf oeq, %select_n3A_40, %eq3A_44 : vector<256x2048xf32>
    %jit3A_46 = arith.constant 2048 : i32
    %broadcast_in_dim3A_47 = vector.broadcast %jit3A_46 : i32 to vector<256x2048xi32>
    %select_n3A_48 = arith.select %eq3A_45, %iota3A, %broadcast_in_dim3A_47 : vector<256x2048xi1>, vector<256x2048xi32>
    %reduce_min3A_49 = arith.constant dense<2147483647> : vector<256xi32>
    %reduce_min3A_50 = vector.multi_reduction <minsi>, %select_n3A_48, %reduce_min3A_49 [1] : vector<256x2048xi32> to vector<256xi32>
    %broadcast_in_dim3A_51 = vector.shape_cast %reduce_min3A_50 : vector<256xi32> to vector<256x1xi32>
    %eq3A_52 = vector.broadcast %broadcast_in_dim3A_51 : vector<256x1xi32> to vector<256x2048xi32>
    %eq3A_53 = arith.cmpi eq, %iota3A, %eq3A_52 : vector<256x2048xi32>
    %jit3A_54 = arith.constant 0xFF800000 : f32
    %broadcast_in_dim3A_55 = vector.broadcast %jit3A_54 : f32 to vector<256x2048xf32>
    %select_n3A_56 = arith.select %eq3A_53, %broadcast_in_dim3A_55, %select_n3A_40 : vector<256x2048xi1>, vector<256x2048xf32>
    %reduce_max3A_57 = arith.constant dense<0xFF800000> : vector<256xf32>
    %reduce_max3A_58 = vector.multi_reduction <maximumf>, %select_n3A_56, %reduce_max3A_57 [1] : vector<256x2048xf32> to vector<256xf32>
    %broadcast_in_dim3A_59 = vector.shape_cast %reduce_max3A_58 : vector<256xf32> to vector<256x1xf32>
    %eq3A_60 = vector.broadcast %broadcast_in_dim3A_59 : vector<256x1xf32> to vector<256x2048xf32>
    %eq3A_61 = arith.cmpf oeq, %select_n3A_56, %eq3A_60 : vector<256x2048xf32>
    %jit3A_62 = arith.constant 2048 : i32
    %broadcast_in_dim3A_63 = vector.broadcast %jit3A_62 : i32 to vector<256x2048xi32>
    %select_n3A_64 = arith.select %eq3A_61, %iota3A, %broadcast_in_dim3A_63 : vector<256x2048xi1>, vector<256x2048xi32>
    %reduce_min3A_65 = arith.constant dense<2147483647> : vector<256xi32>
    %reduce_min3A_66 = vector.multi_reduction <minsi>, %select_n3A_64, %reduce_min3A_65 [1] : vector<256x2048xi32> to vector<256xi32>
    %broadcast_in_dim3A_67 = vector.shape_cast %reduce_min3A_66 : vector<256xi32> to vector<256x1xi32>
    %eq3A_68 = vector.broadcast %broadcast_in_dim3A_67 : vector<256x1xi32> to vector<256x2048xi32>
    %eq3A_69 = arith.cmpi eq, %iota3A, %eq3A_68 : vector<256x2048xi32>
    %jit3A_70 = arith.constant 0xFF800000 : f32
    %broadcast_in_dim3A_71 = vector.broadcast %jit3A_70 : f32 to vector<256x2048xf32>
    %select_n3A_72 = arith.select %eq3A_69, %broadcast_in_dim3A_71, %select_n3A_56 : vector<256x2048xi1>, vector<256x2048xf32>
    %reduce_max3A_73 = arith.constant dense<0xFF800000> : vector<256xf32>
    %reduce_max3A_74 = vector.multi_reduction <maximumf>, %select_n3A_72, %reduce_max3A_73 [1] : vector<256x2048xf32> to vector<256xf32>
    %broadcast_in_dim3A_75 = vector.shape_cast %reduce_max3A_74 : vector<256xf32> to vector<256x1xf32>
    %eq3A_76 = vector.broadcast %broadcast_in_dim3A_75 : vector<256x1xf32> to vector<256x2048xf32>
    %eq3A_77 = arith.cmpf oeq, %select_n3A_72, %eq3A_76 : vector<256x2048xf32>
    %jit3A_78 = arith.constant 2048 : i32
    %broadcast_in_dim3A_79 = vector.broadcast %jit3A_78 : i32 to vector<256x2048xi32>
    %select_n3A_80 = arith.select %eq3A_77, %iota3A, %broadcast_in_dim3A_79 : vector<256x2048xi1>, vector<256x2048xi32>
    %reduce_min3A_81 = arith.constant dense<2147483647> : vector<256xi32>
    %reduce_min3A_82 = vector.multi_reduction <minsi>, %select_n3A_80, %reduce_min3A_81 [1] : vector<256x2048xi32> to vector<256xi32>
    %broadcast_in_dim3A_83 = vector.shape_cast %reduce_min3A_82 : vector<256xi32> to vector<256x1xi32>
    %eq3A_84 = vector.broadcast %broadcast_in_dim3A_83 : vector<256x1xi32> to vector<256x2048xi32>
    %eq3A_85 = arith.cmpi eq, %iota3A, %eq3A_84 : vector<256x2048xi32>
    %jit3A_86 = arith.constant 0xFF800000 : f32
    %broadcast_in_dim3A_87 = vector.broadcast %jit3A_86 : f32 to vector<256x2048xf32>
    %select_n3A_88 = arith.select %eq3A_85, %broadcast_in_dim3A_87, %select_n3A_72 : vector<256x2048xi1>, vector<256x2048xf32>
    %reduce_max3A_89 = arith.constant dense<0xFF800000> : vector<256xf32>
    %reduce_max3A_90 = vector.multi_reduction <maximumf>, %select_n3A_88, %reduce_max3A_89 [1] : vector<256x2048xf32> to vector<256xf32>
    %broadcast_in_dim3A_91 = vector.shape_cast %reduce_max3A_90 : vector<256xf32> to vector<256x1xf32>
    %eq3A_92 = vector.broadcast %broadcast_in_dim3A_91 : vector<256x1xf32> to vector<256x2048xf32>
    %eq3A_93 = arith.cmpf oeq, %select_n3A_88, %eq3A_92 : vector<256x2048xf32>
    %jit3A_94 = arith.constant 2048 : i32
    %broadcast_in_dim3A_95 = vector.broadcast %jit3A_94 : i32 to vector<256x2048xi32>
    %select_n3A_96 = arith.select %eq3A_93, %iota3A, %broadcast_in_dim3A_95 : vector<256x2048xi1>, vector<256x2048xi32>
    %reduce_min3A_97 = arith.constant dense<2147483647> : vector<256xi32>
    %reduce_min3A_98 = vector.multi_reduction <minsi>, %select_n3A_96, %reduce_min3A_97 [1] : vector<256x2048xi32> to vector<256xi32>
    %broadcast_in_dim3A_99 = vector.shape_cast %reduce_min3A_98 : vector<256xi32> to vector<256x1xi32>
    %eq3A_100 = vector.broadcast %broadcast_in_dim3A_99 : vector<256x1xi32> to vector<256x2048xi32>
    %eq3A_101 = arith.cmpi eq, %iota3A, %eq3A_100 : vector<256x2048xi32>
    %jit3A_102 = arith.constant 0xFF800000 : f32
    %broadcast_in_dim3A_103 = vector.broadcast %jit3A_102 : f32 to vector<256x2048xf32>
    %select_n3A_104 = arith.select %eq3A_101, %broadcast_in_dim3A_103, %select_n3A_88 : vector<256x2048xi1>, vector<256x2048xf32>
    %reduce_max3A_105 = arith.constant dense<0xFF800000> : vector<256xf32>
    %reduce_max3A_106 = vector.multi_reduction <maximumf>, %select_n3A_104, %reduce_max3A_105 [1] : vector<256x2048xf32> to vector<256xf32>
    %broadcast_in_dim3A_107 = vector.shape_cast %reduce_max3A_106 : vector<256xf32> to vector<256x1xf32>
    %eq3A_108 = vector.broadcast %broadcast_in_dim3A_107 : vector<256x1xf32> to vector<256x2048xf32>
    %eq3A_109 = arith.cmpf oeq, %select_n3A_104, %eq3A_108 : vector<256x2048xf32>
    %jit3A_110 = arith.constant 2048 : i32
    %broadcast_in_dim3A_111 = vector.broadcast %jit3A_110 : i32 to vector<256x2048xi32>
    %select_n3A_112 = arith.select %eq3A_109, %iota3A, %broadcast_in_dim3A_111 : vector<256x2048xi1>, vector<256x2048xi32>
    %reduce_min3A_113 = arith.constant dense<2147483647> : vector<256xi32>
    %reduce_min3A_114 = vector.multi_reduction <minsi>, %select_n3A_112, %reduce_min3A_113 [1] : vector<256x2048xi32> to vector<256xi32>
    %broadcast_in_dim3A_115 = vector.shape_cast %reduce_min3A_114 : vector<256xi32> to vector<256x1xi32>
    %eq3A_116 = vector.broadcast %broadcast_in_dim3A_115 : vector<256x1xi32> to vector<256x2048xi32>
    %eq3A_117 = arith.cmpi eq, %iota3A, %eq3A_116 : vector<256x2048xi32>
    %jit3A_118 = arith.constant 0xFF800000 : f32
    %broadcast_in_dim3A_119 = vector.broadcast %jit3A_118 : f32 to vector<256x2048xf32>
    %select_n3A_120 = arith.select %eq3A_117, %broadcast_in_dim3A_119, %select_n3A_104 : vector<256x2048xi1>, vector<256x2048xf32>
    %reduce_max3A_121 = arith.constant dense<0xFF800000> : vector<256xf32>
    %reduce_max3A_122 = vector.multi_reduction <maximumf>, %select_n3A_120, %reduce_max3A_121 [1] : vector<256x2048xf32> to vector<256xf32>
    %broadcast_in_dim3A_123 = vector.shape_cast %reduce_max3A_122 : vector<256xf32> to vector<256x1xf32>
    %eq3A_124 = vector.broadcast %broadcast_in_dim3A_123 : vector<256x1xf32> to vector<256x2048xf32>
    %eq3A_125 = arith.cmpf oeq, %select_n3A_120, %eq3A_124 : vector<256x2048xf32>
    %jit3A_126 = arith.constant 2048 : i32
    %broadcast_in_dim3A_127 = vector.broadcast %jit3A_126 : i32 to vector<256x2048xi32>
    %select_n3A_128 = arith.select %eq3A_125, %iota3A, %broadcast_in_dim3A_127 : vector<256x2048xi1>, vector<256x2048xi32>
    %reduce_min3A_129 = arith.constant dense<2147483647> : vector<256xi32>
    %reduce_min3A_130 = vector.multi_reduction <minsi>, %select_n3A_128, %reduce_min3A_129 [1] : vector<256x2048xi32> to vector<256xi32>
    %broadcast_in_dim3A_131 = vector.shape_cast %reduce_min3A_130 : vector<256xi32> to vector<256x1xi32>
    %eq3A_132 = vector.broadcast %broadcast_in_dim3A_131 : vector<256x1xi32> to vector<256x2048xi32>
    %eq3A_133 = arith.cmpi eq, %iota3A, %eq3A_132 : vector<256x2048xi32>
    %jit3A_134 = arith.constant 0xFF800000 : f32
    %broadcast_in_dim3A_135 = vector.broadcast %jit3A_134 : f32 to vector<256x2048xf32>
    %select_n3A_136 = arith.select %eq3A_133, %broadcast_in_dim3A_135, %select_n3A_120 : vector<256x2048xi1>, vector<256x2048xf32>
    %reduce_max3A_137 = arith.constant dense<0xFF800000> : vector<256xf32>
    %reduce_max3A_138 = vector.multi_reduction <maximumf>, %select_n3A_136, %reduce_max3A_137 [1] : vector<256x2048xf32> to vector<256xf32>
    %broadcast_in_dim3A_139 = vector.shape_cast %reduce_max3A_138 : vector<256xf32> to vector<256x1xf32>
    %eq3A_140 = vector.broadcast %broadcast_in_dim3A_139 : vector<256x1xf32> to vector<256x2048xf32>
    %eq3A_141 = arith.cmpf oeq, %select_n3A_136, %eq3A_140 : vector<256x2048xf32>
    %jit3A_142 = arith.constant 2048 : i32
    %broadcast_in_dim3A_143 = vector.broadcast %jit3A_142 : i32 to vector<256x2048xi32>
    %select_n3A_144 = arith.select %eq3A_141, %iota3A, %broadcast_in_dim3A_143 : vector<256x2048xi1>, vector<256x2048xi32>
    %reduce_min3A_145 = arith.constant dense<2147483647> : vector<256xi32>
    %reduce_min3A_146 = vector.multi_reduction <minsi>, %select_n3A_144, %reduce_min3A_145 [1] : vector<256x2048xi32> to vector<256xi32>
    %broadcast_in_dim3A_147 = vector.shape_cast %reduce_min3A_146 : vector<256xi32> to vector<256x1xi32>
    %eq3A_148 = vector.broadcast %broadcast_in_dim3A_147 : vector<256x1xi32> to vector<256x2048xi32>
    %eq3A_149 = arith.cmpi eq, %iota3A, %eq3A_148 : vector<256x2048xi32>
    %jit3A_150 = arith.constant 0xFF800000 : f32
    %broadcast_in_dim3A_151 = vector.broadcast %jit3A_150 : f32 to vector<256x2048xf32>
    %select_n3A_152 = arith.select %eq3A_149, %broadcast_in_dim3A_151, %select_n3A_136 : vector<256x2048xi1>, vector<256x2048xf32>
    %reduce_max3A_153 = arith.constant dense<0xFF800000> : vector<256xf32>
    %reduce_max3A_154 = vector.multi_reduction <maximumf>, %select_n3A_152, %reduce_max3A_153 [1] : vector<256x2048xf32> to vector<256xf32>
    %broadcast_in_dim3A_155 = vector.shape_cast %reduce_max3A_154 : vector<256xf32> to vector<256x1xf32>
    %eq3A_156 = vector.broadcast %broadcast_in_dim3A_155 : vector<256x1xf32> to vector<256x2048xf32>
    %eq3A_157 = arith.cmpf oeq, %select_n3A_152, %eq3A_156 : vector<256x2048xf32>
    %jit3A_158 = arith.constant 2048 : i32
    %broadcast_in_dim3A_159 = vector.broadcast %jit3A_158 : i32 to vector<256x2048xi32>
    %select_n3A_160 = arith.select %eq3A_157, %iota3A, %broadcast_in_dim3A_159 : vector<256x2048xi1>, vector<256x2048xi32>
    %reduce_min3A_161 = arith.constant dense<2147483647> : vector<256xi32>
    %reduce_min3A_162 = vector.multi_reduction <minsi>, %select_n3A_160, %reduce_min3A_161 [1] : vector<256x2048xi32> to vector<256xi32>
    %broadcast_in_dim3A_163 = vector.shape_cast %reduce_min3A_162 : vector<256xi32> to vector<256x1xi32>
    %eq3A_164 = vector.broadcast %broadcast_in_dim3A_163 : vector<256x1xi32> to vector<256x2048xi32>
    %eq3A_165 = arith.cmpi eq, %iota3A, %eq3A_164 : vector<256x2048xi32>
    %jit3A_166 = arith.constant 0xFF800000 : f32
    %broadcast_in_dim3A_167 = vector.broadcast %jit3A_166 : f32 to vector<256x2048xf32>
    %select_n3A_168 = arith.select %eq3A_165, %broadcast_in_dim3A_167, %select_n3A_152 : vector<256x2048xi1>, vector<256x2048xf32>
    %reduce_max3A_169 = arith.constant dense<0xFF800000> : vector<256xf32>
    %reduce_max3A_170 = vector.multi_reduction <maximumf>, %select_n3A_168, %reduce_max3A_169 [1] : vector<256x2048xf32> to vector<256xf32>
    %broadcast_in_dim3A_171 = vector.shape_cast %reduce_max3A_170 : vector<256xf32> to vector<256x1xf32>
    %eq3A_172 = vector.broadcast %broadcast_in_dim3A_171 : vector<256x1xf32> to vector<256x2048xf32>
    %eq3A_173 = arith.cmpf oeq, %select_n3A_168, %eq3A_172 : vector<256x2048xf32>
    %jit3A_174 = arith.constant 2048 : i32
    %broadcast_in_dim3A_175 = vector.broadcast %jit3A_174 : i32 to vector<256x2048xi32>
    %select_n3A_176 = arith.select %eq3A_173, %iota3A, %broadcast_in_dim3A_175 : vector<256x2048xi1>, vector<256x2048xi32>
    %reduce_min3A_177 = arith.constant dense<2147483647> : vector<256xi32>
    %reduce_min3A_178 = vector.multi_reduction <minsi>, %select_n3A_176, %reduce_min3A_177 [1] : vector<256x2048xi32> to vector<256xi32>
    %broadcast_in_dim3A_179 = vector.shape_cast %reduce_min3A_178 : vector<256xi32> to vector<256x1xi32>
    %eq3A_180 = vector.broadcast %broadcast_in_dim3A_179 : vector<256x1xi32> to vector<256x2048xi32>
    %eq3A_181 = arith.cmpi eq, %iota3A, %eq3A_180 : vector<256x2048xi32>
    %jit3A_182 = arith.constant 0xFF800000 : f32
    %broadcast_in_dim3A_183 = vector.broadcast %jit3A_182 : f32 to vector<256x2048xf32>
    %select_n3A_184 = arith.select %eq3A_181, %broadcast_in_dim3A_183, %select_n3A_168 : vector<256x2048xi1>, vector<256x2048xf32>
    %reduce_max3A_185 = arith.constant dense<0xFF800000> : vector<256xf32>
    %reduce_max3A_186 = vector.multi_reduction <maximumf>, %select_n3A_184, %reduce_max3A_185 [1] : vector<256x2048xf32> to vector<256xf32>
    %broadcast_in_dim3A_187 = vector.shape_cast %reduce_max3A_186 : vector<256xf32> to vector<256x1xf32>
    %eq3A_188 = vector.broadcast %broadcast_in_dim3A_187 : vector<256x1xf32> to vector<256x2048xf32>
    %eq3A_189 = arith.cmpf oeq, %select_n3A_184, %eq3A_188 : vector<256x2048xf32>
    %jit3A_190 = arith.constant 2048 : i32
    %broadcast_in_dim3A_191 = vector.broadcast %jit3A_190 : i32 to vector<256x2048xi32>
    %select_n3A_192 = arith.select %eq3A_189, %iota3A, %broadcast_in_dim3A_191 : vector<256x2048xi1>, vector<256x2048xi32>
    %reduce_min3A_193 = arith.constant dense<2147483647> : vector<256xi32>
    %reduce_min3A_194 = vector.multi_reduction <minsi>, %select_n3A_192, %reduce_min3A_193 [1] : vector<256x2048xi32> to vector<256xi32>
    %broadcast_in_dim3A_195 = vector.shape_cast %reduce_min3A_194 : vector<256xi32> to vector<256x1xi32>
    %eq3A_196 = vector.broadcast %broadcast_in_dim3A_195 : vector<256x1xi32> to vector<256x2048xi32>
    %eq3A_197 = arith.cmpi eq, %iota3A, %eq3A_196 : vector<256x2048xi32>
    %jit3A_198 = arith.constant 0xFF800000 : f32
    %broadcast_in_dim3A_199 = vector.broadcast %jit3A_198 : f32 to vector<256x2048xf32>
    %select_n3A_200 = arith.select %eq3A_197, %broadcast_in_dim3A_199, %select_n3A_184 : vector<256x2048xi1>, vector<256x2048xf32>
    %reduce_max3A_201 = arith.constant dense<0xFF800000> : vector<256xf32>
    %reduce_max3A_202 = vector.multi_reduction <maximumf>, %select_n3A_200, %reduce_max3A_201 [1] : vector<256x2048xf32> to vector<256xf32>
    %broadcast_in_dim3A_203 = vector.shape_cast %reduce_max3A_202 : vector<256xf32> to vector<256x1xf32>
    %eq3A_204 = vector.broadcast %broadcast_in_dim3A_203 : vector<256x1xf32> to vector<256x2048xf32>
    %eq3A_205 = arith.cmpf oeq, %select_n3A_200, %eq3A_204 : vector<256x2048xf32>
    %jit3A_206 = arith.constant 2048 : i32
    %broadcast_in_dim3A_207 = vector.broadcast %jit3A_206 : i32 to vector<256x2048xi32>
    %select_n3A_208 = arith.select %eq3A_205, %iota3A, %broadcast_in_dim3A_207 : vector<256x2048xi1>, vector<256x2048xi32>
    %reduce_min3A_209 = arith.constant dense<2147483647> : vector<256xi32>
    %reduce_min3A_210 = vector.multi_reduction <minsi>, %select_n3A_208, %reduce_min3A_209 [1] : vector<256x2048xi32> to vector<256xi32>
    %broadcast_in_dim3A_211 = vector.shape_cast %reduce_min3A_210 : vector<256xi32> to vector<256x1xi32>
    %eq3A_212 = vector.broadcast %broadcast_in_dim3A_211 : vector<256x1xi32> to vector<256x2048xi32>
    %eq3A_213 = arith.cmpi eq, %iota3A, %eq3A_212 : vector<256x2048xi32>
    %jit3A_214 = arith.constant 0xFF800000 : f32
    %broadcast_in_dim3A_215 = vector.broadcast %jit3A_214 : f32 to vector<256x2048xf32>
    %select_n3A_216 = arith.select %eq3A_213, %broadcast_in_dim3A_215, %select_n3A_200 : vector<256x2048xi1>, vector<256x2048xf32>
    %reduce_max3A_217 = arith.constant dense<0xFF800000> : vector<256xf32>
    %reduce_max3A_218 = vector.multi_reduction <maximumf>, %select_n3A_216, %reduce_max3A_217 [1] : vector<256x2048xf32> to vector<256xf32>
    %broadcast_in_dim3A_219 = vector.shape_cast %reduce_max3A_218 : vector<256xf32> to vector<256x1xf32>
    %eq3A_220 = vector.broadcast %broadcast_in_dim3A_219 : vector<256x1xf32> to vector<256x2048xf32>
    %eq3A_221 = arith.cmpf oeq, %select_n3A_216, %eq3A_220 : vector<256x2048xf32>
    %jit3A_222 = arith.constant 2048 : i32
    %broadcast_in_dim3A_223 = vector.broadcast %jit3A_222 : i32 to vector<256x2048xi32>
    %select_n3A_224 = arith.select %eq3A_221, %iota3A, %broadcast_in_dim3A_223 : vector<256x2048xi1>, vector<256x2048xi32>
    %reduce_min3A_225 = arith.constant dense<2147483647> : vector<256xi32>
    %reduce_min3A_226 = vector.multi_reduction <minsi>, %select_n3A_224, %reduce_min3A_225 [1] : vector<256x2048xi32> to vector<256xi32>
    %broadcast_in_dim3A_227 = vector.shape_cast %reduce_min3A_226 : vector<256xi32> to vector<256x1xi32>
    %eq3A_228 = vector.broadcast %broadcast_in_dim3A_227 : vector<256x1xi32> to vector<256x2048xi32>
    %eq3A_229 = arith.cmpi eq, %iota3A, %eq3A_228 : vector<256x2048xi32>
    %jit3A_230 = arith.constant 0xFF800000 : f32
    %broadcast_in_dim3A_231 = vector.broadcast %jit3A_230 : f32 to vector<256x2048xf32>
    %select_n3A_232 = arith.select %eq3A_229, %broadcast_in_dim3A_231, %select_n3A_216 : vector<256x2048xi1>, vector<256x2048xf32>
    %reduce_max3A_233 = arith.constant dense<0xFF800000> : vector<256xf32>
    %reduce_max3A_234 = vector.multi_reduction <maximumf>, %select_n3A_232, %reduce_max3A_233 [1] : vector<256x2048xf32> to vector<256xf32>
    %broadcast_in_dim3A_235 = vector.shape_cast %reduce_max3A_234 : vector<256xf32> to vector<256x1xf32>
    %eq3A_236 = vector.broadcast %broadcast_in_dim3A_235 : vector<256x1xf32> to vector<256x2048xf32>
    %eq3A_237 = arith.cmpf oeq, %select_n3A_232, %eq3A_236 : vector<256x2048xf32>
    %jit3A_238 = arith.constant 2048 : i32
    %broadcast_in_dim3A_239 = vector.broadcast %jit3A_238 : i32 to vector<256x2048xi32>
    %select_n3A_240 = arith.select %eq3A_237, %iota3A, %broadcast_in_dim3A_239 : vector<256x2048xi1>, vector<256x2048xi32>
    %reduce_min3A_241 = arith.constant dense<2147483647> : vector<256xi32>
    %reduce_min3A_242 = vector.multi_reduction <minsi>, %select_n3A_240, %reduce_min3A_241 [1] : vector<256x2048xi32> to vector<256xi32>
    %broadcast_in_dim3A_243 = vector.shape_cast %reduce_min3A_242 : vector<256xi32> to vector<256x1xi32>
    %eq3A_244 = vector.broadcast %broadcast_in_dim3A_243 : vector<256x1xi32> to vector<256x2048xi32>
    %eq3A_245 = arith.cmpi eq, %iota3A, %eq3A_244 : vector<256x2048xi32>
    %jit3A_246 = arith.constant 0xFF800000 : f32
    %broadcast_in_dim3A_247 = vector.broadcast %jit3A_246 : f32 to vector<256x2048xf32>
    %select_n3A_248 = arith.select %eq3A_245, %broadcast_in_dim3A_247, %select_n3A_232 : vector<256x2048xi1>, vector<256x2048xf32>
    %reduce_max3A_249 = arith.constant dense<0xFF800000> : vector<256xf32>
    %reduce_max3A_250 = vector.multi_reduction <maximumf>, %select_n3A_248, %reduce_max3A_249 [1] : vector<256x2048xf32> to vector<256xf32>
    %broadcast_in_dim3A_251 = vector.shape_cast %reduce_max3A_250 : vector<256xf32> to vector<256x1xf32>
    %eq3A_252 = vector.broadcast %broadcast_in_dim3A_251 : vector<256x1xf32> to vector<256x2048xf32>
    %eq3A_253 = arith.cmpf oeq, %select_n3A_248, %eq3A_252 : vector<256x2048xf32>
    %jit3A_254 = arith.constant 2048 : i32
    %broadcast_in_dim3A_255 = vector.broadcast %jit3A_254 : i32 to vector<256x2048xi32>
    %select_n3A_256 = arith.select %eq3A_253, %iota3A, %broadcast_in_dim3A_255 : vector<256x2048xi1>, vector<256x2048xi32>
    %reduce_min3A_257 = arith.constant dense<2147483647> : vector<256xi32>
    %reduce_min3A_258 = vector.multi_reduction <minsi>, %select_n3A_256, %reduce_min3A_257 [1] : vector<256x2048xi32> to vector<256xi32>
    %broadcast_in_dim3A_259 = vector.shape_cast %reduce_min3A_258 : vector<256xi32> to vector<256x1xi32>
    %eq3A_260 = vector.broadcast %broadcast_in_dim3A_259 : vector<256x1xi32> to vector<256x2048xi32>
    %eq3A_261 = arith.cmpi eq, %iota3A, %eq3A_260 : vector<256x2048xi32>
    %jit3A_262 = arith.constant 0xFF800000 : f32
    %broadcast_in_dim3A_263 = vector.broadcast %jit3A_262 : f32 to vector<256x2048xf32>
    %select_n3A_264 = arith.select %eq3A_261, %broadcast_in_dim3A_263, %select_n3A_248 : vector<256x2048xi1>, vector<256x2048xf32>
    %reduce_max3A_265 = arith.constant dense<0xFF800000> : vector<256xf32>
    %reduce_max3A_266 = vector.multi_reduction <maximumf>, %select_n3A_264, %reduce_max3A_265 [1] : vector<256x2048xf32> to vector<256xf32>
    %broadcast_in_dim3A_267 = vector.shape_cast %reduce_max3A_266 : vector<256xf32> to vector<256x1xf32>
    %eq3A_268 = vector.broadcast %broadcast_in_dim3A_267 : vector<256x1xf32> to vector<256x2048xf32>
    %eq3A_269 = arith.cmpf oeq, %select_n3A_264, %eq3A_268 : vector<256x2048xf32>
    %jit3A_270 = arith.constant 2048 : i32
    %broadcast_in_dim3A_271 = vector.broadcast %jit3A_270 : i32 to vector<256x2048xi32>
    %select_n3A_272 = arith.select %eq3A_269, %iota3A, %broadcast_in_dim3A_271 : vector<256x2048xi1>, vector<256x2048xi32>
    %reduce_min3A_273 = arith.constant dense<2147483647> : vector<256xi32>
    %reduce_min3A_274 = vector.multi_reduction <minsi>, %select_n3A_272, %reduce_min3A_273 [1] : vector<256x2048xi32> to vector<256xi32>
    %broadcast_in_dim3A_275 = vector.shape_cast %reduce_min3A_274 : vector<256xi32> to vector<256x1xi32>
    %eq3A_276 = vector.broadcast %broadcast_in_dim3A_275 : vector<256x1xi32> to vector<256x2048xi32>
    %eq3A_277 = arith.cmpi eq, %iota3A, %eq3A_276 : vector<256x2048xi32>
    %jit3A_278 = arith.constant 0xFF800000 : f32
    %broadcast_in_dim3A_279 = vector.broadcast %jit3A_278 : f32 to vector<256x2048xf32>
    %select_n3A_280 = arith.select %eq3A_277, %broadcast_in_dim3A_279, %select_n3A_264 : vector<256x2048xi1>, vector<256x2048xf32>
    %reduce_max3A_281 = arith.constant dense<0xFF800000> : vector<256xf32>
    %reduce_max3A_282 = vector.multi_reduction <maximumf>, %select_n3A_280, %reduce_max3A_281 [1] : vector<256x2048xf32> to vector<256xf32>
    %broadcast_in_dim3A_283 = vector.shape_cast %reduce_max3A_282 : vector<256xf32> to vector<256x1xf32>
    %eq3A_284 = vector.broadcast %broadcast_in_dim3A_283 : vector<256x1xf32> to vector<256x2048xf32>
    %eq3A_285 = arith.cmpf oeq, %select_n3A_280, %eq3A_284 : vector<256x2048xf32>
    %jit3A_286 = arith.constant 2048 : i32
    %broadcast_in_dim3A_287 = vector.broadcast %jit3A_286 : i32 to vector<256x2048xi32>
    %select_n3A_288 = arith.select %eq3A_285, %iota3A, %broadcast_in_dim3A_287 : vector<256x2048xi1>, vector<256x2048xi32>
    %reduce_min3A_289 = arith.constant dense<2147483647> : vector<256xi32>
    %reduce_min3A_290 = vector.multi_reduction <minsi>, %select_n3A_288, %reduce_min3A_289 [1] : vector<256x2048xi32> to vector<256xi32>
    %broadcast_in_dim3A_291 = vector.shape_cast %reduce_min3A_290 : vector<256xi32> to vector<256x1xi32>
    %eq3A_292 = vector.broadcast %broadcast_in_dim3A_291 : vector<256x1xi32> to vector<256x2048xi32>
    %eq3A_293 = arith.cmpi eq, %iota3A, %eq3A_292 : vector<256x2048xi32>
    %jit3A_294 = arith.constant 0xFF800000 : f32
    %broadcast_in_dim3A_295 = vector.broadcast %jit3A_294 : f32 to vector<256x2048xf32>
    %select_n3A_296 = arith.select %eq3A_293, %broadcast_in_dim3A_295, %select_n3A_280 : vector<256x2048xi1>, vector<256x2048xf32>
    %reduce_max3A_297 = arith.constant dense<0xFF800000> : vector<256xf32>
    %reduce_max3A_298 = vector.multi_reduction <maximumf>, %select_n3A_296, %reduce_max3A_297 [1] : vector<256x2048xf32> to vector<256xf32>
    %broadcast_in_dim3A_299 = vector.shape_cast %reduce_max3A_298 : vector<256xf32> to vector<256x1xf32>
    %eq3A_300 = vector.broadcast %broadcast_in_dim3A_299 : vector<256x1xf32> to vector<256x2048xf32>
    %eq3A_301 = arith.cmpf oeq, %select_n3A_296, %eq3A_300 : vector<256x2048xf32>
    %jit3A_302 = arith.constant 2048 : i32
    %broadcast_in_dim3A_303 = vector.broadcast %jit3A_302 : i32 to vector<256x2048xi32>
    %select_n3A_304 = arith.select %eq3A_301, %iota3A, %broadcast_in_dim3A_303 : vector<256x2048xi1>, vector<256x2048xi32>
    %reduce_min3A_305 = arith.constant dense<2147483647> : vector<256xi32>
    %reduce_min3A_306 = vector.multi_reduction <minsi>, %select_n3A_304, %reduce_min3A_305 [1] : vector<256x2048xi32> to vector<256xi32>
    %broadcast_in_dim3A_307 = vector.shape_cast %reduce_min3A_306 : vector<256xi32> to vector<256x1xi32>
    %eq3A_308 = vector.broadcast %broadcast_in_dim3A_307 : vector<256x1xi32> to vector<256x2048xi32>
    %eq3A_309 = arith.cmpi eq, %iota3A, %eq3A_308 : vector<256x2048xi32>
    %jit3A_310 = arith.constant 0xFF800000 : f32
    %broadcast_in_dim3A_311 = vector.broadcast %jit3A_310 : f32 to vector<256x2048xf32>
    %select_n3A_312 = arith.select %eq3A_309, %broadcast_in_dim3A_311, %select_n3A_296 : vector<256x2048xi1>, vector<256x2048xf32>
    %reduce_max3A_313 = arith.constant dense<0xFF800000> : vector<256xf32>
    %reduce_max3A_314 = vector.multi_reduction <maximumf>, %select_n3A_312, %reduce_max3A_313 [1] : vector<256x2048xf32> to vector<256xf32>
    %broadcast_in_dim3A_315 = vector.shape_cast %reduce_max3A_314 : vector<256xf32> to vector<256x1xf32>
    %eq3A_316 = vector.broadcast %broadcast_in_dim3A_315 : vector<256x1xf32> to vector<256x2048xf32>
    %eq3A_317 = arith.cmpf oeq, %select_n3A_312, %eq3A_316 : vector<256x2048xf32>
    %jit3A_318 = arith.constant 2048 : i32
    %broadcast_in_dim3A_319 = vector.broadcast %jit3A_318 : i32 to vector<256x2048xi32>
    %select_n3A_320 = arith.select %eq3A_317, %iota3A, %broadcast_in_dim3A_319 : vector<256x2048xi1>, vector<256x2048xi32>
    %reduce_min3A_321 = arith.constant dense<2147483647> : vector<256xi32>
    %reduce_min3A_322 = vector.multi_reduction <minsi>, %select_n3A_320, %reduce_min3A_321 [1] : vector<256x2048xi32> to vector<256xi32>
    %broadcast_in_dim3A_323 = vector.shape_cast %reduce_min3A_322 : vector<256xi32> to vector<256x1xi32>
    %eq3A_324 = vector.broadcast %broadcast_in_dim3A_323 : vector<256x1xi32> to vector<256x2048xi32>
    %eq3A_325 = arith.cmpi eq, %iota3A, %eq3A_324 : vector<256x2048xi32>
    %jit3A_326 = arith.constant 0xFF800000 : f32
    %broadcast_in_dim3A_327 = vector.broadcast %jit3A_326 : f32 to vector<256x2048xf32>
    %select_n3A_328 = arith.select %eq3A_325, %broadcast_in_dim3A_327, %select_n3A_312 : vector<256x2048xi1>, vector<256x2048xf32>
    %reduce_max3A_329 = arith.constant dense<0xFF800000> : vector<256xf32>
    %reduce_max3A_330 = vector.multi_reduction <maximumf>, %select_n3A_328, %reduce_max3A_329 [1] : vector<256x2048xf32> to vector<256xf32>
    %broadcast_in_dim3A_331 = vector.shape_cast %reduce_max3A_330 : vector<256xf32> to vector<256x1xf32>
    %eq3A_332 = vector.broadcast %broadcast_in_dim3A_331 : vector<256x1xf32> to vector<256x2048xf32>
    %eq3A_333 = arith.cmpf oeq, %select_n3A_328, %eq3A_332 : vector<256x2048xf32>
    %jit3A_334 = arith.constant 2048 : i32
    %broadcast_in_dim3A_335 = vector.broadcast %jit3A_334 : i32 to vector<256x2048xi32>
    %select_n3A_336 = arith.select %eq3A_333, %iota3A, %broadcast_in_dim3A_335 : vector<256x2048xi1>, vector<256x2048xi32>
    %reduce_min3A_337 = arith.constant dense<2147483647> : vector<256xi32>
    %reduce_min3A_338 = vector.multi_reduction <minsi>, %select_n3A_336, %reduce_min3A_337 [1] : vector<256x2048xi32> to vector<256xi32>
    %broadcast_in_dim3A_339 = vector.shape_cast %reduce_min3A_338 : vector<256xi32> to vector<256x1xi32>
    %concatenate3A = tpu.concatenate %broadcast_in_dim3A_35, %broadcast_in_dim3A_51, %broadcast_in_dim3A_67, %broadcast_in_dim3A_83, %broadcast_in_dim3A_99, %broadcast_in_dim3A_115, %broadcast_in_dim3A_131, %broadcast_in_dim3A_147, %broadcast_in_dim3A_163, %broadcast_in_dim3A_179, %broadcast_in_dim3A_195, %broadcast_in_dim3A_211, %broadcast_in_dim3A_227, %broadcast_in_dim3A_243, %broadcast_in_dim3A_259, %broadcast_in_dim3A_275, %broadcast_in_dim3A_291, %broadcast_in_dim3A_307, %broadcast_in_dim3A_323, %broadcast_in_dim3A_339 in 1 : vector<256x1xi32>, vector<256x1xi32>, vector<256x1xi32>, vector<256x1xi32>, vector<256x1xi32>, vector<256x1xi32>, vector<256x1xi32>, vector<256x1xi32>, vector<256x1xi32>, vector<256x1xi32>, vector<256x1xi32>, vector<256x1xi32>, vector<256x1xi32>, vector<256x1xi32>, vector<256x1xi32>, vector<256x1xi32>, vector<256x1xi32>, vector<256x1xi32>, vector<256x1xi32>, vector<256x1xi32> -> vector<256x20xi32>
    %mul3A_340 = arith.constant 2048 : i32
    %mul3A_341 = arith.muli %arg0, %mul3A_340 : i32
    %add3A = vector.broadcast %mul3A_341 : i32 to vector<256x20xi32>
    %add3A_342 = arith.addi %concatenate3A, %add3A : vector<256x20xi32>
    %swap3A = arith.constant 0 : index
    %swap3A_343 = arith.constant 0 : index
    %swap3A_344 = arith.constant 0 : index
    %swap3A_345 = vector.load %arg6[%swap3A, %swap3A_343, %swap3A_344] : memref<1x256x20xi32, #tpu.memory_space<vmem>>, vector<1x256x20xi32>
    %swap3A_346 = vector.shape_cast %swap3A_345 : vector<1x256x20xi32> to vector<256x20xi32>
    %swap3A_347 = vector.shape_cast %add3A_342 : vector<256x20xi32> to vector<1x256x20xi32>
    tpu.vector_store %arg6[%swap3A, %swap3A_343, %swap3A_344], %swap3A_347 {strides = array<i32>} : memref<1x256x20xi32, #tpu.memory_space<vmem>>, vector<1x256x20xi32>,
    return
  }
  func.func @transform_0(%arg0: i32, %arg1: i32) -> (i32, i32, i32) {
    %c0_i32 = arith.constant 0 : i32
    %c0_i32_0 = arith.constant 0 : i32
    %c0_i32_1 = arith.constant 0 : i32
    return %arg0, %c0_i32, %c0_i32_0 : i32, i32, i32
  }
  func.func @transform_1(%arg0: i32, %arg1: i32) -> (i32, i32, i32) {
    %c0_i32 = arith.constant 0 : i32
    %c0_i32_0 = arith.constant 0 : i32
    %c0_i32_1 = arith.constant 0 : i32
    return %arg0, %c0_i32, %c0_i32_0 : i32, i32, i32
  }
  func.func @transform_2(%arg0: i32, %arg1: i32) -> (i32, i32, i32) {
    %c0_i32 = arith.constant 0 : i32
    %c0_i32_0 = arith.constant 0 : i32
    %c0_i32_1 = arith.constant 0 : i32
    return %arg0, %c0_i32, %c0_i32_0 : i32, i32, i32
  }
  func.func @transform_3(%arg0: i32, %arg1: i32) -> (i32, i32, i32) {
    %c0_i32 = arith.constant 0 : i32
    %c0_i32_0 = arith.constant 0 : i32
    return %arg0, %arg1, %c0_i32 : i32, i32, i32
  }
  func.func @transform_4(%arg0: i32, %arg1: i32) -> (i32, i32, i32) {
    %c0_i32 = arith.constant 0 : i32
    %c0_i32_0 = arith.constant 0 : i32
    return %arg0, %arg1, %c0_i32 : i32, i32, i32
  }
}

module attributes {stable_mosaic.version = 14 : i64} {
  func.func @_convz_body(%arg0: i32, %arg1: memref<2560x128xf32, #tpu.memory_space<vmem>>, %arg2: memref<128x3xf32, #tpu.memory_space<vmem>>, %arg3: memref<6x64xf32, #tpu.memory_space<vmem>>, %arg4: memref<128x64xf32, #tpu.memory_space<vmem>>, %arg5: memref<2560x64xf32, #tpu.memory_space<vmem>>) attributes {dimension_semantics = [#tpu.dimension_semantics<arbitrary>], iteration_bounds = array<i64: 128>, scalar_prefetch = 0 : i64, scratch_operands = 0 : i64, tpu.core_type = #tpu.core_type<tc>, window_params = [{transform_indices = @transform_0, window_bounds = array<i64: 2560, 128>}, {transform_indices = @transform_1, window_bounds = array<i64: 128, 3>}, {pipeline_mode = #tpu.pipeline_mode<synchronous>, transform_indices = @transform_2, window_bounds = array<i64: 6, 64>}, {transform_indices = @transform_3, window_bounds = array<i64: 128, 64>}, {transform_indices = @transform_4, window_bounds = array<i64: 2560, 64>}]} {
    %get3A = arith.constant 0 : index
    %get3A_0 = arith.constant 0 : index
    %get3A_1 = vector.load %arg2[%get3A, %get3A_0] : memref<128x3xf32, #tpu.memory_space<vmem>>, vector<128x3xf32>
    %get3A_2 = arith.constant 0 : index
    %get3A_3 = arith.constant 0 : index
    %get3A_4 = vector.load %arg1[%get3A_2, %get3A_3] : memref<2560x128xf32, #tpu.memory_space<vmem>>, vector<2560x128xf32>
    %slice3A = vector.extract_strided_slice %get3A_4 {offsets = [0, 0], sizes = [2560, 3], strides = [1, 1]} : vector<2560x128xf32> to vector<2560x3xf32>
    %reshape3A = vector.shape_cast %slice3A : vector<2560x3xf32> to vector<128x20x3xf32>
    %broadcast_in_dim3A = vector.shape_cast %get3A_1 : vector<128x3xf32> to vector<128x1x3xf32>
    %sub3A = vector.broadcast %broadcast_in_dim3A : vector<128x1x3xf32> to vector<128x20x3xf32>
    %sub3A_5 = arith.subf %reshape3A, %sub3A : vector<128x20x3xf32>
    %broadcast_in_dim3A_6 = vector.shape_cast %get3A_1 : vector<128x3xf32> to vector<128x1x3xf32>
    %broadcast_in_dim3A_7 = vector.shape_cast %broadcast_in_dim3A_6 : vector<128x1x3xf32> to vector<128x1x3xf32>
    %broadcast_in_dim3A_8 = vector.broadcast %broadcast_in_dim3A_7 : vector<128x1x3xf32> to vector<128x20x3xf32>
    %concatenate3A = tpu.concatenate %sub3A_5, %broadcast_in_dim3A_8 in 2 : vector<128x20x3xf32>, vector<128x20x3xf32> -> vector<128x20x6xf32>
    %reshape3A_9 = vector.shape_cast %concatenate3A : vector<128x20x6xf32> to vector<2560x6xf32>
    %convert_element_type3A = arith.truncf %reshape3A_9 : vector<2560x6xf32> to vector<2560x6xbf16>
    %get3A_10 = arith.constant 0 : index
    %get3A_11 = arith.constant 0 : index
    %get3A_12 = vector.load %arg3[%get3A_10, %get3A_11] : memref<6x64xf32, #tpu.memory_space<vmem>>, vector<6x64xf32>
    %convert_element_type3A_13 = arith.truncf %get3A_12 : vector<6x64xf32> to vector<6x64xbf16>
    %dot_general3A = arith.constant dense<0.000000e+00> : vector<2560x64xf32>
    %dot_general3A_14 = tpu.matmul %convert_element_type3A, %convert_element_type3A_13, %dot_general3A {dimension_numbers = #tpu.dot_dimension_numbers<[1], [0], [0], [1], [0, 0, 1, 1], [], []>, transpose_lhs_hint = false} : vector<2560x6xbf16>, vector<6x64xbf16>, vector<2560x64xf32> -> vector<2560x64xf32>
    %swap3A = arith.constant 0 : index
    %swap3A_15 = arith.constant 0 : index
    %swap3A_16 = vector.load %arg5[%swap3A, %swap3A_15] : memref<2560x64xf32, #tpu.memory_space<vmem>>, vector<2560x64xf32>
    tpu.vector_store %arg5[%swap3A, %swap3A_15], %dot_general3A_14 {strides = array<i32>} : memref<2560x64xf32, #tpu.memory_space<vmem>>, vector<2560x64xf32>,
    %reshape3A_17 = vector.shape_cast %dot_general3A_14 : vector<2560x64xf32> to vector<128x20x64xf32>
    %reduce_max3A = arith.constant dense<0xFF800000> : vector<128x64xf32>
    %reduce_max3A_18 = vector.multi_reduction <maximumf>, %reshape3A_17, %reduce_max3A [1] : vector<128x20x64xf32> to vector<128x64xf32>
    %swap3A_19 = arith.constant 0 : index
    %swap3A_20 = arith.constant 0 : index
    %swap3A_21 = vector.load %arg4[%swap3A_19, %swap3A_20] : memref<128x64xf32, #tpu.memory_space<vmem>>, vector<128x64xf32>
    tpu.vector_store %arg4[%swap3A_19, %swap3A_20], %reduce_max3A_18 {strides = array<i32>} : memref<128x64xf32, #tpu.memory_space<vmem>>, vector<128x64xf32>,
    return
  }
  func.func @transform_0(%arg0: i32) -> (i32, i32) {
    %c0_i32 = arith.constant 0 : i32
    %c0_i32_0 = arith.constant 0 : i32
    return %arg0, %c0_i32 : i32, i32
  }
  func.func @transform_1(%arg0: i32) -> (i32, i32) {
    %c0_i32 = arith.constant 0 : i32
    %c0_i32_0 = arith.constant 0 : i32
    return %arg0, %c0_i32 : i32, i32
  }
  func.func @transform_2(%arg0: i32) -> (i32, i32) {
    %c0_i32 = arith.constant 0 : i32
    %c0_i32_0 = arith.constant 0 : i32
    %c0_i32_1 = arith.constant 0 : i32
    return %c0_i32, %c0_i32_0 : i32, i32
  }
  func.func @transform_3(%arg0: i32) -> (i32, i32) {
    %c0_i32 = arith.constant 0 : i32
    %c0_i32_0 = arith.constant 0 : i32
    return %arg0, %c0_i32 : i32, i32
  }
  func.func @transform_4(%arg0: i32) -> (i32, i32) {
    %c0_i32 = arith.constant 0 : i32
    %c0_i32_0 = arith.constant 0 : i32
    return %arg0, %c0_i32 : i32, i32
  }
}

module attributes {stable_mosaic.version = 14 : i64} {
  func.func @_knn_body(%arg0: i32, %arg1: i32, %arg2: memref<1x2048x64xf32, #tpu.memory_space<vmem>>, %arg3: memref<1x64x2048xf32, #tpu.memory_space<vmem>>, %arg4: memref<1x1x2048xf32, #tpu.memory_space<vmem>>, %arg5: memref<1x256x1xf32, #tpu.memory_space<vmem>>, %arg6: memref<1x256x20xi32, #tpu.memory_space<vmem>>, %arg7: memref<64x2048xbf16, #tpu.memory_space<vmem>>) attributes {dimension_semantics = [#tpu.dimension_semantics<arbitrary>, #tpu.dimension_semantics<arbitrary>], iteration_bounds = array<i64: 8, 8>, scalar_prefetch = 0 : i64, scratch_operands = 1 : i64, tpu.core_type = #tpu.core_type<tc>, window_params = [{transform_indices = @transform_0, window_bounds = array<i64: 1, 2048, 64>}, {transform_indices = @transform_1, window_bounds = array<i64: 1, 64, 2048>}, {transform_indices = @transform_2, window_bounds = array<i64: 1, 1, 2048>}, {transform_indices = @transform_3, window_bounds = array<i64: 1, 256, 1>}, {transform_indices = @transform_4, window_bounds = array<i64: 1, 256, 20>}]} {
    %eq3A = arith.constant 0 : i32
    %eq3A_0 = arith.cmpi eq, %arg1, %eq3A : i32
    %convert_element_type3A = arith.extui %eq3A_0 : i1 to i32
    %cond3A = arith.constant 0 : i32
    %cond3A_1 = arith.cmpi ne, %convert_element_type3A, %cond3A : i32
    scf.if %cond3A_1 {
      %get3A_348 = arith.constant 0 : index
      %get3A_349 = arith.constant 0 : index
      %get3A_350 = arith.constant 0 : index
      %get3A_351 = vector.load %arg3[%get3A_348, %get3A_349, %get3A_350] : memref<1x64x2048xf32, #tpu.memory_space<vmem>>, vector<1x64x2048xf32>
      %get3A_352 = vector.shape_cast %get3A_351 : vector<1x64x2048xf32> to vector<64x2048xf32>
      %convert_element_type3A_353 = arith.truncf %get3A_352 : vector<64x2048xf32> to vector<64x2048xbf16>
      %swap3A_354 = arith.constant 0 : index
      %swap3A_355 = arith.constant 0 : index
      %swap3A_356 = vector.load %arg7[%swap3A_354, %swap3A_355] : memref<64x2048xbf16, #tpu.memory_space<vmem>>, vector<64x2048xbf16>
      tpu.vector_store %arg7[%swap3A_354, %swap3A_355], %convert_element_type3A_353 {strides = array<i32>} : memref<64x2048xbf16, #tpu.memory_space<vmem>>, vector<64x2048xbf16>,
    } else {
    }
    %mul3A = arith.constant 256 : i32
    %mul3A_2 = arith.muli %arg1, %mul3A : i32
    %get3A = arith.constant 0 : index
    %get3A_3 = arith.index_cast %mul3A_2 : i32 to index
    %get3A_4 = arith.constant 0 : index
    %get3A_5 = vector.load %arg2[%get3A, %get3A_3, %get3A_4] : memref<1x2048x64xf32, #tpu.memory_space<vmem>>, vector<1x256x64xf32>
    %get3A_6 = vector.shape_cast %get3A_5 : vector<1x256x64xf32> to vector<256x64xf32>
    %convert_element_type3A_7 = arith.truncf %get3A_6 : vector<256x64xf32> to vector<256x64xbf16>
    %get3A_8 = arith.constant 0 : index
    %get3A_9 = arith.constant 0 : index
    %get3A_10 = vector.load %arg7[%get3A_8, %get3A_9] : memref<64x2048xbf16, #tpu.memory_space<vmem>>, vector<64x2048xbf16>
    %dot_general3A = arith.constant dense<0.000000e+00> : vector<256x2048xf32>
    %dot_general3A_11 = tpu.matmul %convert_element_type3A_7, %get3A_10, %dot_general3A {dimension_numbers = #tpu.dot_dimension_numbers<[1], [0], [0], [1], [0, 0, 1, 1], [], []>, transpose_lhs_hint = false} : vector<256x64xbf16>, vector<64x2048xbf16>, vector<256x2048xf32> -> vector<256x2048xf32>
    %get3A_12 = arith.constant 0 : index
    %get3A_13 = arith.constant 0 : index
    %get3A_14 = arith.constant 0 : index
    %get3A_15 = vector.load %arg4[%get3A_12, %get3A_13, %get3A_14] : memref<1x1x2048xf32, #tpu.memory_space<vmem>>, vector<1x1x2048xf32>
    %get3A_16 = vector.shape_cast %get3A_15 : vector<1x1x2048xf32> to vector<1x2048xf32>
    %neg3A = arith.constant 0.000000e+00 : f32
    %neg3A_17 = vector.broadcast %neg3A : f32 to vector<1x2048xf32>
    %neg3A_18 = arith.subf %neg3A_17, %get3A_16 : vector<1x2048xf32>
    %mul3A_19 = arith.constant -2.000000e+00 : f32
    %mul3A_20 = vector.broadcast %mul3A_19 : f32 to vector<256x2048xf32>
    %mul3A_21 = arith.mulf %mul3A_20, %dot_general3A_11 : vector<256x2048xf32>
    %sub3A = vector.broadcast %neg3A_18 : vector<1x2048xf32> to vector<256x2048xf32>
    %sub3A_22 = arith.subf %sub3A, %mul3A_21 : vector<256x2048xf32>
    %get3A_23 = arith.constant 0 : index
    %get3A_24 = arith.constant 0 : index
    %get3A_25 = arith.constant 0 : index
    %get3A_26 = vector.load %arg5[%get3A_23, %get3A_24, %get3A_25] : memref<1x256x1xf32, #tpu.memory_space<vmem>>, vector<1x256x1xf32>
    %get3A_27 = vector.shape_cast %get3A_26 : vector<1x256x1xf32> to vector<256x1xf32>
    %sub3A_28 = vector.broadcast %get3A_27 : vector<256x1xf32> to vector<256x2048xf32>
    %sub3A_29 = arith.subf %sub3A_22, %sub3A_28 : vector<256x2048xf32>
    %iota3A = tpu.iota {dimensions = array<i32: 1>} : vector<256x2048xi32>
    %reduce_max3A = arith.constant dense<0xFF800000> : vector<256xf32>
    %reduce_max3A_30 = vector.multi_reduction <maximumf>, %sub3A_29, %reduce_max3A [1] : vector<256x2048xf32> to vector<256xf32>
    %broadcast_in_dim3A = vector.shape_cast %reduce_max3A_30 : vector<256xf32> to vector<256x1xf32>
    %eq3A_31 = vector.broadcast %broadcast_in_dim3A : vector<256x1xf32> to vector<256x2048xf32>
    %eq3A_32 = arith.cmpf oeq, %sub3A_29, %eq3A_31 : vector<256x2048xf32>
    %jit3A = arith.constant 2048 : i32
    %broadcast_in_dim3A_33 = vector.broadcast %jit3A : i32 to vector<256x2048xi32>
    %select_n3A = arith.select %eq3A_32, %iota3A, %broadcast_in_dim3A_33 : vector<256x2048xi1>, vector<256x2048xi32>
    %reduce_min3A = arith.constant dense<2147483647> : vector<256xi32>
    %reduce_min3A_34 = vector.multi_reduction <minsi>, %select_n3A, %reduce_min3A [1] : vector<256x2048xi32> to vector<256xi32>
    %broadcast_in_dim3A_35 = vector.shape_cast %reduce_min3A_34 : vector<256xi32> to vector<256x1xi32>
    %eq3A_36 = vector.broadcast %broadcast_in_dim3A_35 : vector<256x1xi32> to vector<256x2048xi32>
    %eq3A_37 = arith.cmpi eq, %iota3A, %eq3A_36 : vector<256x2048xi32>
    %jit3A_38 = arith.constant 0xFF800000 : f32
    %broadcast_in_dim3A_39 = vector.broadcast %jit3A_38 : f32 to vector<256x2048xf32>
    %select_n3A_40 = arith.select %eq3A_37, %broadcast_in_dim3A_39, %sub3A_29 : vector<256x2048xi1>, vector<256x2048xf32>
    %reduce_max3A_41 = arith.constant dense<0xFF800000> : vector<256xf32>
    %reduce_max3A_42 = vector.multi_reduction <maximumf>, %select_n3A_40, %reduce_max3A_41 [1] : vector<256x2048xf32> to vector<256xf32>
    %broadcast_in_dim3A_43 = vector.shape_cast %reduce_max3A_42 : vector<256xf32> to vector<256x1xf32>
    %eq3A_44 = vector.broadcast %broadcast_in_dim3A_43 : vector<256x1xf32> to vector<256x2048xf32>
    %eq3A_45 = arith.cmpf oeq, %select_n3A_40, %eq3A_44 : vector<256x2048xf32>
    %jit3A_46 = arith.constant 2048 : i32
    %broadcast_in_dim3A_47 = vector.broadcast %jit3A_46 : i32 to vector<256x2048xi32>
    %select_n3A_48 = arith.select %eq3A_45, %iota3A, %broadcast_in_dim3A_47 : vector<256x2048xi1>, vector<256x2048xi32>
    %reduce_min3A_49 = arith.constant dense<2147483647> : vector<256xi32>
    %reduce_min3A_50 = vector.multi_reduction <minsi>, %select_n3A_48, %reduce_min3A_49 [1] : vector<256x2048xi32> to vector<256xi32>
    %broadcast_in_dim3A_51 = vector.shape_cast %reduce_min3A_50 : vector<256xi32> to vector<256x1xi32>
    %eq3A_52 = vector.broadcast %broadcast_in_dim3A_51 : vector<256x1xi32> to vector<256x2048xi32>
    %eq3A_53 = arith.cmpi eq, %iota3A, %eq3A_52 : vector<256x2048xi32>
    %jit3A_54 = arith.constant 0xFF800000 : f32
    %broadcast_in_dim3A_55 = vector.broadcast %jit3A_54 : f32 to vector<256x2048xf32>
    %select_n3A_56 = arith.select %eq3A_53, %broadcast_in_dim3A_55, %select_n3A_40 : vector<256x2048xi1>, vector<256x2048xf32>
    %reduce_max3A_57 = arith.constant dense<0xFF800000> : vector<256xf32>
    %reduce_max3A_58 = vector.multi_reduction <maximumf>, %select_n3A_56, %reduce_max3A_57 [1] : vector<256x2048xf32> to vector<256xf32>
    %broadcast_in_dim3A_59 = vector.shape_cast %reduce_max3A_58 : vector<256xf32> to vector<256x1xf32>
    %eq3A_60 = vector.broadcast %broadcast_in_dim3A_59 : vector<256x1xf32> to vector<256x2048xf32>
    %eq3A_61 = arith.cmpf oeq, %select_n3A_56, %eq3A_60 : vector<256x2048xf32>
    %jit3A_62 = arith.constant 2048 : i32
    %broadcast_in_dim3A_63 = vector.broadcast %jit3A_62 : i32 to vector<256x2048xi32>
    %select_n3A_64 = arith.select %eq3A_61, %iota3A, %broadcast_in_dim3A_63 : vector<256x2048xi1>, vector<256x2048xi32>
    %reduce_min3A_65 = arith.constant dense<2147483647> : vector<256xi32>
    %reduce_min3A_66 = vector.multi_reduction <minsi>, %select_n3A_64, %reduce_min3A_65 [1] : vector<256x2048xi32> to vector<256xi32>
    %broadcast_in_dim3A_67 = vector.shape_cast %reduce_min3A_66 : vector<256xi32> to vector<256x1xi32>
    %eq3A_68 = vector.broadcast %broadcast_in_dim3A_67 : vector<256x1xi32> to vector<256x2048xi32>
    %eq3A_69 = arith.cmpi eq, %iota3A, %eq3A_68 : vector<256x2048xi32>
    %jit3A_70 = arith.constant 0xFF800000 : f32
    %broadcast_in_dim3A_71 = vector.broadcast %jit3A_70 : f32 to vector<256x2048xf32>
    %select_n3A_72 = arith.select %eq3A_69, %broadcast_in_dim3A_71, %select_n3A_56 : vector<256x2048xi1>, vector<256x2048xf32>
    %reduce_max3A_73 = arith.constant dense<0xFF800000> : vector<256xf32>
    %reduce_max3A_74 = vector.multi_reduction <maximumf>, %select_n3A_72, %reduce_max3A_73 [1] : vector<256x2048xf32> to vector<256xf32>
    %broadcast_in_dim3A_75 = vector.shape_cast %reduce_max3A_74 : vector<256xf32> to vector<256x1xf32>
    %eq3A_76 = vector.broadcast %broadcast_in_dim3A_75 : vector<256x1xf32> to vector<256x2048xf32>
    %eq3A_77 = arith.cmpf oeq, %select_n3A_72, %eq3A_76 : vector<256x2048xf32>
    %jit3A_78 = arith.constant 2048 : i32
    %broadcast_in_dim3A_79 = vector.broadcast %jit3A_78 : i32 to vector<256x2048xi32>
    %select_n3A_80 = arith.select %eq3A_77, %iota3A, %broadcast_in_dim3A_79 : vector<256x2048xi1>, vector<256x2048xi32>
    %reduce_min3A_81 = arith.constant dense<2147483647> : vector<256xi32>
    %reduce_min3A_82 = vector.multi_reduction <minsi>, %select_n3A_80, %reduce_min3A_81 [1] : vector<256x2048xi32> to vector<256xi32>
    %broadcast_in_dim3A_83 = vector.shape_cast %reduce_min3A_82 : vector<256xi32> to vector<256x1xi32>
    %eq3A_84 = vector.broadcast %broadcast_in_dim3A_83 : vector<256x1xi32> to vector<256x2048xi32>
    %eq3A_85 = arith.cmpi eq, %iota3A, %eq3A_84 : vector<256x2048xi32>
    %jit3A_86 = arith.constant 0xFF800000 : f32
    %broadcast_in_dim3A_87 = vector.broadcast %jit3A_86 : f32 to vector<256x2048xf32>
    %select_n3A_88 = arith.select %eq3A_85, %broadcast_in_dim3A_87, %select_n3A_72 : vector<256x2048xi1>, vector<256x2048xf32>
    %reduce_max3A_89 = arith.constant dense<0xFF800000> : vector<256xf32>
    %reduce_max3A_90 = vector.multi_reduction <maximumf>, %select_n3A_88, %reduce_max3A_89 [1] : vector<256x2048xf32> to vector<256xf32>
    %broadcast_in_dim3A_91 = vector.shape_cast %reduce_max3A_90 : vector<256xf32> to vector<256x1xf32>
    %eq3A_92 = vector.broadcast %broadcast_in_dim3A_91 : vector<256x1xf32> to vector<256x2048xf32>
    %eq3A_93 = arith.cmpf oeq, %select_n3A_88, %eq3A_92 : vector<256x2048xf32>
    %jit3A_94 = arith.constant 2048 : i32
    %broadcast_in_dim3A_95 = vector.broadcast %jit3A_94 : i32 to vector<256x2048xi32>
    %select_n3A_96 = arith.select %eq3A_93, %iota3A, %broadcast_in_dim3A_95 : vector<256x2048xi1>, vector<256x2048xi32>
    %reduce_min3A_97 = arith.constant dense<2147483647> : vector<256xi32>
    %reduce_min3A_98 = vector.multi_reduction <minsi>, %select_n3A_96, %reduce_min3A_97 [1] : vector<256x2048xi32> to vector<256xi32>
    %broadcast_in_dim3A_99 = vector.shape_cast %reduce_min3A_98 : vector<256xi32> to vector<256x1xi32>
    %eq3A_100 = vector.broadcast %broadcast_in_dim3A_99 : vector<256x1xi32> to vector<256x2048xi32>
    %eq3A_101 = arith.cmpi eq, %iota3A, %eq3A_100 : vector<256x2048xi32>
    %jit3A_102 = arith.constant 0xFF800000 : f32
    %broadcast_in_dim3A_103 = vector.broadcast %jit3A_102 : f32 to vector<256x2048xf32>
    %select_n3A_104 = arith.select %eq3A_101, %broadcast_in_dim3A_103, %select_n3A_88 : vector<256x2048xi1>, vector<256x2048xf32>
    %reduce_max3A_105 = arith.constant dense<0xFF800000> : vector<256xf32>
    %reduce_max3A_106 = vector.multi_reduction <maximumf>, %select_n3A_104, %reduce_max3A_105 [1] : vector<256x2048xf32> to vector<256xf32>
    %broadcast_in_dim3A_107 = vector.shape_cast %reduce_max3A_106 : vector<256xf32> to vector<256x1xf32>
    %eq3A_108 = vector.broadcast %broadcast_in_dim3A_107 : vector<256x1xf32> to vector<256x2048xf32>
    %eq3A_109 = arith.cmpf oeq, %select_n3A_104, %eq3A_108 : vector<256x2048xf32>
    %jit3A_110 = arith.constant 2048 : i32
    %broadcast_in_dim3A_111 = vector.broadcast %jit3A_110 : i32 to vector<256x2048xi32>
    %select_n3A_112 = arith.select %eq3A_109, %iota3A, %broadcast_in_dim3A_111 : vector<256x2048xi1>, vector<256x2048xi32>
    %reduce_min3A_113 = arith.constant dense<2147483647> : vector<256xi32>
    %reduce_min3A_114 = vector.multi_reduction <minsi>, %select_n3A_112, %reduce_min3A_113 [1] : vector<256x2048xi32> to vector<256xi32>
    %broadcast_in_dim3A_115 = vector.shape_cast %reduce_min3A_114 : vector<256xi32> to vector<256x1xi32>
    %eq3A_116 = vector.broadcast %broadcast_in_dim3A_115 : vector<256x1xi32> to vector<256x2048xi32>
    %eq3A_117 = arith.cmpi eq, %iota3A, %eq3A_116 : vector<256x2048xi32>
    %jit3A_118 = arith.constant 0xFF800000 : f32
    %broadcast_in_dim3A_119 = vector.broadcast %jit3A_118 : f32 to vector<256x2048xf32>
    %select_n3A_120 = arith.select %eq3A_117, %broadcast_in_dim3A_119, %select_n3A_104 : vector<256x2048xi1>, vector<256x2048xf32>
    %reduce_max3A_121 = arith.constant dense<0xFF800000> : vector<256xf32>
    %reduce_max3A_122 = vector.multi_reduction <maximumf>, %select_n3A_120, %reduce_max3A_121 [1] : vector<256x2048xf32> to vector<256xf32>
    %broadcast_in_dim3A_123 = vector.shape_cast %reduce_max3A_122 : vector<256xf32> to vector<256x1xf32>
    %eq3A_124 = vector.broadcast %broadcast_in_dim3A_123 : vector<256x1xf32> to vector<256x2048xf32>
    %eq3A_125 = arith.cmpf oeq, %select_n3A_120, %eq3A_124 : vector<256x2048xf32>
    %jit3A_126 = arith.constant 2048 : i32
    %broadcast_in_dim3A_127 = vector.broadcast %jit3A_126 : i32 to vector<256x2048xi32>
    %select_n3A_128 = arith.select %eq3A_125, %iota3A, %broadcast_in_dim3A_127 : vector<256x2048xi1>, vector<256x2048xi32>
    %reduce_min3A_129 = arith.constant dense<2147483647> : vector<256xi32>
    %reduce_min3A_130 = vector.multi_reduction <minsi>, %select_n3A_128, %reduce_min3A_129 [1] : vector<256x2048xi32> to vector<256xi32>
    %broadcast_in_dim3A_131 = vector.shape_cast %reduce_min3A_130 : vector<256xi32> to vector<256x1xi32>
    %eq3A_132 = vector.broadcast %broadcast_in_dim3A_131 : vector<256x1xi32> to vector<256x2048xi32>
    %eq3A_133 = arith.cmpi eq, %iota3A, %eq3A_132 : vector<256x2048xi32>
    %jit3A_134 = arith.constant 0xFF800000 : f32
    %broadcast_in_dim3A_135 = vector.broadcast %jit3A_134 : f32 to vector<256x2048xf32>
    %select_n3A_136 = arith.select %eq3A_133, %broadcast_in_dim3A_135, %select_n3A_120 : vector<256x2048xi1>, vector<256x2048xf32>
    %reduce_max3A_137 = arith.constant dense<0xFF800000> : vector<256xf32>
    %reduce_max3A_138 = vector.multi_reduction <maximumf>, %select_n3A_136, %reduce_max3A_137 [1] : vector<256x2048xf32> to vector<256xf32>
    %broadcast_in_dim3A_139 = vector.shape_cast %reduce_max3A_138 : vector<256xf32> to vector<256x1xf32>
    %eq3A_140 = vector.broadcast %broadcast_in_dim3A_139 : vector<256x1xf32> to vector<256x2048xf32>
    %eq3A_141 = arith.cmpf oeq, %select_n3A_136, %eq3A_140 : vector<256x2048xf32>
    %jit3A_142 = arith.constant 2048 : i32
    %broadcast_in_dim3A_143 = vector.broadcast %jit3A_142 : i32 to vector<256x2048xi32>
    %select_n3A_144 = arith.select %eq3A_141, %iota3A, %broadcast_in_dim3A_143 : vector<256x2048xi1>, vector<256x2048xi32>
    %reduce_min3A_145 = arith.constant dense<2147483647> : vector<256xi32>
    %reduce_min3A_146 = vector.multi_reduction <minsi>, %select_n3A_144, %reduce_min3A_145 [1] : vector<256x2048xi32> to vector<256xi32>
    %broadcast_in_dim3A_147 = vector.shape_cast %reduce_min3A_146 : vector<256xi32> to vector<256x1xi32>
    %eq3A_148 = vector.broadcast %broadcast_in_dim3A_147 : vector<256x1xi32> to vector<256x2048xi32>
    %eq3A_149 = arith.cmpi eq, %iota3A, %eq3A_148 : vector<256x2048xi32>
    %jit3A_150 = arith.constant 0xFF800000 : f32
    %broadcast_in_dim3A_151 = vector.broadcast %jit3A_150 : f32 to vector<256x2048xf32>
    %select_n3A_152 = arith.select %eq3A_149, %broadcast_in_dim3A_151, %select_n3A_136 : vector<256x2048xi1>, vector<256x2048xf32>
    %reduce_max3A_153 = arith.constant dense<0xFF800000> : vector<256xf32>
    %reduce_max3A_154 = vector.multi_reduction <maximumf>, %select_n3A_152, %reduce_max3A_153 [1] : vector<256x2048xf32> to vector<256xf32>
    %broadcast_in_dim3A_155 = vector.shape_cast %reduce_max3A_154 : vector<256xf32> to vector<256x1xf32>
    %eq3A_156 = vector.broadcast %broadcast_in_dim3A_155 : vector<256x1xf32> to vector<256x2048xf32>
    %eq3A_157 = arith.cmpf oeq, %select_n3A_152, %eq3A_156 : vector<256x2048xf32>
    %jit3A_158 = arith.constant 2048 : i32
    %broadcast_in_dim3A_159 = vector.broadcast %jit3A_158 : i32 to vector<256x2048xi32>
    %select_n3A_160 = arith.select %eq3A_157, %iota3A, %broadcast_in_dim3A_159 : vector<256x2048xi1>, vector<256x2048xi32>
    %reduce_min3A_161 = arith.constant dense<2147483647> : vector<256xi32>
    %reduce_min3A_162 = vector.multi_reduction <minsi>, %select_n3A_160, %reduce_min3A_161 [1] : vector<256x2048xi32> to vector<256xi32>
    %broadcast_in_dim3A_163 = vector.shape_cast %reduce_min3A_162 : vector<256xi32> to vector<256x1xi32>
    %eq3A_164 = vector.broadcast %broadcast_in_dim3A_163 : vector<256x1xi32> to vector<256x2048xi32>
    %eq3A_165 = arith.cmpi eq, %iota3A, %eq3A_164 : vector<256x2048xi32>
    %jit3A_166 = arith.constant 0xFF800000 : f32
    %broadcast_in_dim3A_167 = vector.broadcast %jit3A_166 : f32 to vector<256x2048xf32>
    %select_n3A_168 = arith.select %eq3A_165, %broadcast_in_dim3A_167, %select_n3A_152 : vector<256x2048xi1>, vector<256x2048xf32>
    %reduce_max3A_169 = arith.constant dense<0xFF800000> : vector<256xf32>
    %reduce_max3A_170 = vector.multi_reduction <maximumf>, %select_n3A_168, %reduce_max3A_169 [1] : vector<256x2048xf32> to vector<256xf32>
    %broadcast_in_dim3A_171 = vector.shape_cast %reduce_max3A_170 : vector<256xf32> to vector<256x1xf32>
    %eq3A_172 = vector.broadcast %broadcast_in_dim3A_171 : vector<256x1xf32> to vector<256x2048xf32>
    %eq3A_173 = arith.cmpf oeq, %select_n3A_168, %eq3A_172 : vector<256x2048xf32>
    %jit3A_174 = arith.constant 2048 : i32
    %broadcast_in_dim3A_175 = vector.broadcast %jit3A_174 : i32 to vector<256x2048xi32>
    %select_n3A_176 = arith.select %eq3A_173, %iota3A, %broadcast_in_dim3A_175 : vector<256x2048xi1>, vector<256x2048xi32>
    %reduce_min3A_177 = arith.constant dense<2147483647> : vector<256xi32>
    %reduce_min3A_178 = vector.multi_reduction <minsi>, %select_n3A_176, %reduce_min3A_177 [1] : vector<256x2048xi32> to vector<256xi32>
    %broadcast_in_dim3A_179 = vector.shape_cast %reduce_min3A_178 : vector<256xi32> to vector<256x1xi32>
    %eq3A_180 = vector.broadcast %broadcast_in_dim3A_179 : vector<256x1xi32> to vector<256x2048xi32>
    %eq3A_181 = arith.cmpi eq, %iota3A, %eq3A_180 : vector<256x2048xi32>
    %jit3A_182 = arith.constant 0xFF800000 : f32
    %broadcast_in_dim3A_183 = vector.broadcast %jit3A_182 : f32 to vector<256x2048xf32>
    %select_n3A_184 = arith.select %eq3A_181, %broadcast_in_dim3A_183, %select_n3A_168 : vector<256x2048xi1>, vector<256x2048xf32>
    %reduce_max3A_185 = arith.constant dense<0xFF800000> : vector<256xf32>
    %reduce_max3A_186 = vector.multi_reduction <maximumf>, %select_n3A_184, %reduce_max3A_185 [1] : vector<256x2048xf32> to vector<256xf32>
    %broadcast_in_dim3A_187 = vector.shape_cast %reduce_max3A_186 : vector<256xf32> to vector<256x1xf32>
    %eq3A_188 = vector.broadcast %broadcast_in_dim3A_187 : vector<256x1xf32> to vector<256x2048xf32>
    %eq3A_189 = arith.cmpf oeq, %select_n3A_184, %eq3A_188 : vector<256x2048xf32>
    %jit3A_190 = arith.constant 2048 : i32
    %broadcast_in_dim3A_191 = vector.broadcast %jit3A_190 : i32 to vector<256x2048xi32>
    %select_n3A_192 = arith.select %eq3A_189, %iota3A, %broadcast_in_dim3A_191 : vector<256x2048xi1>, vector<256x2048xi32>
    %reduce_min3A_193 = arith.constant dense<2147483647> : vector<256xi32>
    %reduce_min3A_194 = vector.multi_reduction <minsi>, %select_n3A_192, %reduce_min3A_193 [1] : vector<256x2048xi32> to vector<256xi32>
    %broadcast_in_dim3A_195 = vector.shape_cast %reduce_min3A_194 : vector<256xi32> to vector<256x1xi32>
    %eq3A_196 = vector.broadcast %broadcast_in_dim3A_195 : vector<256x1xi32> to vector<256x2048xi32>
    %eq3A_197 = arith.cmpi eq, %iota3A, %eq3A_196 : vector<256x2048xi32>
    %jit3A_198 = arith.constant 0xFF800000 : f32
    %broadcast_in_dim3A_199 = vector.broadcast %jit3A_198 : f32 to vector<256x2048xf32>
    %select_n3A_200 = arith.select %eq3A_197, %broadcast_in_dim3A_199, %select_n3A_184 : vector<256x2048xi1>, vector<256x2048xf32>
    %reduce_max3A_201 = arith.constant dense<0xFF800000> : vector<256xf32>
    %reduce_max3A_202 = vector.multi_reduction <maximumf>, %select_n3A_200, %reduce_max3A_201 [1] : vector<256x2048xf32> to vector<256xf32>
    %broadcast_in_dim3A_203 = vector.shape_cast %reduce_max3A_202 : vector<256xf32> to vector<256x1xf32>
    %eq3A_204 = vector.broadcast %broadcast_in_dim3A_203 : vector<256x1xf32> to vector<256x2048xf32>
    %eq3A_205 = arith.cmpf oeq, %select_n3A_200, %eq3A_204 : vector<256x2048xf32>
    %jit3A_206 = arith.constant 2048 : i32
    %broadcast_in_dim3A_207 = vector.broadcast %jit3A_206 : i32 to vector<256x2048xi32>
    %select_n3A_208 = arith.select %eq3A_205, %iota3A, %broadcast_in_dim3A_207 : vector<256x2048xi1>, vector<256x2048xi32>
    %reduce_min3A_209 = arith.constant dense<2147483647> : vector<256xi32>
    %reduce_min3A_210 = vector.multi_reduction <minsi>, %select_n3A_208, %reduce_min3A_209 [1] : vector<256x2048xi32> to vector<256xi32>
    %broadcast_in_dim3A_211 = vector.shape_cast %reduce_min3A_210 : vector<256xi32> to vector<256x1xi32>
    %eq3A_212 = vector.broadcast %broadcast_in_dim3A_211 : vector<256x1xi32> to vector<256x2048xi32>
    %eq3A_213 = arith.cmpi eq, %iota3A, %eq3A_212 : vector<256x2048xi32>
    %jit3A_214 = arith.constant 0xFF800000 : f32
    %broadcast_in_dim3A_215 = vector.broadcast %jit3A_214 : f32 to vector<256x2048xf32>
    %select_n3A_216 = arith.select %eq3A_213, %broadcast_in_dim3A_215, %select_n3A_200 : vector<256x2048xi1>, vector<256x2048xf32>
    %reduce_max3A_217 = arith.constant dense<0xFF800000> : vector<256xf32>
    %reduce_max3A_218 = vector.multi_reduction <maximumf>, %select_n3A_216, %reduce_max3A_217 [1] : vector<256x2048xf32> to vector<256xf32>
    %broadcast_in_dim3A_219 = vector.shape_cast %reduce_max3A_218 : vector<256xf32> to vector<256x1xf32>
    %eq3A_220 = vector.broadcast %broadcast_in_dim3A_219 : vector<256x1xf32> to vector<256x2048xf32>
    %eq3A_221 = arith.cmpf oeq, %select_n3A_216, %eq3A_220 : vector<256x2048xf32>
    %jit3A_222 = arith.constant 2048 : i32
    %broadcast_in_dim3A_223 = vector.broadcast %jit3A_222 : i32 to vector<256x2048xi32>
    %select_n3A_224 = arith.select %eq3A_221, %iota3A, %broadcast_in_dim3A_223 : vector<256x2048xi1>, vector<256x2048xi32>
    %reduce_min3A_225 = arith.constant dense<2147483647> : vector<256xi32>
    %reduce_min3A_226 = vector.multi_reduction <minsi>, %select_n3A_224, %reduce_min3A_225 [1] : vector<256x2048xi32> to vector<256xi32>
    %broadcast_in_dim3A_227 = vector.shape_cast %reduce_min3A_226 : vector<256xi32> to vector<256x1xi32>
    %eq3A_228 = vector.broadcast %broadcast_in_dim3A_227 : vector<256x1xi32> to vector<256x2048xi32>
    %eq3A_229 = arith.cmpi eq, %iota3A, %eq3A_228 : vector<256x2048xi32>
    %jit3A_230 = arith.constant 0xFF800000 : f32
    %broadcast_in_dim3A_231 = vector.broadcast %jit3A_230 : f32 to vector<256x2048xf32>
    %select_n3A_232 = arith.select %eq3A_229, %broadcast_in_dim3A_231, %select_n3A_216 : vector<256x2048xi1>, vector<256x2048xf32>
    %reduce_max3A_233 = arith.constant dense<0xFF800000> : vector<256xf32>
    %reduce_max3A_234 = vector.multi_reduction <maximumf>, %select_n3A_232, %reduce_max3A_233 [1] : vector<256x2048xf32> to vector<256xf32>
    %broadcast_in_dim3A_235 = vector.shape_cast %reduce_max3A_234 : vector<256xf32> to vector<256x1xf32>
    %eq3A_236 = vector.broadcast %broadcast_in_dim3A_235 : vector<256x1xf32> to vector<256x2048xf32>
    %eq3A_237 = arith.cmpf oeq, %select_n3A_232, %eq3A_236 : vector<256x2048xf32>
    %jit3A_238 = arith.constant 2048 : i32
    %broadcast_in_dim3A_239 = vector.broadcast %jit3A_238 : i32 to vector<256x2048xi32>
    %select_n3A_240 = arith.select %eq3A_237, %iota3A, %broadcast_in_dim3A_239 : vector<256x2048xi1>, vector<256x2048xi32>
    %reduce_min3A_241 = arith.constant dense<2147483647> : vector<256xi32>
    %reduce_min3A_242 = vector.multi_reduction <minsi>, %select_n3A_240, %reduce_min3A_241 [1] : vector<256x2048xi32> to vector<256xi32>
    %broadcast_in_dim3A_243 = vector.shape_cast %reduce_min3A_242 : vector<256xi32> to vector<256x1xi32>
    %eq3A_244 = vector.broadcast %broadcast_in_dim3A_243 : vector<256x1xi32> to vector<256x2048xi32>
    %eq3A_245 = arith.cmpi eq, %iota3A, %eq3A_244 : vector<256x2048xi32>
    %jit3A_246 = arith.constant 0xFF800000 : f32
    %broadcast_in_dim3A_247 = vector.broadcast %jit3A_246 : f32 to vector<256x2048xf32>
    %select_n3A_248 = arith.select %eq3A_245, %broadcast_in_dim3A_247, %select_n3A_232 : vector<256x2048xi1>, vector<256x2048xf32>
    %reduce_max3A_249 = arith.constant dense<0xFF800000> : vector<256xf32>
    %reduce_max3A_250 = vector.multi_reduction <maximumf>, %select_n3A_248, %reduce_max3A_249 [1] : vector<256x2048xf32> to vector<256xf32>
    %broadcast_in_dim3A_251 = vector.shape_cast %reduce_max3A_250 : vector<256xf32> to vector<256x1xf32>
    %eq3A_252 = vector.broadcast %broadcast_in_dim3A_251 : vector<256x1xf32> to vector<256x2048xf32>
    %eq3A_253 = arith.cmpf oeq, %select_n3A_248, %eq3A_252 : vector<256x2048xf32>
    %jit3A_254 = arith.constant 2048 : i32
    %broadcast_in_dim3A_255 = vector.broadcast %jit3A_254 : i32 to vector<256x2048xi32>
    %select_n3A_256 = arith.select %eq3A_253, %iota3A, %broadcast_in_dim3A_255 : vector<256x2048xi1>, vector<256x2048xi32>
    %reduce_min3A_257 = arith.constant dense<2147483647> : vector<256xi32>
    %reduce_min3A_258 = vector.multi_reduction <minsi>, %select_n3A_256, %reduce_min3A_257 [1] : vector<256x2048xi32> to vector<256xi32>
    %broadcast_in_dim3A_259 = vector.shape_cast %reduce_min3A_258 : vector<256xi32> to vector<256x1xi32>
    %eq3A_260 = vector.broadcast %broadcast_in_dim3A_259 : vector<256x1xi32> to vector<256x2048xi32>
    %eq3A_261 = arith.cmpi eq, %iota3A, %eq3A_260 : vector<256x2048xi32>
    %jit3A_262 = arith.constant 0xFF800000 : f32
    %broadcast_in_dim3A_263 = vector.broadcast %jit3A_262 : f32 to vector<256x2048xf32>
    %select_n3A_264 = arith.select %eq3A_261, %broadcast_in_dim3A_263, %select_n3A_248 : vector<256x2048xi1>, vector<256x2048xf32>
    %reduce_max3A_265 = arith.constant dense<0xFF800000> : vector<256xf32>
    %reduce_max3A_266 = vector.multi_reduction <maximumf>, %select_n3A_264, %reduce_max3A_265 [1] : vector<256x2048xf32> to vector<256xf32>
    %broadcast_in_dim3A_267 = vector.shape_cast %reduce_max3A_266 : vector<256xf32> to vector<256x1xf32>
    %eq3A_268 = vector.broadcast %broadcast_in_dim3A_267 : vector<256x1xf32> to vector<256x2048xf32>
    %eq3A_269 = arith.cmpf oeq, %select_n3A_264, %eq3A_268 : vector<256x2048xf32>
    %jit3A_270 = arith.constant 2048 : i32
    %broadcast_in_dim3A_271 = vector.broadcast %jit3A_270 : i32 to vector<256x2048xi32>
    %select_n3A_272 = arith.select %eq3A_269, %iota3A, %broadcast_in_dim3A_271 : vector<256x2048xi1>, vector<256x2048xi32>
    %reduce_min3A_273 = arith.constant dense<2147483647> : vector<256xi32>
    %reduce_min3A_274 = vector.multi_reduction <minsi>, %select_n3A_272, %reduce_min3A_273 [1] : vector<256x2048xi32> to vector<256xi32>
    %broadcast_in_dim3A_275 = vector.shape_cast %reduce_min3A_274 : vector<256xi32> to vector<256x1xi32>
    %eq3A_276 = vector.broadcast %broadcast_in_dim3A_275 : vector<256x1xi32> to vector<256x2048xi32>
    %eq3A_277 = arith.cmpi eq, %iota3A, %eq3A_276 : vector<256x2048xi32>
    %jit3A_278 = arith.constant 0xFF800000 : f32
    %broadcast_in_dim3A_279 = vector.broadcast %jit3A_278 : f32 to vector<256x2048xf32>
    %select_n3A_280 = arith.select %eq3A_277, %broadcast_in_dim3A_279, %select_n3A_264 : vector<256x2048xi1>, vector<256x2048xf32>
    %reduce_max3A_281 = arith.constant dense<0xFF800000> : vector<256xf32>
    %reduce_max3A_282 = vector.multi_reduction <maximumf>, %select_n3A_280, %reduce_max3A_281 [1] : vector<256x2048xf32> to vector<256xf32>
    %broadcast_in_dim3A_283 = vector.shape_cast %reduce_max3A_282 : vector<256xf32> to vector<256x1xf32>
    %eq3A_284 = vector.broadcast %broadcast_in_dim3A_283 : vector<256x1xf32> to vector<256x2048xf32>
    %eq3A_285 = arith.cmpf oeq, %select_n3A_280, %eq3A_284 : vector<256x2048xf32>
    %jit3A_286 = arith.constant 2048 : i32
    %broadcast_in_dim3A_287 = vector.broadcast %jit3A_286 : i32 to vector<256x2048xi32>
    %select_n3A_288 = arith.select %eq3A_285, %iota3A, %broadcast_in_dim3A_287 : vector<256x2048xi1>, vector<256x2048xi32>
    %reduce_min3A_289 = arith.constant dense<2147483647> : vector<256xi32>
    %reduce_min3A_290 = vector.multi_reduction <minsi>, %select_n3A_288, %reduce_min3A_289 [1] : vector<256x2048xi32> to vector<256xi32>
    %broadcast_in_dim3A_291 = vector.shape_cast %reduce_min3A_290 : vector<256xi32> to vector<256x1xi32>
    %eq3A_292 = vector.broadcast %broadcast_in_dim3A_291 : vector<256x1xi32> to vector<256x2048xi32>
    %eq3A_293 = arith.cmpi eq, %iota3A, %eq3A_292 : vector<256x2048xi32>
    %jit3A_294 = arith.constant 0xFF800000 : f32
    %broadcast_in_dim3A_295 = vector.broadcast %jit3A_294 : f32 to vector<256x2048xf32>
    %select_n3A_296 = arith.select %eq3A_293, %broadcast_in_dim3A_295, %select_n3A_280 : vector<256x2048xi1>, vector<256x2048xf32>
    %reduce_max3A_297 = arith.constant dense<0xFF800000> : vector<256xf32>
    %reduce_max3A_298 = vector.multi_reduction <maximumf>, %select_n3A_296, %reduce_max3A_297 [1] : vector<256x2048xf32> to vector<256xf32>
    %broadcast_in_dim3A_299 = vector.shape_cast %reduce_max3A_298 : vector<256xf32> to vector<256x1xf32>
    %eq3A_300 = vector.broadcast %broadcast_in_dim3A_299 : vector<256x1xf32> to vector<256x2048xf32>
    %eq3A_301 = arith.cmpf oeq, %select_n3A_296, %eq3A_300 : vector<256x2048xf32>
    %jit3A_302 = arith.constant 2048 : i32
    %broadcast_in_dim3A_303 = vector.broadcast %jit3A_302 : i32 to vector<256x2048xi32>
    %select_n3A_304 = arith.select %eq3A_301, %iota3A, %broadcast_in_dim3A_303 : vector<256x2048xi1>, vector<256x2048xi32>
    %reduce_min3A_305 = arith.constant dense<2147483647> : vector<256xi32>
    %reduce_min3A_306 = vector.multi_reduction <minsi>, %select_n3A_304, %reduce_min3A_305 [1] : vector<256x2048xi32> to vector<256xi32>
    %broadcast_in_dim3A_307 = vector.shape_cast %reduce_min3A_306 : vector<256xi32> to vector<256x1xi32>
    %eq3A_308 = vector.broadcast %broadcast_in_dim3A_307 : vector<256x1xi32> to vector<256x2048xi32>
    %eq3A_309 = arith.cmpi eq, %iota3A, %eq3A_308 : vector<256x2048xi32>
    %jit3A_310 = arith.constant 0xFF800000 : f32
    %broadcast_in_dim3A_311 = vector.broadcast %jit3A_310 : f32 to vector<256x2048xf32>
    %select_n3A_312 = arith.select %eq3A_309, %broadcast_in_dim3A_311, %select_n3A_296 : vector<256x2048xi1>, vector<256x2048xf32>
    %reduce_max3A_313 = arith.constant dense<0xFF800000> : vector<256xf32>
    %reduce_max3A_314 = vector.multi_reduction <maximumf>, %select_n3A_312, %reduce_max3A_313 [1] : vector<256x2048xf32> to vector<256xf32>
    %broadcast_in_dim3A_315 = vector.shape_cast %reduce_max3A_314 : vector<256xf32> to vector<256x1xf32>
    %eq3A_316 = vector.broadcast %broadcast_in_dim3A_315 : vector<256x1xf32> to vector<256x2048xf32>
    %eq3A_317 = arith.cmpf oeq, %select_n3A_312, %eq3A_316 : vector<256x2048xf32>
    %jit3A_318 = arith.constant 2048 : i32
    %broadcast_in_dim3A_319 = vector.broadcast %jit3A_318 : i32 to vector<256x2048xi32>
    %select_n3A_320 = arith.select %eq3A_317, %iota3A, %broadcast_in_dim3A_319 : vector<256x2048xi1>, vector<256x2048xi32>
    %reduce_min3A_321 = arith.constant dense<2147483647> : vector<256xi32>
    %reduce_min3A_322 = vector.multi_reduction <minsi>, %select_n3A_320, %reduce_min3A_321 [1] : vector<256x2048xi32> to vector<256xi32>
    %broadcast_in_dim3A_323 = vector.shape_cast %reduce_min3A_322 : vector<256xi32> to vector<256x1xi32>
    %eq3A_324 = vector.broadcast %broadcast_in_dim3A_323 : vector<256x1xi32> to vector<256x2048xi32>
    %eq3A_325 = arith.cmpi eq, %iota3A, %eq3A_324 : vector<256x2048xi32>
    %jit3A_326 = arith.constant 0xFF800000 : f32
    %broadcast_in_dim3A_327 = vector.broadcast %jit3A_326 : f32 to vector<256x2048xf32>
    %select_n3A_328 = arith.select %eq3A_325, %broadcast_in_dim3A_327, %select_n3A_312 : vector<256x2048xi1>, vector<256x2048xf32>
    %reduce_max3A_329 = arith.constant dense<0xFF800000> : vector<256xf32>
    %reduce_max3A_330 = vector.multi_reduction <maximumf>, %select_n3A_328, %reduce_max3A_329 [1] : vector<256x2048xf32> to vector<256xf32>
    %broadcast_in_dim3A_331 = vector.shape_cast %reduce_max3A_330 : vector<256xf32> to vector<256x1xf32>
    %eq3A_332 = vector.broadcast %broadcast_in_dim3A_331 : vector<256x1xf32> to vector<256x2048xf32>
    %eq3A_333 = arith.cmpf oeq, %select_n3A_328, %eq3A_332 : vector<256x2048xf32>
    %jit3A_334 = arith.constant 2048 : i32
    %broadcast_in_dim3A_335 = vector.broadcast %jit3A_334 : i32 to vector<256x2048xi32>
    %select_n3A_336 = arith.select %eq3A_333, %iota3A, %broadcast_in_dim3A_335 : vector<256x2048xi1>, vector<256x2048xi32>
    %reduce_min3A_337 = arith.constant dense<2147483647> : vector<256xi32>
    %reduce_min3A_338 = vector.multi_reduction <minsi>, %select_n3A_336, %reduce_min3A_337 [1] : vector<256x2048xi32> to vector<256xi32>
    %broadcast_in_dim3A_339 = vector.shape_cast %reduce_min3A_338 : vector<256xi32> to vector<256x1xi32>
    %concatenate3A = tpu.concatenate %broadcast_in_dim3A_35, %broadcast_in_dim3A_51, %broadcast_in_dim3A_67, %broadcast_in_dim3A_83, %broadcast_in_dim3A_99, %broadcast_in_dim3A_115, %broadcast_in_dim3A_131, %broadcast_in_dim3A_147, %broadcast_in_dim3A_163, %broadcast_in_dim3A_179, %broadcast_in_dim3A_195, %broadcast_in_dim3A_211, %broadcast_in_dim3A_227, %broadcast_in_dim3A_243, %broadcast_in_dim3A_259, %broadcast_in_dim3A_275, %broadcast_in_dim3A_291, %broadcast_in_dim3A_307, %broadcast_in_dim3A_323, %broadcast_in_dim3A_339 in 1 : vector<256x1xi32>, vector<256x1xi32>, vector<256x1xi32>, vector<256x1xi32>, vector<256x1xi32>, vector<256x1xi32>, vector<256x1xi32>, vector<256x1xi32>, vector<256x1xi32>, vector<256x1xi32>, vector<256x1xi32>, vector<256x1xi32>, vector<256x1xi32>, vector<256x1xi32>, vector<256x1xi32>, vector<256x1xi32>, vector<256x1xi32>, vector<256x1xi32>, vector<256x1xi32>, vector<256x1xi32> -> vector<256x20xi32>
    %mul3A_340 = arith.constant 2048 : i32
    %mul3A_341 = arith.muli %arg0, %mul3A_340 : i32
    %add3A = vector.broadcast %mul3A_341 : i32 to vector<256x20xi32>
    %add3A_342 = arith.addi %concatenate3A, %add3A : vector<256x20xi32>
    %swap3A = arith.constant 0 : index
    %swap3A_343 = arith.constant 0 : index
    %swap3A_344 = arith.constant 0 : index
    %swap3A_345 = vector.load %arg6[%swap3A, %swap3A_343, %swap3A_344] : memref<1x256x20xi32, #tpu.memory_space<vmem>>, vector<1x256x20xi32>
    %swap3A_346 = vector.shape_cast %swap3A_345 : vector<1x256x20xi32> to vector<256x20xi32>
    %swap3A_347 = vector.shape_cast %add3A_342 : vector<256x20xi32> to vector<1x256x20xi32>
    tpu.vector_store %arg6[%swap3A, %swap3A_343, %swap3A_344], %swap3A_347 {strides = array<i32>} : memref<1x256x20xi32, #tpu.memory_space<vmem>>, vector<1x256x20xi32>,
    return
  }
  func.func @transform_0(%arg0: i32, %arg1: i32) -> (i32, i32, i32) {
    %c0_i32 = arith.constant 0 : i32
    %c0_i32_0 = arith.constant 0 : i32
    %c0_i32_1 = arith.constant 0 : i32
    return %arg0, %c0_i32, %c0_i32_0 : i32, i32, i32
  }
  func.func @transform_1(%arg0: i32, %arg1: i32) -> (i32, i32, i32) {
    %c0_i32 = arith.constant 0 : i32
    %c0_i32_0 = arith.constant 0 : i32
    %c0_i32_1 = arith.constant 0 : i32
    return %arg0, %c0_i32, %c0_i32_0 : i32, i32, i32
  }
  func.func @transform_2(%arg0: i32, %arg1: i32) -> (i32, i32, i32) {
    %c0_i32 = arith.constant 0 : i32
    %c0_i32_0 = arith.constant 0 : i32
    %c0_i32_1 = arith.constant 0 : i32
    return %arg0, %c0_i32, %c0_i32_0 : i32, i32, i32
  }
  func.func @transform_3(%arg0: i32, %arg1: i32) -> (i32, i32, i32) {
    %c0_i32 = arith.constant 0 : i32
    %c0_i32_0 = arith.constant 0 : i32
    return %arg0, %arg1, %c0_i32 : i32, i32, i32
  }
  func.func @transform_4(%arg0: i32, %arg1: i32) -> (i32, i32, i32) {
    %c0_i32 = arith.constant 0 : i32
    %c0_i32_0 = arith.constant 0 : i32
    return %arg0, %arg1, %c0_i32 : i32, i32, i32
  }
}

module attributes {stable_mosaic.version = 14 : i64} {
  func.func @_convz_body(%arg0: i32, %arg1: memref<2560x128xf32, #tpu.memory_space<vmem>>, %arg2: memref<128x64xf32, #tpu.memory_space<vmem>>, %arg3: memref<128x64xf32, #tpu.memory_space<vmem>>, %arg4: memref<128x64xf32, #tpu.memory_space<vmem>>, %arg5: memref<2560x64xf32, #tpu.memory_space<vmem>>) attributes {dimension_semantics = [#tpu.dimension_semantics<arbitrary>], iteration_bounds = array<i64: 128>, scalar_prefetch = 0 : i64, scratch_operands = 0 : i64, tpu.core_type = #tpu.core_type<tc>, window_params = [{transform_indices = @transform_0, window_bounds = array<i64: 2560, 128>}, {transform_indices = @transform_1, window_bounds = array<i64: 128, 64>}, {pipeline_mode = #tpu.pipeline_mode<synchronous>, transform_indices = @transform_2, window_bounds = array<i64: 128, 64>}, {transform_indices = @transform_3, window_bounds = array<i64: 128, 64>}, {transform_indices = @transform_4, window_bounds = array<i64: 2560, 64>}]} {
    %get3A = arith.constant 0 : index
    %get3A_0 = arith.constant 0 : index
    %get3A_1 = vector.load %arg2[%get3A, %get3A_0] : memref<128x64xf32, #tpu.memory_space<vmem>>, vector<128x64xf32>
    %get3A_2 = arith.constant 0 : index
    %get3A_3 = arith.constant 0 : index
    %get3A_4 = vector.load %arg1[%get3A_2, %get3A_3] : memref<2560x128xf32, #tpu.memory_space<vmem>>, vector<2560x128xf32>
    %slice3A = vector.extract_strided_slice %get3A_4 {offsets = [0, 0], sizes = [2560, 64], strides = [1, 1]} : vector<2560x128xf32> to vector<2560x64xf32>
    %reshape3A = vector.shape_cast %slice3A : vector<2560x64xf32> to vector<128x20x64xf32>
    %broadcast_in_dim3A = vector.shape_cast %get3A_1 : vector<128x64xf32> to vector<128x1x64xf32>
    %sub3A = vector.broadcast %broadcast_in_dim3A : vector<128x1x64xf32> to vector<128x20x64xf32>
    %sub3A_5 = arith.subf %reshape3A, %sub3A : vector<128x20x64xf32>
    %broadcast_in_dim3A_6 = vector.shape_cast %get3A_1 : vector<128x64xf32> to vector<128x1x64xf32>
    %broadcast_in_dim3A_7 = vector.shape_cast %broadcast_in_dim3A_6 : vector<128x1x64xf32> to vector<128x1x64xf32>
    %broadcast_in_dim3A_8 = vector.broadcast %broadcast_in_dim3A_7 : vector<128x1x64xf32> to vector<128x20x64xf32>
    %concatenate3A = tpu.concatenate %sub3A_5, %broadcast_in_dim3A_8 in 2 : vector<128x20x64xf32>, vector<128x20x64xf32> -> vector<128x20x128xf32>
    %reshape3A_9 = vector.shape_cast %concatenate3A : vector<128x20x128xf32> to vector<2560x128xf32>
    %convert_element_type3A = arith.truncf %reshape3A_9 : vector<2560x128xf32> to vector<2560x128xbf16>
    %get3A_10 = arith.constant 0 : index
    %get3A_11 = arith.constant 0 : index
    %get3A_12 = vector.load %arg3[%get3A_10, %get3A_11] : memref<128x64xf32, #tpu.memory_space<vmem>>, vector<128x64xf32>
    %convert_element_type3A_13 = arith.truncf %get3A_12 : vector<128x64xf32> to vector<128x64xbf16>
    %dot_general3A = arith.constant dense<0.000000e+00> : vector<2560x64xf32>
    %dot_general3A_14 = tpu.matmul %convert_element_type3A, %convert_element_type3A_13, %dot_general3A {dimension_numbers = #tpu.dot_dimension_numbers<[1], [0], [0], [1], [0, 0, 1, 1], [], []>, transpose_lhs_hint = false} : vector<2560x128xbf16>, vector<128x64xbf16>, vector<2560x64xf32> -> vector<2560x64xf32>
    %swap3A = arith.constant 0 : index
    %swap3A_15 = arith.constant 0 : index
    %swap3A_16 = vector.load %arg5[%swap3A, %swap3A_15] : memref<2560x64xf32, #tpu.memory_space<vmem>>, vector<2560x64xf32>
    tpu.vector_store %arg5[%swap3A, %swap3A_15], %dot_general3A_14 {strides = array<i32>} : memref<2560x64xf32, #tpu.memory_space<vmem>>, vector<2560x64xf32>,
    %reshape3A_17 = vector.shape_cast %dot_general3A_14 : vector<2560x64xf32> to vector<128x20x64xf32>
    %reduce_max3A = arith.constant dense<0xFF800000> : vector<128x64xf32>
    %reduce_max3A_18 = vector.multi_reduction <maximumf>, %reshape3A_17, %reduce_max3A [1] : vector<128x20x64xf32> to vector<128x64xf32>
    %swap3A_19 = arith.constant 0 : index
    %swap3A_20 = arith.constant 0 : index
    %swap3A_21 = vector.load %arg4[%swap3A_19, %swap3A_20] : memref<128x64xf32, #tpu.memory_space<vmem>>, vector<128x64xf32>
    tpu.vector_store %arg4[%swap3A_19, %swap3A_20], %reduce_max3A_18 {strides = array<i32>} : memref<128x64xf32, #tpu.memory_space<vmem>>, vector<128x64xf32>,
    return
  }
  func.func @transform_0(%arg0: i32) -> (i32, i32) {
    %c0_i32 = arith.constant 0 : i32
    %c0_i32_0 = arith.constant 0 : i32
    return %arg0, %c0_i32 : i32, i32
  }
  func.func @transform_1(%arg0: i32) -> (i32, i32) {
    %c0_i32 = arith.constant 0 : i32
    %c0_i32_0 = arith.constant 0 : i32
    return %arg0, %c0_i32 : i32, i32
  }
  func.func @transform_2(%arg0: i32) -> (i32, i32) {
    %c0_i32 = arith.constant 0 : i32
    %c0_i32_0 = arith.constant 0 : i32
    %c0_i32_1 = arith.constant 0 : i32
    return %c0_i32, %c0_i32_0 : i32, i32
  }
  func.func @transform_3(%arg0: i32) -> (i32, i32) {
    %c0_i32 = arith.constant 0 : i32
    %c0_i32_0 = arith.constant 0 : i32
    return %arg0, %c0_i32 : i32, i32
  }
  func.func @transform_4(%arg0: i32) -> (i32, i32) {
    %c0_i32 = arith.constant 0 : i32
    %c0_i32_0 = arith.constant 0 : i32
    return %arg0, %c0_i32 : i32, i32
  }
}

module attributes {stable_mosaic.version = 14 : i64} {
  func.func @_convz_body(%arg0: i32, %arg1: memref<2560x128xf32, #tpu.memory_space<vmem>>, %arg2: memref<128x64xf32, #tpu.memory_space<vmem>>, %arg3: memref<128x128xf32, #tpu.memory_space<vmem>>, %arg4: memref<128x128xf32, #tpu.memory_space<vmem>>, %arg5: memref<2560x128xf32, #tpu.memory_space<vmem>>) attributes {dimension_semantics = [#tpu.dimension_semantics<arbitrary>], iteration_bounds = array<i64: 128>, scalar_prefetch = 0 : i64, scratch_operands = 0 : i64, tpu.core_type = #tpu.core_type<tc>, window_params = [{transform_indices = @transform_0, window_bounds = array<i64: 2560, 128>}, {transform_indices = @transform_1, window_bounds = array<i64: 128, 64>}, {pipeline_mode = #tpu.pipeline_mode<synchronous>, transform_indices = @transform_2, window_bounds = array<i64: 128, 128>}, {transform_indices = @transform_3, window_bounds = array<i64: 128, 128>}, {transform_indices = @transform_4, window_bounds = array<i64: 2560, 128>}]} {
    %get3A = arith.constant 0 : index
    %get3A_0 = arith.constant 0 : index
    %get3A_1 = vector.load %arg2[%get3A, %get3A_0] : memref<128x64xf32, #tpu.memory_space<vmem>>, vector<128x64xf32>
    %get3A_2 = arith.constant 0 : index
    %get3A_3 = arith.constant 0 : index
    %get3A_4 = vector.load %arg1[%get3A_2, %get3A_3] : memref<2560x128xf32, #tpu.memory_space<vmem>>, vector<2560x128xf32>
    %slice3A = vector.extract_strided_slice %get3A_4 {offsets = [0, 0], sizes = [2560, 64], strides = [1, 1]} : vector<2560x128xf32> to vector<2560x64xf32>
    %reshape3A = vector.shape_cast %slice3A : vector<2560x64xf32> to vector<128x20x64xf32>
    %broadcast_in_dim3A = vector.shape_cast %get3A_1 : vector<128x64xf32> to vector<128x1x64xf32>
    %sub3A = vector.broadcast %broadcast_in_dim3A : vector<128x1x64xf32> to vector<128x20x64xf32>
    %sub3A_5 = arith.subf %reshape3A, %sub3A : vector<128x20x64xf32>
    %broadcast_in_dim3A_6 = vector.shape_cast %get3A_1 : vector<128x64xf32> to vector<128x1x64xf32>
    %broadcast_in_dim3A_7 = vector.shape_cast %broadcast_in_dim3A_6 : vector<128x1x64xf32> to vector<128x1x64xf32>
    %broadcast_in_dim3A_8 = vector.broadcast %broadcast_in_dim3A_7 : vector<128x1x64xf32> to vector<128x20x64xf32>
    %concatenate3A = tpu.concatenate %sub3A_5, %broadcast_in_dim3A_8 in 2 : vector<128x20x64xf32>, vector<128x20x64xf32> -> vector<128x20x128xf32>
    %reshape3A_9 = vector.shape_cast %concatenate3A : vector<128x20x128xf32> to vector<2560x128xf32>
    %convert_element_type3A = arith.truncf %reshape3A_9 : vector<2560x128xf32> to vector<2560x128xbf16>
    %get3A_10 = arith.constant 0 : index
    %get3A_11 = arith.constant 0 : index
    %get3A_12 = vector.load %arg3[%get3A_10, %get3A_11] : memref<128x128xf32, #tpu.memory_space<vmem>>, vector<128x128xf32>
    %convert_element_type3A_13 = arith.truncf %get3A_12 : vector<128x128xf32> to vector<128x128xbf16>
    %dot_general3A = arith.constant dense<0.000000e+00> : vector<2560x128xf32>
    %dot_general3A_14 = tpu.matmul %convert_element_type3A, %convert_element_type3A_13, %dot_general3A {dimension_numbers = #tpu.dot_dimension_numbers<[1], [0], [0], [1], [0, 0, 1, 1], [], []>, transpose_lhs_hint = false} : vector<2560x128xbf16>, vector<128x128xbf16>, vector<2560x128xf32> -> vector<2560x128xf32>
    %swap3A = arith.constant 0 : index
    %swap3A_15 = arith.constant 0 : index
    %swap3A_16 = vector.load %arg5[%swap3A, %swap3A_15] : memref<2560x128xf32, #tpu.memory_space<vmem>>, vector<2560x128xf32>
    tpu.vector_store %arg5[%swap3A, %swap3A_15], %dot_general3A_14 {strides = array<i32>} : memref<2560x128xf32, #tpu.memory_space<vmem>>, vector<2560x128xf32>,
    %reshape3A_17 = vector.shape_cast %dot_general3A_14 : vector<2560x128xf32> to vector<128x20x128xf32>
    %reduce_max3A = arith.constant dense<0xFF800000> : vector<128x128xf32>
    %reduce_max3A_18 = vector.multi_reduction <maximumf>, %reshape3A_17, %reduce_max3A [1] : vector<128x20x128xf32> to vector<128x128xf32>
    %swap3A_19 = arith.constant 0 : index
    %swap3A_20 = arith.constant 0 : index
    %swap3A_21 = vector.load %arg4[%swap3A_19, %swap3A_20] : memref<128x128xf32, #tpu.memory_space<vmem>>, vector<128x128xf32>
    tpu.vector_store %arg4[%swap3A_19, %swap3A_20], %reduce_max3A_18 {strides = array<i32>} : memref<128x128xf32, #tpu.memory_space<vmem>>, vector<128x128xf32>,
    return
  }
  func.func @transform_0(%arg0: i32) -> (i32, i32) {
    %c0_i32 = arith.constant 0 : i32
    %c0_i32_0 = arith.constant 0 : i32
    return %arg0, %c0_i32 : i32, i32
  }
  func.func @transform_1(%arg0: i32) -> (i32, i32) {
    %c0_i32 = arith.constant 0 : i32
    %c0_i32_0 = arith.constant 0 : i32
    return %arg0, %c0_i32 : i32, i32
  }
  func.func @transform_2(%arg0: i32) -> (i32, i32) {
    %c0_i32 = arith.constant 0 : i32
    %c0_i32_0 = arith.constant 0 : i32
    %c0_i32_1 = arith.constant 0 : i32
    return %c0_i32, %c0_i32_0 : i32, i32
  }
  func.func @transform_3(%arg0: i32) -> (i32, i32) {
    %c0_i32 = arith.constant 0 : i32
    %c0_i32_0 = arith.constant 0 : i32
    return %arg0, %c0_i32 : i32, i32
  }
  func.func @transform_4(%arg0: i32) -> (i32, i32) {
    %c0_i32 = arith.constant 0 : i32
    %c0_i32_0 = arith.constant 0 : i32
    return %arg0, %c0_i32 : i32, i32
  }
}

module attributes {stable_mosaic.version = 14 : i64} {
  func.func @_knn_body(%arg0: i32, %arg1: i32, %arg2: memref<1x2048x128xf32, #tpu.memory_space<vmem>>, %arg3: memref<1x128x2048xf32, #tpu.memory_space<vmem>>, %arg4: memref<1x1x2048xf32, #tpu.memory_space<vmem>>, %arg5: memref<1x256x1xf32, #tpu.memory_space<vmem>>, %arg6: memref<1x256x20xi32, #tpu.memory_space<vmem>>, %arg7: memref<128x2048xbf16, #tpu.memory_space<vmem>>) attributes {dimension_semantics = [#tpu.dimension_semantics<arbitrary>, #tpu.dimension_semantics<arbitrary>], iteration_bounds = array<i64: 8, 8>, scalar_prefetch = 0 : i64, scratch_operands = 1 : i64, tpu.core_type = #tpu.core_type<tc>, window_params = [{transform_indices = @transform_0, window_bounds = array<i64: 1, 2048, 128>}, {transform_indices = @transform_1, window_bounds = array<i64: 1, 128, 2048>}, {transform_indices = @transform_2, window_bounds = array<i64: 1, 1, 2048>}, {transform_indices = @transform_3, window_bounds = array<i64: 1, 256, 1>}, {transform_indices = @transform_4, window_bounds = array<i64: 1, 256, 20>}]} {
    %eq3A = arith.constant 0 : i32
    %eq3A_0 = arith.cmpi eq, %arg1, %eq3A : i32
    %convert_element_type3A = arith.extui %eq3A_0 : i1 to i32
    %cond3A = arith.constant 0 : i32
    %cond3A_1 = arith.cmpi ne, %convert_element_type3A, %cond3A : i32
    scf.if %cond3A_1 {
      %get3A_348 = arith.constant 0 : index
      %get3A_349 = arith.constant 0 : index
      %get3A_350 = arith.constant 0 : index
      %get3A_351 = vector.load %arg3[%get3A_348, %get3A_349, %get3A_350] : memref<1x128x2048xf32, #tpu.memory_space<vmem>>, vector<1x128x2048xf32>
      %get3A_352 = vector.shape_cast %get3A_351 : vector<1x128x2048xf32> to vector<128x2048xf32>
      %convert_element_type3A_353 = arith.truncf %get3A_352 : vector<128x2048xf32> to vector<128x2048xbf16>
      %swap3A_354 = arith.constant 0 : index
      %swap3A_355 = arith.constant 0 : index
      %swap3A_356 = vector.load %arg7[%swap3A_354, %swap3A_355] : memref<128x2048xbf16, #tpu.memory_space<vmem>>, vector<128x2048xbf16>
      tpu.vector_store %arg7[%swap3A_354, %swap3A_355], %convert_element_type3A_353 {strides = array<i32>} : memref<128x2048xbf16, #tpu.memory_space<vmem>>, vector<128x2048xbf16>,
    } else {
    }
    %mul3A = arith.constant 256 : i32
    %mul3A_2 = arith.muli %arg1, %mul3A : i32
    %get3A = arith.constant 0 : index
    %get3A_3 = arith.index_cast %mul3A_2 : i32 to index
    %get3A_4 = arith.constant 0 : index
    %get3A_5 = vector.load %arg2[%get3A, %get3A_3, %get3A_4] : memref<1x2048x128xf32, #tpu.memory_space<vmem>>, vector<1x256x128xf32>
    %get3A_6 = vector.shape_cast %get3A_5 : vector<1x256x128xf32> to vector<256x128xf32>
    %convert_element_type3A_7 = arith.truncf %get3A_6 : vector<256x128xf32> to vector<256x128xbf16>
    %get3A_8 = arith.constant 0 : index
    %get3A_9 = arith.constant 0 : index
    %get3A_10 = vector.load %arg7[%get3A_8, %get3A_9] : memref<128x2048xbf16, #tpu.memory_space<vmem>>, vector<128x2048xbf16>
    %dot_general3A = arith.constant dense<0.000000e+00> : vector<256x2048xf32>
    %dot_general3A_11 = tpu.matmul %convert_element_type3A_7, %get3A_10, %dot_general3A {dimension_numbers = #tpu.dot_dimension_numbers<[1], [0], [0], [1], [0, 0, 1, 1], [], []>, transpose_lhs_hint = false} : vector<256x128xbf16>, vector<128x2048xbf16>, vector<256x2048xf32> -> vector<256x2048xf32>
    %get3A_12 = arith.constant 0 : index
    %get3A_13 = arith.constant 0 : index
    %get3A_14 = arith.constant 0 : index
    %get3A_15 = vector.load %arg4[%get3A_12, %get3A_13, %get3A_14] : memref<1x1x2048xf32, #tpu.memory_space<vmem>>, vector<1x1x2048xf32>
    %get3A_16 = vector.shape_cast %get3A_15 : vector<1x1x2048xf32> to vector<1x2048xf32>
    %neg3A = arith.constant 0.000000e+00 : f32
    %neg3A_17 = vector.broadcast %neg3A : f32 to vector<1x2048xf32>
    %neg3A_18 = arith.subf %neg3A_17, %get3A_16 : vector<1x2048xf32>
    %mul3A_19 = arith.constant -2.000000e+00 : f32
    %mul3A_20 = vector.broadcast %mul3A_19 : f32 to vector<256x2048xf32>
    %mul3A_21 = arith.mulf %mul3A_20, %dot_general3A_11 : vector<256x2048xf32>
    %sub3A = vector.broadcast %neg3A_18 : vector<1x2048xf32> to vector<256x2048xf32>
    %sub3A_22 = arith.subf %sub3A, %mul3A_21 : vector<256x2048xf32>
    %get3A_23 = arith.constant 0 : index
    %get3A_24 = arith.constant 0 : index
    %get3A_25 = arith.constant 0 : index
    %get3A_26 = vector.load %arg5[%get3A_23, %get3A_24, %get3A_25] : memref<1x256x1xf32, #tpu.memory_space<vmem>>, vector<1x256x1xf32>
    %get3A_27 = vector.shape_cast %get3A_26 : vector<1x256x1xf32> to vector<256x1xf32>
    %sub3A_28 = vector.broadcast %get3A_27 : vector<256x1xf32> to vector<256x2048xf32>
    %sub3A_29 = arith.subf %sub3A_22, %sub3A_28 : vector<256x2048xf32>
    %iota3A = tpu.iota {dimensions = array<i32: 1>} : vector<256x2048xi32>
    %reduce_max3A = arith.constant dense<0xFF800000> : vector<256xf32>
    %reduce_max3A_30 = vector.multi_reduction <maximumf>, %sub3A_29, %reduce_max3A [1] : vector<256x2048xf32> to vector<256xf32>
    %broadcast_in_dim3A = vector.shape_cast %reduce_max3A_30 : vector<256xf32> to vector<256x1xf32>
    %eq3A_31 = vector.broadcast %broadcast_in_dim3A : vector<256x1xf32> to vector<256x2048xf32>
    %eq3A_32 = arith.cmpf oeq, %sub3A_29, %eq3A_31 : vector<256x2048xf32>
    %jit3A = arith.constant 2048 : i32
    %broadcast_in_dim3A_33 = vector.broadcast %jit3A : i32 to vector<256x2048xi32>
    %select_n3A = arith.select %eq3A_32, %iota3A, %broadcast_in_dim3A_33 : vector<256x2048xi1>, vector<256x2048xi32>
    %reduce_min3A = arith.constant dense<2147483647> : vector<256xi32>
    %reduce_min3A_34 = vector.multi_reduction <minsi>, %select_n3A, %reduce_min3A [1] : vector<256x2048xi32> to vector<256xi32>
    %broadcast_in_dim3A_35 = vector.shape_cast %reduce_min3A_34 : vector<256xi32> to vector<256x1xi32>
    %eq3A_36 = vector.broadcast %broadcast_in_dim3A_35 : vector<256x1xi32> to vector<256x2048xi32>
    %eq3A_37 = arith.cmpi eq, %iota3A, %eq3A_36 : vector<256x2048xi32>
    %jit3A_38 = arith.constant 0xFF800000 : f32
    %broadcast_in_dim3A_39 = vector.broadcast %jit3A_38 : f32 to vector<256x2048xf32>
    %select_n3A_40 = arith.select %eq3A_37, %broadcast_in_dim3A_39, %sub3A_29 : vector<256x2048xi1>, vector<256x2048xf32>
    %reduce_max3A_41 = arith.constant dense<0xFF800000> : vector<256xf32>
    %reduce_max3A_42 = vector.multi_reduction <maximumf>, %select_n3A_40, %reduce_max3A_41 [1] : vector<256x2048xf32> to vector<256xf32>
    %broadcast_in_dim3A_43 = vector.shape_cast %reduce_max3A_42 : vector<256xf32> to vector<256x1xf32>
    %eq3A_44 = vector.broadcast %broadcast_in_dim3A_43 : vector<256x1xf32> to vector<256x2048xf32>
    %eq3A_45 = arith.cmpf oeq, %select_n3A_40, %eq3A_44 : vector<256x2048xf32>
    %jit3A_46 = arith.constant 2048 : i32
    %broadcast_in_dim3A_47 = vector.broadcast %jit3A_46 : i32 to vector<256x2048xi32>
    %select_n3A_48 = arith.select %eq3A_45, %iota3A, %broadcast_in_dim3A_47 : vector<256x2048xi1>, vector<256x2048xi32>
    %reduce_min3A_49 = arith.constant dense<2147483647> : vector<256xi32>
    %reduce_min3A_50 = vector.multi_reduction <minsi>, %select_n3A_48, %reduce_min3A_49 [1] : vector<256x2048xi32> to vector<256xi32>
    %broadcast_in_dim3A_51 = vector.shape_cast %reduce_min3A_50 : vector<256xi32> to vector<256x1xi32>
    %eq3A_52 = vector.broadcast %broadcast_in_dim3A_51 : vector<256x1xi32> to vector<256x2048xi32>
    %eq3A_53 = arith.cmpi eq, %iota3A, %eq3A_52 : vector<256x2048xi32>
    %jit3A_54 = arith.constant 0xFF800000 : f32
    %broadcast_in_dim3A_55 = vector.broadcast %jit3A_54 : f32 to vector<256x2048xf32>
    %select_n3A_56 = arith.select %eq3A_53, %broadcast_in_dim3A_55, %select_n3A_40 : vector<256x2048xi1>, vector<256x2048xf32>
    %reduce_max3A_57 = arith.constant dense<0xFF800000> : vector<256xf32>
    %reduce_max3A_58 = vector.multi_reduction <maximumf>, %select_n3A_56, %reduce_max3A_57 [1] : vector<256x2048xf32> to vector<256xf32>
    %broadcast_in_dim3A_59 = vector.shape_cast %reduce_max3A_58 : vector<256xf32> to vector<256x1xf32>
    %eq3A_60 = vector.broadcast %broadcast_in_dim3A_59 : vector<256x1xf32> to vector<256x2048xf32>
    %eq3A_61 = arith.cmpf oeq, %select_n3A_56, %eq3A_60 : vector<256x2048xf32>
    %jit3A_62 = arith.constant 2048 : i32
    %broadcast_in_dim3A_63 = vector.broadcast %jit3A_62 : i32 to vector<256x2048xi32>
    %select_n3A_64 = arith.select %eq3A_61, %iota3A, %broadcast_in_dim3A_63 : vector<256x2048xi1>, vector<256x2048xi32>
    %reduce_min3A_65 = arith.constant dense<2147483647> : vector<256xi32>
    %reduce_min3A_66 = vector.multi_reduction <minsi>, %select_n3A_64, %reduce_min3A_65 [1] : vector<256x2048xi32> to vector<256xi32>
    %broadcast_in_dim3A_67 = vector.shape_cast %reduce_min3A_66 : vector<256xi32> to vector<256x1xi32>
    %eq3A_68 = vector.broadcast %broadcast_in_dim3A_67 : vector<256x1xi32> to vector<256x2048xi32>
    %eq3A_69 = arith.cmpi eq, %iota3A, %eq3A_68 : vector<256x2048xi32>
    %jit3A_70 = arith.constant 0xFF800000 : f32
    %broadcast_in_dim3A_71 = vector.broadcast %jit3A_70 : f32 to vector<256x2048xf32>
    %select_n3A_72 = arith.select %eq3A_69, %broadcast_in_dim3A_71, %select_n3A_56 : vector<256x2048xi1>, vector<256x2048xf32>
    %reduce_max3A_73 = arith.constant dense<0xFF800000> : vector<256xf32>
    %reduce_max3A_74 = vector.multi_reduction <maximumf>, %select_n3A_72, %reduce_max3A_73 [1] : vector<256x2048xf32> to vector<256xf32>
    %broadcast_in_dim3A_75 = vector.shape_cast %reduce_max3A_74 : vector<256xf32> to vector<256x1xf32>
    %eq3A_76 = vector.broadcast %broadcast_in_dim3A_75 : vector<256x1xf32> to vector<256x2048xf32>
    %eq3A_77 = arith.cmpf oeq, %select_n3A_72, %eq3A_76 : vector<256x2048xf32>
    %jit3A_78 = arith.constant 2048 : i32
    %broadcast_in_dim3A_79 = vector.broadcast %jit3A_78 : i32 to vector<256x2048xi32>
    %select_n3A_80 = arith.select %eq3A_77, %iota3A, %broadcast_in_dim3A_79 : vector<256x2048xi1>, vector<256x2048xi32>
    %reduce_min3A_81 = arith.constant dense<2147483647> : vector<256xi32>
    %reduce_min3A_82 = vector.multi_reduction <minsi>, %select_n3A_80, %reduce_min3A_81 [1] : vector<256x2048xi32> to vector<256xi32>
    %broadcast_in_dim3A_83 = vector.shape_cast %reduce_min3A_82 : vector<256xi32> to vector<256x1xi32>
    %eq3A_84 = vector.broadcast %broadcast_in_dim3A_83 : vector<256x1xi32> to vector<256x2048xi32>
    %eq3A_85 = arith.cmpi eq, %iota3A, %eq3A_84 : vector<256x2048xi32>
    %jit3A_86 = arith.constant 0xFF800000 : f32
    %broadcast_in_dim3A_87 = vector.broadcast %jit3A_86 : f32 to vector<256x2048xf32>
    %select_n3A_88 = arith.select %eq3A_85, %broadcast_in_dim3A_87, %select_n3A_72 : vector<256x2048xi1>, vector<256x2048xf32>
    %reduce_max3A_89 = arith.constant dense<0xFF800000> : vector<256xf32>
    %reduce_max3A_90 = vector.multi_reduction <maximumf>, %select_n3A_88, %reduce_max3A_89 [1] : vector<256x2048xf32> to vector<256xf32>
    %broadcast_in_dim3A_91 = vector.shape_cast %reduce_max3A_90 : vector<256xf32> to vector<256x1xf32>
    %eq3A_92 = vector.broadcast %broadcast_in_dim3A_91 : vector<256x1xf32> to vector<256x2048xf32>
    %eq3A_93 = arith.cmpf oeq, %select_n3A_88, %eq3A_92 : vector<256x2048xf32>
    %jit3A_94 = arith.constant 2048 : i32
    %broadcast_in_dim3A_95 = vector.broadcast %jit3A_94 : i32 to vector<256x2048xi32>
    %select_n3A_96 = arith.select %eq3A_93, %iota3A, %broadcast_in_dim3A_95 : vector<256x2048xi1>, vector<256x2048xi32>
    %reduce_min3A_97 = arith.constant dense<2147483647> : vector<256xi32>
    %reduce_min3A_98 = vector.multi_reduction <minsi>, %select_n3A_96, %reduce_min3A_97 [1] : vector<256x2048xi32> to vector<256xi32>
    %broadcast_in_dim3A_99 = vector.shape_cast %reduce_min3A_98 : vector<256xi32> to vector<256x1xi32>
    %eq3A_100 = vector.broadcast %broadcast_in_dim3A_99 : vector<256x1xi32> to vector<256x2048xi32>
    %eq3A_101 = arith.cmpi eq, %iota3A, %eq3A_100 : vector<256x2048xi32>
    %jit3A_102 = arith.constant 0xFF800000 : f32
    %broadcast_in_dim3A_103 = vector.broadcast %jit3A_102 : f32 to vector<256x2048xf32>
    %select_n3A_104 = arith.select %eq3A_101, %broadcast_in_dim3A_103, %select_n3A_88 : vector<256x2048xi1>, vector<256x2048xf32>
    %reduce_max3A_105 = arith.constant dense<0xFF800000> : vector<256xf32>
    %reduce_max3A_106 = vector.multi_reduction <maximumf>, %select_n3A_104, %reduce_max3A_105 [1] : vector<256x2048xf32> to vector<256xf32>
    %broadcast_in_dim3A_107 = vector.shape_cast %reduce_max3A_106 : vector<256xf32> to vector<256x1xf32>
    %eq3A_108 = vector.broadcast %broadcast_in_dim3A_107 : vector<256x1xf32> to vector<256x2048xf32>
    %eq3A_109 = arith.cmpf oeq, %select_n3A_104, %eq3A_108 : vector<256x2048xf32>
    %jit3A_110 = arith.constant 2048 : i32
    %broadcast_in_dim3A_111 = vector.broadcast %jit3A_110 : i32 to vector<256x2048xi32>
    %select_n3A_112 = arith.select %eq3A_109, %iota3A, %broadcast_in_dim3A_111 : vector<256x2048xi1>, vector<256x2048xi32>
    %reduce_min3A_113 = arith.constant dense<2147483647> : vector<256xi32>
    %reduce_min3A_114 = vector.multi_reduction <minsi>, %select_n3A_112, %reduce_min3A_113 [1] : vector<256x2048xi32> to vector<256xi32>
    %broadcast_in_dim3A_115 = vector.shape_cast %reduce_min3A_114 : vector<256xi32> to vector<256x1xi32>
    %eq3A_116 = vector.broadcast %broadcast_in_dim3A_115 : vector<256x1xi32> to vector<256x2048xi32>
    %eq3A_117 = arith.cmpi eq, %iota3A, %eq3A_116 : vector<256x2048xi32>
    %jit3A_118 = arith.constant 0xFF800000 : f32
    %broadcast_in_dim3A_119 = vector.broadcast %jit3A_118 : f32 to vector<256x2048xf32>
    %select_n3A_120 = arith.select %eq3A_117, %broadcast_in_dim3A_119, %select_n3A_104 : vector<256x2048xi1>, vector<256x2048xf32>
    %reduce_max3A_121 = arith.constant dense<0xFF800000> : vector<256xf32>
    %reduce_max3A_122 = vector.multi_reduction <maximumf>, %select_n3A_120, %reduce_max3A_121 [1] : vector<256x2048xf32> to vector<256xf32>
    %broadcast_in_dim3A_123 = vector.shape_cast %reduce_max3A_122 : vector<256xf32> to vector<256x1xf32>
    %eq3A_124 = vector.broadcast %broadcast_in_dim3A_123 : vector<256x1xf32> to vector<256x2048xf32>
    %eq3A_125 = arith.cmpf oeq, %select_n3A_120, %eq3A_124 : vector<256x2048xf32>
    %jit3A_126 = arith.constant 2048 : i32
    %broadcast_in_dim3A_127 = vector.broadcast %jit3A_126 : i32 to vector<256x2048xi32>
    %select_n3A_128 = arith.select %eq3A_125, %iota3A, %broadcast_in_dim3A_127 : vector<256x2048xi1>, vector<256x2048xi32>
    %reduce_min3A_129 = arith.constant dense<2147483647> : vector<256xi32>
    %reduce_min3A_130 = vector.multi_reduction <minsi>, %select_n3A_128, %reduce_min3A_129 [1] : vector<256x2048xi32> to vector<256xi32>
    %broadcast_in_dim3A_131 = vector.shape_cast %reduce_min3A_130 : vector<256xi32> to vector<256x1xi32>
    %eq3A_132 = vector.broadcast %broadcast_in_dim3A_131 : vector<256x1xi32> to vector<256x2048xi32>
    %eq3A_133 = arith.cmpi eq, %iota3A, %eq3A_132 : vector<256x2048xi32>
    %jit3A_134 = arith.constant 0xFF800000 : f32
    %broadcast_in_dim3A_135 = vector.broadcast %jit3A_134 : f32 to vector<256x2048xf32>
    %select_n3A_136 = arith.select %eq3A_133, %broadcast_in_dim3A_135, %select_n3A_120 : vector<256x2048xi1>, vector<256x2048xf32>
    %reduce_max3A_137 = arith.constant dense<0xFF800000> : vector<256xf32>
    %reduce_max3A_138 = vector.multi_reduction <maximumf>, %select_n3A_136, %reduce_max3A_137 [1] : vector<256x2048xf32> to vector<256xf32>
    %broadcast_in_dim3A_139 = vector.shape_cast %reduce_max3A_138 : vector<256xf32> to vector<256x1xf32>
    %eq3A_140 = vector.broadcast %broadcast_in_dim3A_139 : vector<256x1xf32> to vector<256x2048xf32>
    %eq3A_141 = arith.cmpf oeq, %select_n3A_136, %eq3A_140 : vector<256x2048xf32>
    %jit3A_142 = arith.constant 2048 : i32
    %broadcast_in_dim3A_143 = vector.broadcast %jit3A_142 : i32 to vector<256x2048xi32>
    %select_n3A_144 = arith.select %eq3A_141, %iota3A, %broadcast_in_dim3A_143 : vector<256x2048xi1>, vector<256x2048xi32>
    %reduce_min3A_145 = arith.constant dense<2147483647> : vector<256xi32>
    %reduce_min3A_146 = vector.multi_reduction <minsi>, %select_n3A_144, %reduce_min3A_145 [1] : vector<256x2048xi32> to vector<256xi32>
    %broadcast_in_dim3A_147 = vector.shape_cast %reduce_min3A_146 : vector<256xi32> to vector<256x1xi32>
    %eq3A_148 = vector.broadcast %broadcast_in_dim3A_147 : vector<256x1xi32> to vector<256x2048xi32>
    %eq3A_149 = arith.cmpi eq, %iota3A, %eq3A_148 : vector<256x2048xi32>
    %jit3A_150 = arith.constant 0xFF800000 : f32
    %broadcast_in_dim3A_151 = vector.broadcast %jit3A_150 : f32 to vector<256x2048xf32>
    %select_n3A_152 = arith.select %eq3A_149, %broadcast_in_dim3A_151, %select_n3A_136 : vector<256x2048xi1>, vector<256x2048xf32>
    %reduce_max3A_153 = arith.constant dense<0xFF800000> : vector<256xf32>
    %reduce_max3A_154 = vector.multi_reduction <maximumf>, %select_n3A_152, %reduce_max3A_153 [1] : vector<256x2048xf32> to vector<256xf32>
    %broadcast_in_dim3A_155 = vector.shape_cast %reduce_max3A_154 : vector<256xf32> to vector<256x1xf32>
    %eq3A_156 = vector.broadcast %broadcast_in_dim3A_155 : vector<256x1xf32> to vector<256x2048xf32>
    %eq3A_157 = arith.cmpf oeq, %select_n3A_152, %eq3A_156 : vector<256x2048xf32>
    %jit3A_158 = arith.constant 2048 : i32
    %broadcast_in_dim3A_159 = vector.broadcast %jit3A_158 : i32 to vector<256x2048xi32>
    %select_n3A_160 = arith.select %eq3A_157, %iota3A, %broadcast_in_dim3A_159 : vector<256x2048xi1>, vector<256x2048xi32>
    %reduce_min3A_161 = arith.constant dense<2147483647> : vector<256xi32>
    %reduce_min3A_162 = vector.multi_reduction <minsi>, %select_n3A_160, %reduce_min3A_161 [1] : vector<256x2048xi32> to vector<256xi32>
    %broadcast_in_dim3A_163 = vector.shape_cast %reduce_min3A_162 : vector<256xi32> to vector<256x1xi32>
    %eq3A_164 = vector.broadcast %broadcast_in_dim3A_163 : vector<256x1xi32> to vector<256x2048xi32>
    %eq3A_165 = arith.cmpi eq, %iota3A, %eq3A_164 : vector<256x2048xi32>
    %jit3A_166 = arith.constant 0xFF800000 : f32
    %broadcast_in_dim3A_167 = vector.broadcast %jit3A_166 : f32 to vector<256x2048xf32>
    %select_n3A_168 = arith.select %eq3A_165, %broadcast_in_dim3A_167, %select_n3A_152 : vector<256x2048xi1>, vector<256x2048xf32>
    %reduce_max3A_169 = arith.constant dense<0xFF800000> : vector<256xf32>
    %reduce_max3A_170 = vector.multi_reduction <maximumf>, %select_n3A_168, %reduce_max3A_169 [1] : vector<256x2048xf32> to vector<256xf32>
    %broadcast_in_dim3A_171 = vector.shape_cast %reduce_max3A_170 : vector<256xf32> to vector<256x1xf32>
    %eq3A_172 = vector.broadcast %broadcast_in_dim3A_171 : vector<256x1xf32> to vector<256x2048xf32>
    %eq3A_173 = arith.cmpf oeq, %select_n3A_168, %eq3A_172 : vector<256x2048xf32>
    %jit3A_174 = arith.constant 2048 : i32
    %broadcast_in_dim3A_175 = vector.broadcast %jit3A_174 : i32 to vector<256x2048xi32>
    %select_n3A_176 = arith.select %eq3A_173, %iota3A, %broadcast_in_dim3A_175 : vector<256x2048xi1>, vector<256x2048xi32>
    %reduce_min3A_177 = arith.constant dense<2147483647> : vector<256xi32>
    %reduce_min3A_178 = vector.multi_reduction <minsi>, %select_n3A_176, %reduce_min3A_177 [1] : vector<256x2048xi32> to vector<256xi32>
    %broadcast_in_dim3A_179 = vector.shape_cast %reduce_min3A_178 : vector<256xi32> to vector<256x1xi32>
    %eq3A_180 = vector.broadcast %broadcast_in_dim3A_179 : vector<256x1xi32> to vector<256x2048xi32>
    %eq3A_181 = arith.cmpi eq, %iota3A, %eq3A_180 : vector<256x2048xi32>
    %jit3A_182 = arith.constant 0xFF800000 : f32
    %broadcast_in_dim3A_183 = vector.broadcast %jit3A_182 : f32 to vector<256x2048xf32>
    %select_n3A_184 = arith.select %eq3A_181, %broadcast_in_dim3A_183, %select_n3A_168 : vector<256x2048xi1>, vector<256x2048xf32>
    %reduce_max3A_185 = arith.constant dense<0xFF800000> : vector<256xf32>
    %reduce_max3A_186 = vector.multi_reduction <maximumf>, %select_n3A_184, %reduce_max3A_185 [1] : vector<256x2048xf32> to vector<256xf32>
    %broadcast_in_dim3A_187 = vector.shape_cast %reduce_max3A_186 : vector<256xf32> to vector<256x1xf32>
    %eq3A_188 = vector.broadcast %broadcast_in_dim3A_187 : vector<256x1xf32> to vector<256x2048xf32>
    %eq3A_189 = arith.cmpf oeq, %select_n3A_184, %eq3A_188 : vector<256x2048xf32>
    %jit3A_190 = arith.constant 2048 : i32
    %broadcast_in_dim3A_191 = vector.broadcast %jit3A_190 : i32 to vector<256x2048xi32>
    %select_n3A_192 = arith.select %eq3A_189, %iota3A, %broadcast_in_dim3A_191 : vector<256x2048xi1>, vector<256x2048xi32>
    %reduce_min3A_193 = arith.constant dense<2147483647> : vector<256xi32>
    %reduce_min3A_194 = vector.multi_reduction <minsi>, %select_n3A_192, %reduce_min3A_193 [1] : vector<256x2048xi32> to vector<256xi32>
    %broadcast_in_dim3A_195 = vector.shape_cast %reduce_min3A_194 : vector<256xi32> to vector<256x1xi32>
    %eq3A_196 = vector.broadcast %broadcast_in_dim3A_195 : vector<256x1xi32> to vector<256x2048xi32>
    %eq3A_197 = arith.cmpi eq, %iota3A, %eq3A_196 : vector<256x2048xi32>
    %jit3A_198 = arith.constant 0xFF800000 : f32
    %broadcast_in_dim3A_199 = vector.broadcast %jit3A_198 : f32 to vector<256x2048xf32>
    %select_n3A_200 = arith.select %eq3A_197, %broadcast_in_dim3A_199, %select_n3A_184 : vector<256x2048xi1>, vector<256x2048xf32>
    %reduce_max3A_201 = arith.constant dense<0xFF800000> : vector<256xf32>
    %reduce_max3A_202 = vector.multi_reduction <maximumf>, %select_n3A_200, %reduce_max3A_201 [1] : vector<256x2048xf32> to vector<256xf32>
    %broadcast_in_dim3A_203 = vector.shape_cast %reduce_max3A_202 : vector<256xf32> to vector<256x1xf32>
    %eq3A_204 = vector.broadcast %broadcast_in_dim3A_203 : vector<256x1xf32> to vector<256x2048xf32>
    %eq3A_205 = arith.cmpf oeq, %select_n3A_200, %eq3A_204 : vector<256x2048xf32>
    %jit3A_206 = arith.constant 2048 : i32
    %broadcast_in_dim3A_207 = vector.broadcast %jit3A_206 : i32 to vector<256x2048xi32>
    %select_n3A_208 = arith.select %eq3A_205, %iota3A, %broadcast_in_dim3A_207 : vector<256x2048xi1>, vector<256x2048xi32>
    %reduce_min3A_209 = arith.constant dense<2147483647> : vector<256xi32>
    %reduce_min3A_210 = vector.multi_reduction <minsi>, %select_n3A_208, %reduce_min3A_209 [1] : vector<256x2048xi32> to vector<256xi32>
    %broadcast_in_dim3A_211 = vector.shape_cast %reduce_min3A_210 : vector<256xi32> to vector<256x1xi32>
    %eq3A_212 = vector.broadcast %broadcast_in_dim3A_211 : vector<256x1xi32> to vector<256x2048xi32>
    %eq3A_213 = arith.cmpi eq, %iota3A, %eq3A_212 : vector<256x2048xi32>
    %jit3A_214 = arith.constant 0xFF800000 : f32
    %broadcast_in_dim3A_215 = vector.broadcast %jit3A_214 : f32 to vector<256x2048xf32>
    %select_n3A_216 = arith.select %eq3A_213, %broadcast_in_dim3A_215, %select_n3A_200 : vector<256x2048xi1>, vector<256x2048xf32>
    %reduce_max3A_217 = arith.constant dense<0xFF800000> : vector<256xf32>
    %reduce_max3A_218 = vector.multi_reduction <maximumf>, %select_n3A_216, %reduce_max3A_217 [1] : vector<256x2048xf32> to vector<256xf32>
    %broadcast_in_dim3A_219 = vector.shape_cast %reduce_max3A_218 : vector<256xf32> to vector<256x1xf32>
    %eq3A_220 = vector.broadcast %broadcast_in_dim3A_219 : vector<256x1xf32> to vector<256x2048xf32>
    %eq3A_221 = arith.cmpf oeq, %select_n3A_216, %eq3A_220 : vector<256x2048xf32>
    %jit3A_222 = arith.constant 2048 : i32
    %broadcast_in_dim3A_223 = vector.broadcast %jit3A_222 : i32 to vector<256x2048xi32>
    %select_n3A_224 = arith.select %eq3A_221, %iota3A, %broadcast_in_dim3A_223 : vector<256x2048xi1>, vector<256x2048xi32>
    %reduce_min3A_225 = arith.constant dense<2147483647> : vector<256xi32>
    %reduce_min3A_226 = vector.multi_reduction <minsi>, %select_n3A_224, %reduce_min3A_225 [1] : vector<256x2048xi32> to vector<256xi32>
    %broadcast_in_dim3A_227 = vector.shape_cast %reduce_min3A_226 : vector<256xi32> to vector<256x1xi32>
    %eq3A_228 = vector.broadcast %broadcast_in_dim3A_227 : vector<256x1xi32> to vector<256x2048xi32>
    %eq3A_229 = arith.cmpi eq, %iota3A, %eq3A_228 : vector<256x2048xi32>
    %jit3A_230 = arith.constant 0xFF800000 : f32
    %broadcast_in_dim3A_231 = vector.broadcast %jit3A_230 : f32 to vector<256x2048xf32>
    %select_n3A_232 = arith.select %eq3A_229, %broadcast_in_dim3A_231, %select_n3A_216 : vector<256x2048xi1>, vector<256x2048xf32>
    %reduce_max3A_233 = arith.constant dense<0xFF800000> : vector<256xf32>
    %reduce_max3A_234 = vector.multi_reduction <maximumf>, %select_n3A_232, %reduce_max3A_233 [1] : vector<256x2048xf32> to vector<256xf32>
    %broadcast_in_dim3A_235 = vector.shape_cast %reduce_max3A_234 : vector<256xf32> to vector<256x1xf32>
    %eq3A_236 = vector.broadcast %broadcast_in_dim3A_235 : vector<256x1xf32> to vector<256x2048xf32>
    %eq3A_237 = arith.cmpf oeq, %select_n3A_232, %eq3A_236 : vector<256x2048xf32>
    %jit3A_238 = arith.constant 2048 : i32
    %broadcast_in_dim3A_239 = vector.broadcast %jit3A_238 : i32 to vector<256x2048xi32>
    %select_n3A_240 = arith.select %eq3A_237, %iota3A, %broadcast_in_dim3A_239 : vector<256x2048xi1>, vector<256x2048xi32>
    %reduce_min3A_241 = arith.constant dense<2147483647> : vector<256xi32>
    %reduce_min3A_242 = vector.multi_reduction <minsi>, %select_n3A_240, %reduce_min3A_241 [1] : vector<256x2048xi32> to vector<256xi32>
    %broadcast_in_dim3A_243 = vector.shape_cast %reduce_min3A_242 : vector<256xi32> to vector<256x1xi32>
    %eq3A_244 = vector.broadcast %broadcast_in_dim3A_243 : vector<256x1xi32> to vector<256x2048xi32>
    %eq3A_245 = arith.cmpi eq, %iota3A, %eq3A_244 : vector<256x2048xi32>
    %jit3A_246 = arith.constant 0xFF800000 : f32
    %broadcast_in_dim3A_247 = vector.broadcast %jit3A_246 : f32 to vector<256x2048xf32>
    %select_n3A_248 = arith.select %eq3A_245, %broadcast_in_dim3A_247, %select_n3A_232 : vector<256x2048xi1>, vector<256x2048xf32>
    %reduce_max3A_249 = arith.constant dense<0xFF800000> : vector<256xf32>
    %reduce_max3A_250 = vector.multi_reduction <maximumf>, %select_n3A_248, %reduce_max3A_249 [1] : vector<256x2048xf32> to vector<256xf32>
    %broadcast_in_dim3A_251 = vector.shape_cast %reduce_max3A_250 : vector<256xf32> to vector<256x1xf32>
    %eq3A_252 = vector.broadcast %broadcast_in_dim3A_251 : vector<256x1xf32> to vector<256x2048xf32>
    %eq3A_253 = arith.cmpf oeq, %select_n3A_248, %eq3A_252 : vector<256x2048xf32>
    %jit3A_254 = arith.constant 2048 : i32
    %broadcast_in_dim3A_255 = vector.broadcast %jit3A_254 : i32 to vector<256x2048xi32>
    %select_n3A_256 = arith.select %eq3A_253, %iota3A, %broadcast_in_dim3A_255 : vector<256x2048xi1>, vector<256x2048xi32>
    %reduce_min3A_257 = arith.constant dense<2147483647> : vector<256xi32>
    %reduce_min3A_258 = vector.multi_reduction <minsi>, %select_n3A_256, %reduce_min3A_257 [1] : vector<256x2048xi32> to vector<256xi32>
    %broadcast_in_dim3A_259 = vector.shape_cast %reduce_min3A_258 : vector<256xi32> to vector<256x1xi32>
    %eq3A_260 = vector.broadcast %broadcast_in_dim3A_259 : vector<256x1xi32> to vector<256x2048xi32>
    %eq3A_261 = arith.cmpi eq, %iota3A, %eq3A_260 : vector<256x2048xi32>
    %jit3A_262 = arith.constant 0xFF800000 : f32
    %broadcast_in_dim3A_263 = vector.broadcast %jit3A_262 : f32 to vector<256x2048xf32>
    %select_n3A_264 = arith.select %eq3A_261, %broadcast_in_dim3A_263, %select_n3A_248 : vector<256x2048xi1>, vector<256x2048xf32>
    %reduce_max3A_265 = arith.constant dense<0xFF800000> : vector<256xf32>
    %reduce_max3A_266 = vector.multi_reduction <maximumf>, %select_n3A_264, %reduce_max3A_265 [1] : vector<256x2048xf32> to vector<256xf32>
    %broadcast_in_dim3A_267 = vector.shape_cast %reduce_max3A_266 : vector<256xf32> to vector<256x1xf32>
    %eq3A_268 = vector.broadcast %broadcast_in_dim3A_267 : vector<256x1xf32> to vector<256x2048xf32>
    %eq3A_269 = arith.cmpf oeq, %select_n3A_264, %eq3A_268 : vector<256x2048xf32>
    %jit3A_270 = arith.constant 2048 : i32
    %broadcast_in_dim3A_271 = vector.broadcast %jit3A_270 : i32 to vector<256x2048xi32>
    %select_n3A_272 = arith.select %eq3A_269, %iota3A, %broadcast_in_dim3A_271 : vector<256x2048xi1>, vector<256x2048xi32>
    %reduce_min3A_273 = arith.constant dense<2147483647> : vector<256xi32>
    %reduce_min3A_274 = vector.multi_reduction <minsi>, %select_n3A_272, %reduce_min3A_273 [1] : vector<256x2048xi32> to vector<256xi32>
    %broadcast_in_dim3A_275 = vector.shape_cast %reduce_min3A_274 : vector<256xi32> to vector<256x1xi32>
    %eq3A_276 = vector.broadcast %broadcast_in_dim3A_275 : vector<256x1xi32> to vector<256x2048xi32>
    %eq3A_277 = arith.cmpi eq, %iota3A, %eq3A_276 : vector<256x2048xi32>
    %jit3A_278 = arith.constant 0xFF800000 : f32
    %broadcast_in_dim3A_279 = vector.broadcast %jit3A_278 : f32 to vector<256x2048xf32>
    %select_n3A_280 = arith.select %eq3A_277, %broadcast_in_dim3A_279, %select_n3A_264 : vector<256x2048xi1>, vector<256x2048xf32>
    %reduce_max3A_281 = arith.constant dense<0xFF800000> : vector<256xf32>
    %reduce_max3A_282 = vector.multi_reduction <maximumf>, %select_n3A_280, %reduce_max3A_281 [1] : vector<256x2048xf32> to vector<256xf32>
    %broadcast_in_dim3A_283 = vector.shape_cast %reduce_max3A_282 : vector<256xf32> to vector<256x1xf32>
    %eq3A_284 = vector.broadcast %broadcast_in_dim3A_283 : vector<256x1xf32> to vector<256x2048xf32>
    %eq3A_285 = arith.cmpf oeq, %select_n3A_280, %eq3A_284 : vector<256x2048xf32>
    %jit3A_286 = arith.constant 2048 : i32
    %broadcast_in_dim3A_287 = vector.broadcast %jit3A_286 : i32 to vector<256x2048xi32>
    %select_n3A_288 = arith.select %eq3A_285, %iota3A, %broadcast_in_dim3A_287 : vector<256x2048xi1>, vector<256x2048xi32>
    %reduce_min3A_289 = arith.constant dense<2147483647> : vector<256xi32>
    %reduce_min3A_290 = vector.multi_reduction <minsi>, %select_n3A_288, %reduce_min3A_289 [1] : vector<256x2048xi32> to vector<256xi32>
    %broadcast_in_dim3A_291 = vector.shape_cast %reduce_min3A_290 : vector<256xi32> to vector<256x1xi32>
    %eq3A_292 = vector.broadcast %broadcast_in_dim3A_291 : vector<256x1xi32> to vector<256x2048xi32>
    %eq3A_293 = arith.cmpi eq, %iota3A, %eq3A_292 : vector<256x2048xi32>
    %jit3A_294 = arith.constant 0xFF800000 : f32
    %broadcast_in_dim3A_295 = vector.broadcast %jit3A_294 : f32 to vector<256x2048xf32>
    %select_n3A_296 = arith.select %eq3A_293, %broadcast_in_dim3A_295, %select_n3A_280 : vector<256x2048xi1>, vector<256x2048xf32>
    %reduce_max3A_297 = arith.constant dense<0xFF800000> : vector<256xf32>
    %reduce_max3A_298 = vector.multi_reduction <maximumf>, %select_n3A_296, %reduce_max3A_297 [1] : vector<256x2048xf32> to vector<256xf32>
    %broadcast_in_dim3A_299 = vector.shape_cast %reduce_max3A_298 : vector<256xf32> to vector<256x1xf32>
    %eq3A_300 = vector.broadcast %broadcast_in_dim3A_299 : vector<256x1xf32> to vector<256x2048xf32>
    %eq3A_301 = arith.cmpf oeq, %select_n3A_296, %eq3A_300 : vector<256x2048xf32>
    %jit3A_302 = arith.constant 2048 : i32
    %broadcast_in_dim3A_303 = vector.broadcast %jit3A_302 : i32 to vector<256x2048xi32>
    %select_n3A_304 = arith.select %eq3A_301, %iota3A, %broadcast_in_dim3A_303 : vector<256x2048xi1>, vector<256x2048xi32>
    %reduce_min3A_305 = arith.constant dense<2147483647> : vector<256xi32>
    %reduce_min3A_306 = vector.multi_reduction <minsi>, %select_n3A_304, %reduce_min3A_305 [1] : vector<256x2048xi32> to vector<256xi32>
    %broadcast_in_dim3A_307 = vector.shape_cast %reduce_min3A_306 : vector<256xi32> to vector<256x1xi32>
    %eq3A_308 = vector.broadcast %broadcast_in_dim3A_307 : vector<256x1xi32> to vector<256x2048xi32>
    %eq3A_309 = arith.cmpi eq, %iota3A, %eq3A_308 : vector<256x2048xi32>
    %jit3A_310 = arith.constant 0xFF800000 : f32
    %broadcast_in_dim3A_311 = vector.broadcast %jit3A_310 : f32 to vector<256x2048xf32>
    %select_n3A_312 = arith.select %eq3A_309, %broadcast_in_dim3A_311, %select_n3A_296 : vector<256x2048xi1>, vector<256x2048xf32>
    %reduce_max3A_313 = arith.constant dense<0xFF800000> : vector<256xf32>
    %reduce_max3A_314 = vector.multi_reduction <maximumf>, %select_n3A_312, %reduce_max3A_313 [1] : vector<256x2048xf32> to vector<256xf32>
    %broadcast_in_dim3A_315 = vector.shape_cast %reduce_max3A_314 : vector<256xf32> to vector<256x1xf32>
    %eq3A_316 = vector.broadcast %broadcast_in_dim3A_315 : vector<256x1xf32> to vector<256x2048xf32>
    %eq3A_317 = arith.cmpf oeq, %select_n3A_312, %eq3A_316 : vector<256x2048xf32>
    %jit3A_318 = arith.constant 2048 : i32
    %broadcast_in_dim3A_319 = vector.broadcast %jit3A_318 : i32 to vector<256x2048xi32>
    %select_n3A_320 = arith.select %eq3A_317, %iota3A, %broadcast_in_dim3A_319 : vector<256x2048xi1>, vector<256x2048xi32>
    %reduce_min3A_321 = arith.constant dense<2147483647> : vector<256xi32>
    %reduce_min3A_322 = vector.multi_reduction <minsi>, %select_n3A_320, %reduce_min3A_321 [1] : vector<256x2048xi32> to vector<256xi32>
    %broadcast_in_dim3A_323 = vector.shape_cast %reduce_min3A_322 : vector<256xi32> to vector<256x1xi32>
    %eq3A_324 = vector.broadcast %broadcast_in_dim3A_323 : vector<256x1xi32> to vector<256x2048xi32>
    %eq3A_325 = arith.cmpi eq, %iota3A, %eq3A_324 : vector<256x2048xi32>
    %jit3A_326 = arith.constant 0xFF800000 : f32
    %broadcast_in_dim3A_327 = vector.broadcast %jit3A_326 : f32 to vector<256x2048xf32>
    %select_n3A_328 = arith.select %eq3A_325, %broadcast_in_dim3A_327, %select_n3A_312 : vector<256x2048xi1>, vector<256x2048xf32>
    %reduce_max3A_329 = arith.constant dense<0xFF800000> : vector<256xf32>
    %reduce_max3A_330 = vector.multi_reduction <maximumf>, %select_n3A_328, %reduce_max3A_329 [1] : vector<256x2048xf32> to vector<256xf32>
    %broadcast_in_dim3A_331 = vector.shape_cast %reduce_max3A_330 : vector<256xf32> to vector<256x1xf32>
    %eq3A_332 = vector.broadcast %broadcast_in_dim3A_331 : vector<256x1xf32> to vector<256x2048xf32>
    %eq3A_333 = arith.cmpf oeq, %select_n3A_328, %eq3A_332 : vector<256x2048xf32>
    %jit3A_334 = arith.constant 2048 : i32
    %broadcast_in_dim3A_335 = vector.broadcast %jit3A_334 : i32 to vector<256x2048xi32>
    %select_n3A_336 = arith.select %eq3A_333, %iota3A, %broadcast_in_dim3A_335 : vector<256x2048xi1>, vector<256x2048xi32>
    %reduce_min3A_337 = arith.constant dense<2147483647> : vector<256xi32>
    %reduce_min3A_338 = vector.multi_reduction <minsi>, %select_n3A_336, %reduce_min3A_337 [1] : vector<256x2048xi32> to vector<256xi32>
    %broadcast_in_dim3A_339 = vector.shape_cast %reduce_min3A_338 : vector<256xi32> to vector<256x1xi32>
    %concatenate3A = tpu.concatenate %broadcast_in_dim3A_35, %broadcast_in_dim3A_51, %broadcast_in_dim3A_67, %broadcast_in_dim3A_83, %broadcast_in_dim3A_99, %broadcast_in_dim3A_115, %broadcast_in_dim3A_131, %broadcast_in_dim3A_147, %broadcast_in_dim3A_163, %broadcast_in_dim3A_179, %broadcast_in_dim3A_195, %broadcast_in_dim3A_211, %broadcast_in_dim3A_227, %broadcast_in_dim3A_243, %broadcast_in_dim3A_259, %broadcast_in_dim3A_275, %broadcast_in_dim3A_291, %broadcast_in_dim3A_307, %broadcast_in_dim3A_323, %broadcast_in_dim3A_339 in 1 : vector<256x1xi32>, vector<256x1xi32>, vector<256x1xi32>, vector<256x1xi32>, vector<256x1xi32>, vector<256x1xi32>, vector<256x1xi32>, vector<256x1xi32>, vector<256x1xi32>, vector<256x1xi32>, vector<256x1xi32>, vector<256x1xi32>, vector<256x1xi32>, vector<256x1xi32>, vector<256x1xi32>, vector<256x1xi32>, vector<256x1xi32>, vector<256x1xi32>, vector<256x1xi32>, vector<256x1xi32> -> vector<256x20xi32>
    %mul3A_340 = arith.constant 2048 : i32
    %mul3A_341 = arith.muli %arg0, %mul3A_340 : i32
    %add3A = vector.broadcast %mul3A_341 : i32 to vector<256x20xi32>
    %add3A_342 = arith.addi %concatenate3A, %add3A : vector<256x20xi32>
    %swap3A = arith.constant 0 : index
    %swap3A_343 = arith.constant 0 : index
    %swap3A_344 = arith.constant 0 : index
    %swap3A_345 = vector.load %arg6[%swap3A, %swap3A_343, %swap3A_344] : memref<1x256x20xi32, #tpu.memory_space<vmem>>, vector<1x256x20xi32>
    %swap3A_346 = vector.shape_cast %swap3A_345 : vector<1x256x20xi32> to vector<256x20xi32>
    %swap3A_347 = vector.shape_cast %add3A_342 : vector<256x20xi32> to vector<1x256x20xi32>
    tpu.vector_store %arg6[%swap3A, %swap3A_343, %swap3A_344], %swap3A_347 {strides = array<i32>} : memref<1x256x20xi32, #tpu.memory_space<vmem>>, vector<1x256x20xi32>,
    return
  }
  func.func @transform_0(%arg0: i32, %arg1: i32) -> (i32, i32, i32) {
    %c0_i32 = arith.constant 0 : i32
    %c0_i32_0 = arith.constant 0 : i32
    %c0_i32_1 = arith.constant 0 : i32
    return %arg0, %c0_i32, %c0_i32_0 : i32, i32, i32
  }
  func.func @transform_1(%arg0: i32, %arg1: i32) -> (i32, i32, i32) {
    %c0_i32 = arith.constant 0 : i32
    %c0_i32_0 = arith.constant 0 : i32
    %c0_i32_1 = arith.constant 0 : i32
    return %arg0, %c0_i32, %c0_i32_0 : i32, i32, i32
  }
  func.func @transform_2(%arg0: i32, %arg1: i32) -> (i32, i32, i32) {
    %c0_i32 = arith.constant 0 : i32
    %c0_i32_0 = arith.constant 0 : i32
    %c0_i32_1 = arith.constant 0 : i32
    return %arg0, %c0_i32, %c0_i32_0 : i32, i32, i32
  }
  func.func @transform_3(%arg0: i32, %arg1: i32) -> (i32, i32, i32) {
    %c0_i32 = arith.constant 0 : i32
    %c0_i32_0 = arith.constant 0 : i32
    return %arg0, %arg1, %c0_i32 : i32, i32, i32
  }
  func.func @transform_4(%arg0: i32, %arg1: i32) -> (i32, i32, i32) {
    %c0_i32 = arith.constant 0 : i32
    %c0_i32_0 = arith.constant 0 : i32
    return %arg0, %arg1, %c0_i32 : i32, i32, i32
  }
}

module attributes {stable_mosaic.version = 14 : i64} {
  func.func @_conv1_body(%arg0: i32, %arg1: memref<2560x128xf32, #tpu.memory_space<vmem>>, %arg2: memref<128x128xf32, #tpu.memory_space<vmem>>, %arg3: memref<256x256xf32, #tpu.memory_space<vmem>>, %arg4: memref<1x256xf32, #tpu.memory_space<vmem>>) attributes {dimension_semantics = [#tpu.dimension_semantics<arbitrary>], iteration_bounds = array<i64: 128>, scalar_prefetch = 0 : i64, scratch_operands = 0 : i64, tpu.core_type = #tpu.core_type<tc>, window_params = [{transform_indices = @transform_0, window_bounds = array<i64: 2560, 128>}, {transform_indices = @transform_1, window_bounds = array<i64: 128, 128>}, {pipeline_mode = #tpu.pipeline_mode<synchronous>, transform_indices = @transform_2, window_bounds = array<i64: 256, 256>}, {pipeline_mode = #tpu.pipeline_mode<synchronous>, transform_indices = @transform_3, window_bounds = array<i64: 1, 256>}]} {
    %get3A = arith.constant 0 : index
    %get3A_0 = arith.constant 0 : index
    %get3A_1 = vector.load %arg2[%get3A, %get3A_0] : memref<128x128xf32, #tpu.memory_space<vmem>>, vector<128x128xf32>
    %get3A_2 = arith.constant 0 : index
    %get3A_3 = arith.constant 0 : index
    %get3A_4 = vector.load %arg1[%get3A_2, %get3A_3] : memref<2560x128xf32, #tpu.memory_space<vmem>>, vector<2560x128xf32>
    %reshape3A = vector.shape_cast %get3A_4 : vector<2560x128xf32> to vector<128x20x128xf32>
    %broadcast_in_dim3A = vector.shape_cast %get3A_1 : vector<128x128xf32> to vector<128x1x128xf32>
    %sub3A = vector.broadcast %broadcast_in_dim3A : vector<128x1x128xf32> to vector<128x20x128xf32>
    %sub3A_5 = arith.subf %reshape3A, %sub3A : vector<128x20x128xf32>
    %broadcast_in_dim3A_6 = vector.shape_cast %get3A_1 : vector<128x128xf32> to vector<128x1x128xf32>
    %broadcast_in_dim3A_7 = vector.shape_cast %broadcast_in_dim3A_6 : vector<128x1x128xf32> to vector<128x1x128xf32>
    %broadcast_in_dim3A_8 = vector.broadcast %broadcast_in_dim3A_7 : vector<128x1x128xf32> to vector<128x20x128xf32>
    %concatenate3A = tpu.concatenate %sub3A_5, %broadcast_in_dim3A_8 in 2 : vector<128x20x128xf32>, vector<128x20x128xf32> -> vector<128x20x256xf32>
    %reshape3A_9 = vector.shape_cast %concatenate3A : vector<128x20x256xf32> to vector<2560x256xf32>
    %convert_element_type3A = arith.truncf %reshape3A_9 : vector<2560x256xf32> to vector<2560x256xbf16>
    %get3A_10 = arith.constant 0 : index
    %get3A_11 = arith.constant 0 : index
    %get3A_12 = vector.load %arg3[%get3A_10, %get3A_11] : memref<256x256xf32, #tpu.memory_space<vmem>>, vector<256x256xf32>
    %convert_element_type3A_13 = arith.truncf %get3A_12 : vector<256x256xf32> to vector<256x256xbf16>
    %dot_general3A = arith.constant dense<0.000000e+00> : vector<2560x256xf32>
    %dot_general3A_14 = tpu.matmul %convert_element_type3A, %convert_element_type3A_13, %dot_general3A {dimension_numbers = #tpu.dot_dimension_numbers<[1], [0], [0], [1], [0, 0, 1, 1], [], []>, transpose_lhs_hint = false} : vector<2560x256xbf16>, vector<256x256xbf16>, vector<2560x256xf32> -> vector<2560x256xf32>
    %eq3A = arith.constant 0 : i32
    %eq3A_15 = arith.cmpi eq, %arg0, %eq3A : i32
    %convert_element_type3A_16 = arith.extui %eq3A_15 : i1 to i32
    %cond3A = arith.constant 0 : i32
    %cond3A_17 = arith.cmpi ne, %convert_element_type3A_16, %cond3A : i32
    scf.if %cond3A_17 {
      %broadcast_in_dim3A_25 = arith.constant 0.000000e+00 : f32
      %broadcast_in_dim3A_26 = vector.broadcast %broadcast_in_dim3A_25 : f32 to vector<1x256xf32>
      %swap3A_27 = arith.constant 0 : index
      %swap3A_28 = arith.constant 0 : index
      %swap3A_29 = vector.load %arg4[%swap3A_27, %swap3A_28] : memref<1x256xf32, #tpu.memory_space<vmem>>, vector<1x256xf32>
      tpu.vector_store %arg4[%swap3A_27, %swap3A_28], %broadcast_in_dim3A_26 {strides = array<i32>} : memref<1x256xf32, #tpu.memory_space<vmem>>, vector<1x256xf32>,
    } else {
    }
    %get3A_18 = arith.constant 0 : index
    %get3A_19 = arith.constant 0 : index
    %get3A_20 = vector.load %arg4[%get3A_18, %get3A_19] : memref<1x256xf32, #tpu.memory_space<vmem>>, vector<1x256xf32>
    %reduce_sum3A = arith.constant dense<0.000000e+00> : vector<256xf32>
    %reduce_sum3A_21 = vector.multi_reduction <add>, %dot_general3A_14, %reduce_sum3A [0] : vector<2560x256xf32> to vector<256xf32>
    %broadcast_in_dim3A_22 = vector.shape_cast %reduce_sum3A_21 : vector<256xf32> to vector<1x256xf32>
    %add3A = arith.addf %get3A_20, %broadcast_in_dim3A_22 : vector<1x256xf32>
    %swap3A = arith.constant 0 : index
    %swap3A_23 = arith.constant 0 : index
    %swap3A_24 = vector.load %arg4[%swap3A, %swap3A_23] : memref<1x256xf32, #tpu.memory_space<vmem>>, vector<1x256xf32>
    tpu.vector_store %arg4[%swap3A, %swap3A_23], %add3A {strides = array<i32>} : memref<1x256xf32, #tpu.memory_space<vmem>>, vector<1x256xf32>,
    return
  }
  func.func @transform_0(%arg0: i32) -> (i32, i32) {
    %c0_i32 = arith.constant 0 : i32
    %c0_i32_0 = arith.constant 0 : i32
    return %arg0, %c0_i32 : i32, i32
  }
  func.func @transform_1(%arg0: i32) -> (i32, i32) {
    %c0_i32 = arith.constant 0 : i32
    %c0_i32_0 = arith.constant 0 : i32
    return %arg0, %c0_i32 : i32, i32
  }
  func.func @transform_2(%arg0: i32) -> (i32, i32) {
    %c0_i32 = arith.constant 0 : i32
    %c0_i32_0 = arith.constant 0 : i32
    %c0_i32_1 = arith.constant 0 : i32
    return %c0_i32, %c0_i32_0 : i32, i32
  }
  func.func @transform_3(%arg0: i32) -> (i32, i32) {
    %c0_i32 = arith.constant 0 : i32
    %c0_i32_0 = arith.constant 0 : i32
    %c0_i32_1 = arith.constant 0 : i32
    return %c0_i32, %c0_i32_0 : i32, i32
  }
}

module attributes {stable_mosaic.version = 14 : i64} {
  func.func @_conv2_body(%arg0: i32, %arg1: memref<2560x128xf32, #tpu.memory_space<vmem>>, %arg2: memref<128x128xf32, #tpu.memory_space<vmem>>, %arg3: memref<256x256xf32, #tpu.memory_space<vmem>>, %arg4: memref<1x256xf32, #tpu.memory_space<vmem>>, %arg5: memref<128x256xf32, #tpu.memory_space<vmem>>, %arg6: memref<1x256xf32, #tpu.memory_space<vmem>>) attributes {dimension_semantics = [#tpu.dimension_semantics<arbitrary>], iteration_bounds = array<i64: 128>, scalar_prefetch = 0 : i64, scratch_operands = 0 : i64, tpu.core_type = #tpu.core_type<tc>, window_params = [{transform_indices = @transform_0, window_bounds = array<i64: 2560, 128>}, {transform_indices = @transform_1, window_bounds = array<i64: 128, 128>}, {pipeline_mode = #tpu.pipeline_mode<synchronous>, transform_indices = @transform_2, window_bounds = array<i64: 256, 256>}, {pipeline_mode = #tpu.pipeline_mode<synchronous>, transform_indices = @transform_3, window_bounds = array<i64: 1, 256>}, {transform_indices = @transform_4, window_bounds = array<i64: 128, 256>}, {pipeline_mode = #tpu.pipeline_mode<synchronous>, transform_indices = @transform_5, window_bounds = array<i64: 1, 256>}]} {
    %get3A = arith.constant 0 : index
    %get3A_0 = arith.constant 0 : index
    %get3A_1 = vector.load %arg2[%get3A, %get3A_0] : memref<128x128xf32, #tpu.memory_space<vmem>>, vector<128x128xf32>
    %get3A_2 = arith.constant 0 : index
    %get3A_3 = arith.constant 0 : index
    %get3A_4 = vector.load %arg1[%get3A_2, %get3A_3] : memref<2560x128xf32, #tpu.memory_space<vmem>>, vector<2560x128xf32>
    %reshape3A = vector.shape_cast %get3A_4 : vector<2560x128xf32> to vector<128x20x128xf32>
    %broadcast_in_dim3A = vector.shape_cast %get3A_1 : vector<128x128xf32> to vector<128x1x128xf32>
    %sub3A = vector.broadcast %broadcast_in_dim3A : vector<128x1x128xf32> to vector<128x20x128xf32>
    %sub3A_5 = arith.subf %reshape3A, %sub3A : vector<128x20x128xf32>
    %broadcast_in_dim3A_6 = vector.shape_cast %get3A_1 : vector<128x128xf32> to vector<128x1x128xf32>
    %broadcast_in_dim3A_7 = vector.shape_cast %broadcast_in_dim3A_6 : vector<128x1x128xf32> to vector<128x1x128xf32>
    %broadcast_in_dim3A_8 = vector.broadcast %broadcast_in_dim3A_7 : vector<128x1x128xf32> to vector<128x20x128xf32>
    %concatenate3A = tpu.concatenate %sub3A_5, %broadcast_in_dim3A_8 in 2 : vector<128x20x128xf32>, vector<128x20x128xf32> -> vector<128x20x256xf32>
    %reshape3A_9 = vector.shape_cast %concatenate3A : vector<128x20x256xf32> to vector<2560x256xf32>
    %convert_element_type3A = arith.truncf %reshape3A_9 : vector<2560x256xf32> to vector<2560x256xbf16>
    %get3A_10 = arith.constant 0 : index
    %get3A_11 = arith.constant 0 : index
    %get3A_12 = vector.load %arg3[%get3A_10, %get3A_11] : memref<256x256xf32, #tpu.memory_space<vmem>>, vector<256x256xf32>
    %convert_element_type3A_13 = arith.truncf %get3A_12 : vector<256x256xf32> to vector<256x256xbf16>
    %dot_general3A = arith.constant dense<0.000000e+00> : vector<2560x256xf32>
    %dot_general3A_14 = tpu.matmul %convert_element_type3A, %convert_element_type3A_13, %dot_general3A {dimension_numbers = #tpu.dot_dimension_numbers<[1], [0], [0], [1], [0, 0, 1, 1], [], []>, transpose_lhs_hint = false} : vector<2560x256xbf16>, vector<256x256xbf16>, vector<2560x256xf32> -> vector<2560x256xf32>
    %reshape3A_15 = vector.shape_cast %dot_general3A_14 : vector<2560x256xf32> to vector<128x20x256xf32>
    %reduce_max3A = arith.constant dense<0xFF800000> : vector<128x256xf32>
    %reduce_max3A_16 = vector.multi_reduction <maximumf>, %reshape3A_15, %reduce_max3A [1] : vector<128x20x256xf32> to vector<128x256xf32>
    %swap3A = arith.constant 0 : index
    %swap3A_17 = arith.constant 0 : index
    %swap3A_18 = vector.load %arg5[%swap3A, %swap3A_17] : memref<128x256xf32, #tpu.memory_space<vmem>>, vector<128x256xf32>
    tpu.vector_store %arg5[%swap3A, %swap3A_17], %reduce_max3A_16 {strides = array<i32>} : memref<128x256xf32, #tpu.memory_space<vmem>>, vector<128x256xf32>,
    %eq3A = arith.constant 0 : i32
    %eq3A_19 = arith.cmpi eq, %arg0, %eq3A : i32
    %convert_element_type3A_20 = arith.extui %eq3A_19 : i1 to i32
    %cond3A = arith.constant 0 : i32
    %cond3A_21 = arith.cmpi ne, %convert_element_type3A_20, %cond3A : i32
    scf.if %cond3A_21 {
      %broadcast_in_dim3A_35 = arith.constant 0.000000e+00 : f32
      %broadcast_in_dim3A_36 = vector.broadcast %broadcast_in_dim3A_35 : f32 to vector<1x256xf32>
      %swap3A_37 = arith.constant 0 : index
      %swap3A_38 = arith.constant 0 : index
      %swap3A_39 = vector.load %arg6[%swap3A_37, %swap3A_38] : memref<1x256xf32, #tpu.memory_space<vmem>>, vector<1x256xf32>
      tpu.vector_store %arg6[%swap3A_37, %swap3A_38], %broadcast_in_dim3A_36 {strides = array<i32>} : memref<1x256xf32, #tpu.memory_space<vmem>>, vector<1x256xf32>,
    } else {
    }
    %get3A_22 = arith.constant 0 : index
    %get3A_23 = arith.constant 0 : index
    %get3A_24 = vector.load %arg4[%get3A_22, %get3A_23] : memref<1x256xf32, #tpu.memory_space<vmem>>, vector<1x256xf32>
    %sub3A_25 = vector.broadcast %get3A_24 : vector<1x256xf32> to vector<2560x256xf32>
    %sub3A_26 = arith.subf %dot_general3A_14, %sub3A_25 : vector<2560x256xf32>
    %get3A_27 = arith.constant 0 : index
    %get3A_28 = arith.constant 0 : index
    %get3A_29 = vector.load %arg6[%get3A_27, %get3A_28] : memref<1x256xf32, #tpu.memory_space<vmem>>, vector<1x256xf32>
    %mul3A = arith.mulf %sub3A_26, %sub3A_26 : vector<2560x256xf32>
    %reduce_sum3A = arith.constant dense<0.000000e+00> : vector<256xf32>
    %reduce_sum3A_30 = vector.multi_reduction <add>, %mul3A, %reduce_sum3A [0] : vector<2560x256xf32> to vector<256xf32>
    %broadcast_in_dim3A_31 = vector.shape_cast %reduce_sum3A_30 : vector<256xf32> to vector<1x256xf32>
    %add3A = arith.addf %get3A_29, %broadcast_in_dim3A_31 : vector<1x256xf32>
    %swap3A_32 = arith.constant 0 : index
    %swap3A_33 = arith.constant 0 : index
    %swap3A_34 = vector.load %arg6[%swap3A_32, %swap3A_33] : memref<1x256xf32, #tpu.memory_space<vmem>>, vector<1x256xf32>
    tpu.vector_store %arg6[%swap3A_32, %swap3A_33], %add3A {strides = array<i32>} : memref<1x256xf32, #tpu.memory_space<vmem>>, vector<1x256xf32>,
    return
  }
  func.func @transform_0(%arg0: i32) -> (i32, i32) {
    %c0_i32 = arith.constant 0 : i32
    %c0_i32_0 = arith.constant 0 : i32
    return %arg0, %c0_i32 : i32, i32
  }
  func.func @transform_1(%arg0: i32) -> (i32, i32) {
    %c0_i32 = arith.constant 0 : i32
    %c0_i32_0 = arith.constant 0 : i32
    return %arg0, %c0_i32 : i32, i32
  }
  func.func @transform_2(%arg0: i32) -> (i32, i32) {
    %c0_i32 = arith.constant 0 : i32
    %c0_i32_0 = arith.constant 0 : i32
    %c0_i32_1 = arith.constant 0 : i32
    return %c0_i32, %c0_i32_0 : i32, i32
  }
  func.func @transform_3(%arg0: i32) -> (i32, i32) {
    %c0_i32 = arith.constant 0 : i32
    %c0_i32_0 = arith.constant 0 : i32
    %c0_i32_1 = arith.constant 0 : i32
    return %c0_i32, %c0_i32_0 : i32, i32
  }
  func.func @transform_4(%arg0: i32) -> (i32, i32) {
    %c0_i32 = arith.constant 0 : i32
    %c0_i32_0 = arith.constant 0 : i32
    return %arg0, %c0_i32 : i32, i32
  }
  func.func @transform_5(%arg0: i32) -> (i32, i32) {
    %c0_i32 = arith.constant 0 : i32
    %c0_i32_0 = arith.constant 0 : i32
    %c0_i32_1 = arith.constant 0 : i32
    return %c0_i32, %c0_i32_0 : i32, i32
  }
}

module attributes {stable_mosaic.version = 14 : i64} {
  func.func @_final_body(%arg0: i32, %arg1: memref<256x512xf32, #tpu.memory_space<vmem>>, %arg2: memref<512x1024xf32, #tpu.memory_space<vmem>>, %arg3: memref<256x1024xf32, #tpu.memory_space<vmem>>, %arg4: memref<1x1024xf32, #tpu.memory_space<vmem>>) attributes {dimension_semantics = [#tpu.dimension_semantics<arbitrary>], iteration_bounds = array<i64: 64>, scalar_prefetch = 0 : i64, scratch_operands = 0 : i64, tpu.core_type = #tpu.core_type<tc>, window_params = [{transform_indices = @transform_0, window_bounds = array<i64: 256, 512>}, {pipeline_mode = #tpu.pipeline_mode<synchronous>, transform_indices = @transform_1, window_bounds = array<i64: 512, 1024>}, {transform_indices = @transform_2, window_bounds = array<i64: 256, 1024>}, {pipeline_mode = #tpu.pipeline_mode<synchronous>, transform_indices = @transform_3, window_bounds = array<i64: 1, 1024>}]} {
    %get3A = arith.constant 0 : index
    %get3A_0 = arith.constant 0 : index
    %get3A_1 = vector.load %arg1[%get3A, %get3A_0] : memref<256x512xf32, #tpu.memory_space<vmem>>, vector<256x512xf32>
    %convert_element_type3A = arith.truncf %get3A_1 : vector<256x512xf32> to vector<256x512xbf16>
    %get3A_2 = arith.constant 0 : index
    %get3A_3 = arith.constant 0 : index
    %get3A_4 = vector.load %arg2[%get3A_2, %get3A_3] : memref<512x1024xf32, #tpu.memory_space<vmem>>, vector<512x1024xf32>
    %convert_element_type3A_5 = arith.truncf %get3A_4 : vector<512x1024xf32> to vector<512x1024xbf16>
    %dot_general3A = arith.constant dense<0.000000e+00> : vector<256x1024xf32>
    %dot_general3A_6 = tpu.matmul %convert_element_type3A, %convert_element_type3A_5, %dot_general3A {dimension_numbers = #tpu.dot_dimension_numbers<[1], [0], [0], [1], [0, 0, 1, 1], [], []>, transpose_lhs_hint = false} : vector<256x512xbf16>, vector<512x1024xbf16>, vector<256x1024xf32> -> vector<256x1024xf32>
    %swap3A = arith.constant 0 : index
    %swap3A_7 = arith.constant 0 : index
    %swap3A_8 = vector.load %arg3[%swap3A, %swap3A_7] : memref<256x1024xf32, #tpu.memory_space<vmem>>, vector<256x1024xf32>
    tpu.vector_store %arg3[%swap3A, %swap3A_7], %dot_general3A_6 {strides = array<i32>} : memref<256x1024xf32, #tpu.memory_space<vmem>>, vector<256x1024xf32>,
    %eq3A = arith.constant 0 : i32
    %eq3A_9 = arith.cmpi eq, %arg0, %eq3A : i32
    %convert_element_type3A_10 = arith.extui %eq3A_9 : i1 to i32
    %cond3A = arith.constant 0 : i32
    %cond3A_11 = arith.cmpi ne, %convert_element_type3A_10, %cond3A : i32
    scf.if %cond3A_11 {
      %broadcast_in_dim3A_19 = arith.constant 0.000000e+00 : f32
      %broadcast_in_dim3A_20 = vector.broadcast %broadcast_in_dim3A_19 : f32 to vector<1x1024xf32>
      %swap3A_21 = arith.constant 0 : index
      %swap3A_22 = arith.constant 0 : index
      %swap3A_23 = vector.load %arg4[%swap3A_21, %swap3A_22] : memref<1x1024xf32, #tpu.memory_space<vmem>>, vector<1x1024xf32>
      tpu.vector_store %arg4[%swap3A_21, %swap3A_22], %broadcast_in_dim3A_20 {strides = array<i32>} : memref<1x1024xf32, #tpu.memory_space<vmem>>, vector<1x1024xf32>,
    } else {
    }
    %get3A_12 = arith.constant 0 : index
    %get3A_13 = arith.constant 0 : index
    %get3A_14 = vector.load %arg4[%get3A_12, %get3A_13] : memref<1x1024xf32, #tpu.memory_space<vmem>>, vector<1x1024xf32>
    %reduce_sum3A = arith.constant dense<0.000000e+00> : vector<1024xf32>
    %reduce_sum3A_15 = vector.multi_reduction <add>, %dot_general3A_6, %reduce_sum3A [0] : vector<256x1024xf32> to vector<1024xf32>
    %broadcast_in_dim3A = vector.shape_cast %reduce_sum3A_15 : vector<1024xf32> to vector<1x1024xf32>
    %add3A = arith.addf %get3A_14, %broadcast_in_dim3A : vector<1x1024xf32>
    %swap3A_16 = arith.constant 0 : index
    %swap3A_17 = arith.constant 0 : index
    %swap3A_18 = vector.load %arg4[%swap3A_16, %swap3A_17] : memref<1x1024xf32, #tpu.memory_space<vmem>>, vector<1x1024xf32>
    tpu.vector_store %arg4[%swap3A_16, %swap3A_17], %add3A {strides = array<i32>} : memref<1x1024xf32, #tpu.memory_space<vmem>>, vector<1x1024xf32>,
    return
  }
  func.func @transform_0(%arg0: i32) -> (i32, i32) {
    %c0_i32 = arith.constant 0 : i32
    %c0_i32_0 = arith.constant 0 : i32
    return %arg0, %c0_i32 : i32, i32
  }
  func.func @transform_1(%arg0: i32) -> (i32, i32) {
    %c0_i32 = arith.constant 0 : i32
    %c0_i32_0 = arith.constant 0 : i32
    %c0_i32_1 = arith.constant 0 : i32
    return %c0_i32, %c0_i32_0 : i32, i32
  }
  func.func @transform_2(%arg0: i32) -> (i32, i32) {
    %c0_i32 = arith.constant 0 : i32
    %c0_i32_0 = arith.constant 0 : i32
    return %arg0, %c0_i32 : i32, i32
  }
  func.func @transform_3(%arg0: i32) -> (i32, i32) {
    %c0_i32 = arith.constant 0 : i32
    %c0_i32_0 = arith.constant 0 : i32
    %c0_i32_1 = arith.constant 0 : i32
    return %c0_i32, %c0_i32_0 : i32, i32
  }
}

module attributes {stable_mosaic.version = 14 : i64} {
  func.func @_var_body(%arg0: i32, %arg1: memref<256x1024xf32, #tpu.memory_space<vmem>>, %arg2: memref<1x1024xf32, #tpu.memory_space<vmem>>, %arg3: memref<1x1024xf32, #tpu.memory_space<vmem>>) attributes {dimension_semantics = [#tpu.dimension_semantics<arbitrary>], iteration_bounds = array<i64: 64>, scalar_prefetch = 0 : i64, scratch_operands = 0 : i64, tpu.core_type = #tpu.core_type<tc>, window_params = [{transform_indices = @transform_0, window_bounds = array<i64: 256, 1024>}, {pipeline_mode = #tpu.pipeline_mode<synchronous>, transform_indices = @transform_1, window_bounds = array<i64: 1, 1024>}, {pipeline_mode = #tpu.pipeline_mode<synchronous>, transform_indices = @transform_2, window_bounds = array<i64: 1, 1024>}]} {
    %eq3A = arith.constant 0 : i32
    %eq3A_0 = arith.cmpi eq, %arg0, %eq3A : i32
    %convert_element_type3A = arith.extui %eq3A_0 : i1 to i32
    %cond3A = arith.constant 0 : i32
    %cond3A_1 = arith.cmpi ne, %convert_element_type3A, %cond3A : i32
    scf.if %cond3A_1 {
      %broadcast_in_dim3A_14 = arith.constant 0.000000e+00 : f32
      %broadcast_in_dim3A_15 = vector.broadcast %broadcast_in_dim3A_14 : f32 to vector<1x1024xf32>
      %swap3A_16 = arith.constant 0 : index
      %swap3A_17 = arith.constant 0 : index
      %swap3A_18 = vector.load %arg3[%swap3A_16, %swap3A_17] : memref<1x1024xf32, #tpu.memory_space<vmem>>, vector<1x1024xf32>
      tpu.vector_store %arg3[%swap3A_16, %swap3A_17], %broadcast_in_dim3A_15 {strides = array<i32>} : memref<1x1024xf32, #tpu.memory_space<vmem>>, vector<1x1024xf32>,
    } else {
    }
    %get3A = arith.constant 0 : index
    %get3A_2 = arith.constant 0 : index
    %get3A_3 = vector.load %arg1[%get3A, %get3A_2] : memref<256x1024xf32, #tpu.memory_space<vmem>>, vector<256x1024xf32>
    %get3A_4 = arith.constant 0 : index
    %get3A_5 = arith.constant 0 : index
    %get3A_6 = vector.load %arg2[%get3A_4, %get3A_5] : memref<1x1024xf32, #tpu.memory_space<vmem>>, vector<1x1024xf32>
    %sub3A = vector.broadcast %get3A_6 : vector<1x1024xf32> to vector<256x1024xf32>
    %sub3A_7 = arith.subf %get3A_3, %sub3A : vector<256x1024xf32>
    %get3A_8 = arith.constant 0 : index
    %get3A_9 = arith.constant 0 : index
    %get3A_10 = vector.load %arg3[%get3A_8, %get3A_9] : memref<1x1024xf32, #tpu.memory_space<vmem>>, vector<1x1024xf32>
    %mul3A = arith.mulf %sub3A_7, %sub3A_7 : vector<256x1024xf32>
    %reduce_sum3A = arith.constant dense<0.000000e+00> : vector<1024xf32>
    %reduce_sum3A_11 = vector.multi_reduction <add>, %mul3A, %reduce_sum3A [0] : vector<256x1024xf32> to vector<1024xf32>
    %broadcast_in_dim3A = vector.shape_cast %reduce_sum3A_11 : vector<1024xf32> to vector<1x1024xf32>
    %add3A = arith.addf %get3A_10, %broadcast_in_dim3A : vector<1x1024xf32>
    %swap3A = arith.constant 0 : index
    %swap3A_12 = arith.constant 0 : index
    %swap3A_13 = vector.load %arg3[%swap3A, %swap3A_12] : memref<1x1024xf32, #tpu.memory_space<vmem>>, vector<1x1024xf32>
    tpu.vector_store %arg3[%swap3A, %swap3A_12], %add3A {strides = array<i32>} : memref<1x1024xf32, #tpu.memory_space<vmem>>, vector<1x1024xf32>,
    return
  }
  func.func @transform_0(%arg0: i32) -> (i32, i32) {
    %c0_i32 = arith.constant 0 : i32
    %c0_i32_0 = arith.constant 0 : i32
    return %arg0, %c0_i32 : i32, i32
  }
  func.func @transform_1(%arg0: i32) -> (i32, i32) {
    %c0_i32 = arith.constant 0 : i32
    %c0_i32_0 = arith.constant 0 : i32
    %c0_i32_1 = arith.constant 0 : i32
    return %c0_i32, %c0_i32_0 : i32, i32
  }
  func.func @transform_2(%arg0: i32) -> (i32, i32) {
    %c0_i32 = arith.constant 0 : i32
    %c0_i32_0 = arith.constant 0 : i32
    %c0_i32_1 = arith.constant 0 : i32
    return %c0_i32, %c0_i32_0 : i32, i32
  }
}

module attributes {stable_mosaic.version = 14 : i64} {
  func.func @_norm_body(%arg0: i32, %arg1: memref<1x1024xf32, #tpu.memory_space<vmem>>, %arg2: memref<1x1024xf32, #tpu.memory_space<vmem>>, %arg3: memref<1x1024xf32, #tpu.memory_space<vmem>>, %arg4: memref<1x1024xf32, #tpu.memory_space<vmem>>, %arg5: memref<256x1024xf32, #tpu.memory_space<vmem>>, %arg6: memref<256x1024xf32, #tpu.memory_space<vmem>>) attributes {dimension_semantics = [#tpu.dimension_semantics<arbitrary>], iteration_bounds = array<i64: 64>, scalar_prefetch = 0 : i64, scratch_operands = 0 : i64, tpu.core_type = #tpu.core_type<tc>, window_params = [{pipeline_mode = #tpu.pipeline_mode<synchronous>, transform_indices = @transform_0, window_bounds = array<i64: 1, 1024>}, {pipeline_mode = #tpu.pipeline_mode<synchronous>, transform_indices = @transform_1, window_bounds = array<i64: 1, 1024>}, {pipeline_mode = #tpu.pipeline_mode<synchronous>, transform_indices = @transform_2, window_bounds = array<i64: 1, 1024>}, {pipeline_mode = #tpu.pipeline_mode<synchronous>, transform_indices = @transform_3, window_bounds = array<i64: 1, 1024>}, {transform_indices = @transform_4, window_bounds = array<i64: 256, 1024>}, {transform_indices = @transform_5, window_bounds = array<i64: 256, 1024>}]} {
    %get3A = arith.constant 0 : index
    %get3A_0 = arith.constant 0 : index
    %get3A_1 = vector.load %arg5[%get3A, %get3A_0] : memref<256x1024xf32, #tpu.memory_space<vmem>>, vector<256x1024xf32>
    %get3A_2 = arith.constant 0 : index
    %get3A_3 = arith.constant 0 : index
    %get3A_4 = vector.load %arg1[%get3A_2, %get3A_3] : memref<1x1024xf32, #tpu.memory_space<vmem>>, vector<1x1024xf32>
    %sub3A = vector.broadcast %get3A_4 : vector<1x1024xf32> to vector<256x1024xf32>
    %sub3A_5 = arith.subf %get3A_1, %sub3A : vector<256x1024xf32>
    %get3A_6 = arith.constant 0 : index
    %get3A_7 = arith.constant 0 : index
    %get3A_8 = vector.load %arg2[%get3A_6, %get3A_7] : memref<1x1024xf32, #tpu.memory_space<vmem>>, vector<1x1024xf32>
    %add3A = arith.constant 9.99999974E-6 : f32
    %add3A_9 = vector.broadcast %add3A : f32 to vector<1x1024xf32>
    %add3A_10 = arith.addf %get3A_8, %add3A_9 : vector<1x1024xf32>
    %sqrt3A = math.sqrt %add3A_10 : vector<1x1024xf32>
    %div3A = vector.broadcast %sqrt3A : vector<1x1024xf32> to vector<256x1024xf32>
    %div3A_11 = arith.divf %sub3A_5, %div3A : vector<256x1024xf32>
    %get3A_12 = arith.constant 0 : index
    %get3A_13 = arith.constant 0 : index
    %get3A_14 = vector.load %arg3[%get3A_12, %get3A_13] : memref<1x1024xf32, #tpu.memory_space<vmem>>, vector<1x1024xf32>
    %mul3A = vector.broadcast %get3A_14 : vector<1x1024xf32> to vector<256x1024xf32>
    %mul3A_15 = arith.mulf %div3A_11, %mul3A : vector<256x1024xf32>
    %get3A_16 = arith.constant 0 : index
    %get3A_17 = arith.constant 0 : index
    %get3A_18 = vector.load %arg4[%get3A_16, %get3A_17] : memref<1x1024xf32, #tpu.memory_space<vmem>>, vector<1x1024xf32>
    %add3A_19 = vector.broadcast %get3A_18 : vector<1x1024xf32> to vector<256x1024xf32>
    %add3A_20 = arith.addf %mul3A_15, %add3A_19 : vector<256x1024xf32>
    %ge3A = arith.constant 0.000000e+00 : f32
    %ge3A_21 = vector.broadcast %ge3A : f32 to vector<256x1024xf32>
    %ge3A_22 = arith.cmpf oge, %add3A_20, %ge3A_21 : vector<256x1024xf32>
    %mul3A_23 = arith.constant 2.000000e-01 : f32
    %mul3A_24 = vector.broadcast %mul3A_23 : f32 to vector<256x1024xf32>
    %mul3A_25 = arith.mulf %mul3A_24, %add3A_20 : vector<256x1024xf32>
    %select_n3A = arith.select %ge3A_22, %add3A_20, %mul3A_25 : vector<256x1024xi1>, vector<256x1024xf32>
    %swap3A = arith.constant 0 : index
    %swap3A_26 = arith.constant 0 : index
    %swap3A_27 = vector.load %arg6[%swap3A, %swap3A_26] : memref<256x1024xf32, #tpu.memory_space<vmem>>, vector<256x1024xf32>
    tpu.vector_store %arg6[%swap3A, %swap3A_26], %select_n3A {strides = array<i32>} : memref<256x1024xf32, #tpu.memory_space<vmem>>, vector<256x1024xf32>,
    return
  }
  func.func @transform_0(%arg0: i32) -> (i32, i32) {
    %c0_i32 = arith.constant 0 : i32
    %c0_i32_0 = arith.constant 0 : i32
    %c0_i32_1 = arith.constant 0 : i32
    return %c0_i32, %c0_i32_0 : i32, i32
  }
  func.func @transform_1(%arg0: i32) -> (i32, i32) {
    %c0_i32 = arith.constant 0 : i32
    %c0_i32_0 = arith.constant 0 : i32
    %c0_i32_1 = arith.constant 0 : i32
    return %c0_i32, %c0_i32_0 : i32, i32
  }
  func.func @transform_2(%arg0: i32) -> (i32, i32) {
    %c0_i32 = arith.constant 0 : i32
    %c0_i32_0 = arith.constant 0 : i32
    %c0_i32_1 = arith.constant 0 : i32
    return %c0_i32, %c0_i32_0 : i32, i32
  }
  func.func @transform_3(%arg0: i32) -> (i32, i32) {
    %c0_i32 = arith.constant 0 : i32
    %c0_i32_0 = arith.constant 0 : i32
    %c0_i32_1 = arith.constant 0 : i32
    return %c0_i32, %c0_i32_0 : i32, i32
  }
  func.func @transform_4(%arg0: i32) -> (i32, i32) {
    %c0_i32 = arith.constant 0 : i32
    %c0_i32_0 = arith.constant 0 : i32
    return %arg0, %c0_i32 : i32, i32
  }
  func.func @transform_5(%arg0: i32) -> (i32, i32) {
    %c0_i32 = arith.constant 0 : i32
    %c0_i32_0 = arith.constant 0 : i32
    return %arg0, %c0_i32 : i32, i32
  }
}

</mosaic_0001>

<sc_bundles>
// kernel: kernel.18.cloned.1.call-start
scs
__scs_entry_jumppad:
0x0: {  	(pc) =	sbr.rel $0x88, $3  }
0x1: {  	(tag) =	ssettag $0x0;
	lr =	simm.s32 $0x1  }
0x2: {  	[smem:$0x3F91] =	sst lr;
	_ =	strace $0xD0000000  }
0x3: {  	_ = 	snop  }
0x4: {  	_ = 	snop  }
0x5: {  	_ = 	snop  }
0x6: {  	_ = 	snop  }
0x7: {  	_ = 	snop  }
__scs_overlays_trampoline_lowered:
0x8: {  	[smem:$0x3FA0] =	sst s0  }
0x9: {  	[smem:$0x3FA1] =	sst s1  }
0xa: {  	[smem:$0x3FA2] =	sst s2  }
0xb: {  	[smem:$0x3FA3] =	sst s3  }
0xc: {  	[smem:$0x3FA4] =	sst s4  }
0xd: {  	[smem:$0x3FA5] =	sst s5  }
0xe: {  	[smem:$0x3FA6] =	sst s6  }
0xf: {  	[smem:$0x3FA7] =	sst s7  }
0x10: {  	[smem:$0x3FA8] =	sst s8  }
0x11: {  	[smem:$0x3FA9] =	sst s9;
	s0 =	simm.s32 @!p0 $0x0  }
0x12: {  	s1 =	sld [smem:$0x3F8F];
	s0 =	simm.s32 @p0 $0x1  }
0x13: {  	[smem:$0x3FAA] =	sst s0;
	s0 =	simm.s32 @!p1 $0x0  }
0x14: {  	s2 =	sld [smem:$0x3F8E];
	s0 =	simm.s32 @p1 $0x1  }
0x15: {  	[smem:$0x3FAB] =	sst s0;
	s0 =	simm.s32 @!p2 $0x0  }
0x16: {  	s3 =	sld [smem:$0x3FDB];
	s0 =	simm.s32 @p2 $0x1  }
0x17: {  	s4 =	simm.s32 $0x1BF5;
	[smem:$0x3FAD] =	sst s0  }
0x18: {  	s0 =	sld [smem:$0x3F90];
	_ =	swait.ge [sflag:s4], $0x0  }
0x19: {  	s7 =	sld [smem:$0x3F91]  }
0x1a: {  	s8 =	sadd.s32 $0xFFFFE003, lr  }
0x1b: {  	s9 =	sadd.s32 $0xFFFFFEF7, lr;
	s5 =	simm.s32 $0xFFFFFFFF;
	p2 =	slt.u32 s8, $0xFFFFF086  }
0x1c: {  	p1 =	slt.u32 s9, $0xF7A;
	s5 =	simm.s32 @!p2 $0x0  }
0x1d: {  	s5 =	simm.s32 @p1 $0x1;
	p0 =	seq.s32 s7, s2  }
0x1e: {  	s7 =	smul.u32 @!p0 $0xF7A, s2;
	p2 =	seq.s32 @!p0 s5, $0x0  }
0x1f: {  	s9 =	smul.u32 $0xF7A, s1;
	s8 =	simm.s32 @!p0 $0x1BF5;
	p2 =	por !p2, p0  }
0x20: {  	[sflag:s8] =	ssyncset.s32 @!p0 $0xFFFFF086;
	s6 =	sadd.s32 @!p0 s3, s7;
	s7 =	simm.s32 @!p0 $0x108  }
0x21: {  	s3 =	sadd.s32 s3, s9;
	s6 =	sadd.s32 @!p0 $0x88, s6;
	s7 =	simm.s32 @p2 $0x1082  }
0x22: {  	[simem:s7], [sflag:s8] =	dma.local @!p0 [hbm:s6], $0xF7A  }
0x23: {  	s9 =	sor.u32 $0xD0000000, s2;
	s6 =	simm.s32 $0x108;
	_ =	swait.ge @!p0 [sflag:s8], $0x0  }
0x24: {  	s3 =	sadd.s32 $0x88, s3;
	s6 =	simm.s32 @!p1 $0x1082;
	[sflag:s4] =	ssyncset.s32 $0xFFFFF086  }
0x25: {  	[simem:s6], [sflag:s4] =	dma.local [hbm:s3], $0xF7A  }
0x26: {  	[smem:$0x3F91] =	sst s1;
	(tag) =	ssettag s2;
	_ =	strace s9  }
0x27: {  	s1 =	sld [smem:$0x3FA1]  }
0x28: {  	s2 =	sld [smem:$0x3FA2]  }
0x29: {  	s4 =	sld [smem:$0x3FA4]  }
0x2a: {  	p0 =	seq.s32 s5, $0x0;
	s5 =	sld [smem:$0x3FA5]  }
0x2b: {  	s6 =	sld [smem:$0x3FA6]  }
0x2c: {  	s7 =	sld [smem:$0x3FA7]  }
0x2d: {  	s3 =	simm.s32 $0x108;
	s8 =	sld [smem:$0x3FA8]  }
0x2e: {  	s3 =	simm.s32 @!p0 $0x1082;
	s9 =	sld [smem:$0x3FA9]  }
0x2f: {  	lr =	sadd.s32 s0, s3;
	s0 =	sld [smem:$0x3FA0]  }
0x30: {  	s3 =	sld [smem:$0x3FA3]  }
0x31: {  	[smem:$0x3FAC] =	sst s10  }
0x32: {  	s10 =	sld [smem:$0x3FAA];
	_ =	sdelay $0x3  }
0x33: {  	p0 =	seq.s32 s10, $0x1;
	s10 =	sld [smem:$0x3FAC];
	_ =	sdelay $0x3  }
0x34: {  	[smem:$0x3FAC] =	sst s10  }
0x35: {  	s10 =	sld [smem:$0x3FAB];
	_ =	sdelay $0x3  }
0x36: {  	p1 =	seq.s32 s10, $0x1;
	s10 =	sld [smem:$0x3FAC];
	_ =	sdelay $0x3  }
0x37: {  	[smem:$0x3FAC] =	sst s10  }
0x38: {  	s10 =	sld [smem:$0x3FAD]  }
0x39: {  	_ = 	snop;
	(pc) =	sbr.ind lr, $3  }
0x3a: {  	_ = 	snop  }
0x3b: {  	_ = 	snop  }
0x3c: {  	p2 =	seq.s32 s10, $0x1;
	s10 =	sld [smem:$0x3FAC]  }
0x3d: {  	_ =	shalt  }
0x3e: {  	_ =	shalt  }
0x3f: {  	_ =	shalt  }
0x40: {  	_ =	shalt  }
0x41: {  	_ =	shalt  }
0x42: {  	_ =	shalt  }
0x43: {  	_ =	shalt  }
0x44: {  	_ =	shalt  }
0x45: {  	_ =	shalt  }
0x46: {  	_ =	shalt  }
0x47: {  	_ =	shalt  }
0x48: {  	_ =	shalt  }
0x49: {  	_ =	shalt  }
0x4a: {  	_ =	shalt  }
0x4b: {  	_ =	shalt  }
0x4c: {  	_ =	shalt  }
0x4d: {  	_ =	shalt  }
0x4e: {  	_ =	shalt  }
0x4f: {  	_ =	shalt  }
0x50: {  	_ =	shalt  }
0x51: {  	_ =	shalt  }
0x52: {  	_ =	shalt  }
0x53: {  	_ =	shalt  }
0x54: {  	_ =	shalt  }
0x55: {  	_ =	shalt  }
0x56: {  	_ =	shalt  }
0x57: {  	_ =	shalt  }
0x58: {  	_ =	shalt  }
0x59: {  	_ =	shalt  }
0x5a: {  	_ =	shalt  }
0x5b: {  	_ =	shalt  }
0x5c: {  	_ =	shalt  }
0x5d: {  	_ =	shalt  }
0x5e: {  	_ =	shalt  }
0x5f: {  	_ =	shalt  }
0x60: {  	_ =	shalt  }
0x61: {  	_ =	shalt  }
0x62: {  	_ =	shalt  }
0x63: {  	_ =	shalt  }
0x64: {  	_ =	shalt  }
0x65: {  	_ =	shalt  }
0x66: {  	_ =	shalt  }
0x67: {  	_ =	shalt  }
0x68: {  	_ =	shalt  }
0x69: {  	_ =	shalt  }
0x6a: {  	_ =	shalt  }
0x6b: {  	_ =	shalt  }
0x6c: {  	_ =	shalt  }
0x6d: {  	_ =	shalt  }
0x6e: {  	_ =	shalt  }
0x6f: {  	_ =	shalt  }
0x70: {  	_ =	shalt  }
0x71: {  	_ =	shalt  }
0x72: {  	_ =	shalt  }
0x73: {  	_ =	shalt  }
0x74: {  	_ =	shalt  }
0x75: {  	_ =	shalt  }
0x76: {  	_ =	shalt  }
0x77: {  	_ =	shalt  }
0x78: {  	_ =	shalt  }
0x79: {  	_ =	shalt  }
0x7a: {  	_ =	shalt  }
0x7b: {  	_ =	shalt  }
0x7c: {  	_ =	shalt  }
0x7d: {  	_ =	shalt  }
0x7e: {  	_ =	shalt  }
0x7f: {  	_ =	shalt  }
0x80: {  	_ =	shalt  }
0x81: {  	_ =	shalt  }
0x82: {  	_ =	shalt  }
0x83: {  	_ =	shalt  }
0x84: {  	_ =	shalt  }
0x85: {  	_ =	shalt  }
0x86: {  	_ =	shalt  }
0x87: {  	_ =	shalt  }
.Lfunc_end0:
.L_simem_size_0:
called_computation_lowered:
.L_overlay_start_0:
0x88: {  	s2 =	sld [smem:$0x3FD9]  }
0x89: {  	s3 =	sld [smem:$0x3FFE];
	_ =	sdelay $0x1  }
0x8a: {  	s1 =	srdreg.scid  }
0x8b: {  	s0 =	sand.u32 $0x1, s1  }
0x8c: {  	s17 =	sshll.u32 s0, $0xA;
	s2 =	sadd.s32 s3, s2  }
0x8d: {  	s2 =	sadd.s32 s2, s17  }
0x8e: {  	[smem:$0x3FB8] =	sst s2  }
0x8f: {  	_ = 	snop  }
0x90: {  	s2 =	sld [smem:$0x3FD0];
	(tm) =	ssettm $0x1  }
0x91: {  	s18 =	sld [smem:$0x3FFB];
	_ =	sdelay $0x3  }
0x92: {  	_ =	strace s18  }
0x93: {  	s3 =	sld [smem:$0x3FFC];
	_ =	sdelay $0x3  }
0x94: {  	_ =	strace s3  }
0x95: {  	s3 =	sld [smem:$0x3FFD];
	_ =	sdelay $0x3  }
0x96: {  	_ =	strace s3  }
0x97: {  	_ =	strace $0x8FFFFFFF  }
0x98: {  	s19 =	sld [smem:$0x3FDB];
	_ =	sdelay $0x1  }
0x99: {  	s4 =	simm.s32 $_scs_section_size  }
0x9a: {  	s5 =	simm.s32 $_size__tile_overlayer_lowered;
	s6 =	simm.s32 $_tile_overlayer_lowered  }
0x9b: {  	s22 =	simm.s32 $0x1BFF;
	s21 =	sshll.u32 s6, $0x1;
	s3 =	sadd.s32 s4, s19  }
0x9c: {  	s7 =	simm.s32 $0x0;
	s20 =	sshll.u32 s5, $0x1;
	s5 =	sadd.s32 s21, s3  }
0x9d: {  	[timem:s7], [sflag:s22] =	dma.local [hbm:s5], s20  }
0x9e: {  	_ =	swait.ge [sflag:s22], s20  }
0x9f: {  	s4 =	ssub.s32 $0x0, s20;
	[sflag:s22] =	ssyncset.done $0x0  }
0xa0: {  	[sflag:s22] =	ssyncadd.s32 s4;
	_ =	sdelay $0x1  }
0xa1: {  	s23 =	simm.s32 $0x1B8B  }
0xa2: {  	_ =	swait.ge [sflag:s23], $0x1  }
0xa3: {  	[sflag:s23] =	ssyncset.done $0x0  }
0xa4: {  	s25 =	simm.s32 $0x1B8E;
	s24 =	sld [smem:$0x3FFE];
	[sflag:s23] =	ssyncadd.s32 $0xFFFFFFFF  }
0xa5: {  	s26 =	simm.s32 $execute0_lowered;
	[smem:$0x3FD2] =	sst s25  }
0xa6: {  	s5 =	sshll.u32 s26, $0x1;
	_ =	strace $0x80000046;
	[dreg:$0x1] =	wrdreg $0xFFFFFFFF  }
0xa7: {  	s28 =	simm.s32 $_size_execute0_lowered;
	s3 =	sadd.s32 s3, s5;
	[dreg:$0x0] =	wrdreg $0x0  }
0xa8: {  	s5 =	sshll.u32 s28, $0x1;
	[dreg:$0x2] =	wrdreg s3  }
0xa9: {  	[dreg:$0x3] =	wrdreg s5  }
0xaa: {  	[dreg:$0x4] =	wrdreg $0xC0  }
0xab: {  	_ =	task [dreg:s7], $0x5FFFF  }
0xac: {  	[dreg:$0x1] =	wrdreg $0xFFFFFFFF  }
0xad: {  	[dreg:$0x0] =	wrdreg $0x60  }
0xae: {  	[dreg:$0x2] =	wrdreg s24  }
0xaf: {  	[dreg:$0x3] =	wrdreg s2  }
0xb0: {  	[dreg:$0x4] =	wrdreg $0x9  }
0xb1: {  	_ =	task.clear_ibuf [dreg:s7], $0x5FFFF;
	_ =	strace $0x90000046  }
0xb2: {  	s29 =	simm.s32 $0x9;
	_ =	strace $0x80000048  }
0xb3: {  	_ =	swait.ge [sflag:s29], $0x1  }
0xb4: {  	[sflag:s29] =	ssyncadd.s32 $0xFFFFFFFF  }
0xb5: {  	_ =	strace $0x90000048  }
0xb6: {  	_ =	sfence  }
0xb7: {  	s30 =	sld [smem:$0x0];
	_ =	sdelay $0x2  }
0xb8: {  	s31 =	sshll.u32 s1, $0xD;
	s1 =	sshrl.u32 s1, $0x2  }
0xb9: {  	s3 =	sand.u32 $0x4000, s31;
	s1 =	sadd.s32 s1, s30  }
0xba: {  	s0 =	sor.u32 s3, s0;
	s1 =	sshll.u32 s1, $0x11  }
0xbb: {  	s0 =	sor.u32 s1, s0  }
0xbc: {  	s0 =	sadd.s32 $0x8F2B, s0  }
0xbd: {  	[sflag:s0] =	ssyncadd.remote.s32 $0x1  }
0xbe: {  	_ =	sfence.sel $0xFFFF  }
0xbf: {  	[dreg:$0x0] =	wrdreg $0xFFFFFFFF;
	(pc) =	sbr.abs _section_cstart, $3  }
0xc0: {  	[dreg:$0x1] =	wrdreg $0xFFFFFFFF  }
0xc1: {  	_ =	task.clear_ibuf [dreg:s7], $0x2FFFF;
	_ =	strace $0x9FFFFFFF  }
0xc2: {  	(tm) =	ssettm $0x7FFFFFFF  }
0xc3: {  	_ =	shalt  }
tec
execute0_lowered:
.L_overlay_start_1:
0x0: {  	(tag) =	ssettag $0x1  }
0x1: {  	s4 =	rddreg [dreg:$0x0]  }
0x2: {  	s2 =	rddreg [dreg:$0x1]  }
0x3: {  	s0 =	rddreg [dreg:$0x2]  }
0x4: {  	s1 =	stileid.u32;
	s5 =	srdreg.scid  }
0x5: {  	s3 =	simm.s32 $0x0;
	s12 =	simm.s32 $0x2900;
	s13 =	simm.s32 $0x1  }
0x6: {  	s14 =	simm.s32 $0x2;
	s15 =	simm.s32 $0x0;
	s6 =	smul.u32 $0x50000, s1  }
0x7: {  	s5 =	sand.u32 $0x1, s5;
	[smem:$0x7FF] =	sst s3;
	s8 =	smul.u32 $0x5000, s1  }
0x8: {  	s11 =	sadd.s32 $0x42E00, s4;
	s7 =	ssub.s32 $0x2, s5;
	s10 =	smul.u32 $0x2800, s5  }
0x9: {  	_ =	strace $0x80000047;
	s5 =	smul.u32 $0x28000, s5;
	s9 =	sshrl.u32 s7, $0x1  }
0xa: {  	s6 =	sadd.s32 s6, s4;
	s7 =	ssub.s32 s7, s9;
	s30 =	sadd.s32 s10, s8  }
0xb: {  	s5 =	sadd.s32 s5, s6;
	s8 =	simm.s32 $0x3;
	s9 =	simm.s32 $0x80  }
0xc: {  	s10 =	simm.s32 $0x50;
	s4 =	smax.u32 s7, $0x1;
	s7 =	sor.u32 $0x50, s30  }
0xd: {  	s31 =	sshrl.u32 s30, $0x3;
	s5 =	sadd.s32 $0x4CE00, s5;
	s7 =	sshrl.u32 s7, $0x3  }
0xe: {  	s6 =	sadd.s32 s31, s11;
	s7 =	sadd.s32 s7, s11;
	s11 =	simm.s32 $0x100  }
.LBB2_1:
0xf: {  	s16 =	sadd.s32 $0x0, s6  }
0x10: {  	[tilespmem:s3], [sflag:$0x3] =	stream.linear.gather [hbm4b:s16+s3], $0x50, $0x38;
	[tilespmem:$0x5100] =	vst v63  }
0x11: {  	_ =	swait.ge [sflag:s8], $0x50  }
0x12: {  	[sflag:s8] =	ssyncset.done $0x0  }
0x13: {  	s30 =	sadd.s32 $0x0, s7;
	[sflag:s8] =	ssyncadd.s32 $0xFFFFFFB0  }
0x14: {  	[tilespmem:s9], [sflag:$0x3] =	stream.linear.gather [hbm4b:s30+s3], $0x50, $0x38;
	[tilespmem:$0x5100] =	vst v63  }
0x15: {  	_ =	swait.ge [sflag:s8], $0x50  }
0x16: {  	[sflag:s8] =	ssyncset.done $0x0  }
0x17: {  	[sflag:s8] =	ssyncadd.s32 $0xFFFFFFB0  }
0x18: {  	[tilespmem:s11], [sflag:$0x1] =	stream.indirect.gather [hbm4b:s2+s10], $0x80, s3, s10, $0xb8;
	[tilespmem:$0x5100] =	vst v63  }
0x19: {  	_ = 	snop  }
0x1a: {  	[tilespmem:s12], [sflag:$0x2] =	stream.indirect.gather [hbm4b:s2+s10], $0x80, s9, s10, $0xb8;
	[tilespmem:$0x5100] =	vst v63  }
0x1b: {  	_ =	swait.ge [sflag:s13], $0x2800  }
0x1c: {  	[sflag:s13] =	ssyncset.done $0x0  }
0x1d: {  	[sflag:s13] =	ssyncadd.s32 $0xFFFFD800  }
0x1e: {  	_ =	swait.ge [sflag:s14], $0x2800  }
0x1f: {  	[sflag:s14] =	ssyncset.done $0x0  }
0x20: {  	[sflag:s14] =	ssyncadd.s32 $0xFFFFD800  }
0x21: {  	[hbm4b:s5+s3] =	stream.linear.scatter [tilespmem:s11], [sflag:$0x3], $0x2800, $0x38;
	[tilespmem:$0x5100] =	vst v63  }
0x22: {  	_ =	swait.ge [sflag:s8], $0x2800  }
0x23: {  	[sflag:s8] =	ssyncset.done $0x0  }
0x24: {  	s31 =	sadd.s32 $0x500, s5;
	[sflag:s8] =	ssyncadd.s32 $0xFFFFD800  }
0x25: {  	[hbm4b:s31+s3] =	stream.linear.scatter [tilespmem:s12], [sflag:$0x3], $0x2800, $0x38;
	[tilespmem:$0x5100] =	vst v63  }
0x26: {  	s17 =	simm.s32 $0x14;
	_ =	swait.ge [sflag:s8], $0x2800  }
0x27: {  	s18 =	simm.s32 $0x28;
	s16 =	sadd.s32 $0xA00, s5;
	[sflag:s8] =	ssyncset.done $0x0  }
.LBB2_2:
0x28: {  	s19 =	sadd.s32 s17, s6  }
0x29: {  	[sflag:s8] =	ssyncadd.s32 $0xFFFFD800;
	s20 =	smov.u32 s18;
	s21 =	sadd.s32 $0x14, s18  }
0x2a: {  	[tilespmem:s3], [sflag:$0x3] =	stream.linear.gather [hbm4b:s19+s3], $0x50, $0x38;
	[tilespmem:$0x5100] =	vst v63  }
0x2b: {  	p0 =	sne.s32 s18, $0x4EC;
	_ =	swait.ge [sflag:s8], $0x50  }
0x2c: {  	[sflag:s8] =	ssyncset.done $0x0  }
0x2d: {  	s18 =	sadd.s32 s17, s7;
	s17 =	smov.u32 s20;
	[sflag:s8] =	ssyncadd.s32 $0xFFFFFFB0  }
0x2e: {  	[tilespmem:s9], [sflag:$0x3] =	stream.linear.gather [hbm4b:s18+s3], $0x50, $0x38;
	[tilespmem:$0x5100] =	vst v63  }
0x2f: {  	_ =	swait.ge [sflag:s8], $0x50  }
0x30: {  	[sflag:s8] =	ssyncset.done $0x0  }
0x31: {  	[sflag:s8] =	ssyncadd.s32 $0xFFFFFFB0  }
0x32: {  	[tilespmem:s11], [sflag:$0x1] =	stream.indirect.gather [hbm4b:s2+s10], $0x80, s3, s10, $0xb8;
	[tilespmem:$0x5100] =	vst v63  }
0x33: {  	_ = 	snop  }
0x34: {  	[tilespmem:s12], [sflag:$0x2] =	stream.indirect.gather [hbm4b:s2+s10], $0x80, s9, s10, $0xb8;
	[tilespmem:$0x5100] =	vst v63  }
0x35: {  	_ =	swait.ge [sflag:s13], $0x2800  }
0x36: {  	[sflag:s13] =	ssyncset.done $0x0  }
0x37: {  	[sflag:s13] =	ssyncadd.s32 $0xFFFFD800  }
0x38: {  	_ =	swait.ge [sflag:s14], $0x2800  }
0x39: {  	[sflag:s14] =	ssyncset.done $0x0  }
0x3a: {  	[sflag:s14] =	ssyncadd.s32 $0xFFFFD800  }
0x3b: {  	[hbm4b:s16+s3] =	stream.linear.scatter [tilespmem:s11], [sflag:$0x3], $0x2800, $0x38;
	[tilespmem:$0x5100] =	vst v63  }
0x3c: {  	_ =	swait.ge [sflag:s8], $0x2800  }
.Ltmp0:
0x3d: {  	[sflag:s8] =	ssyncset.done $0x0;
	(pc) =	sbr.rel @p0 .LBB2_2-.Ltmp0, $4  }
0x3e: {  	s18 =	sadd.s32 $0x500, s16;
	[sflag:s8] =	ssyncadd.s32 $0xFFFFD800  }
0x3f: {  	[hbm4b:s18+s3] =	stream.linear.scatter [tilespmem:s12], [sflag:$0x3], $0x2800, $0x38;
	[tilespmem:$0x5100] =	vst v63  }
0x40: {  	_ =	swait.ge [sflag:s8], $0x2800  }
0x41: {  	s16 =	sadd.s32 $0xA00, s16;
	s18 =	smov.u32 s21;
	[sflag:s8] =	ssyncset.done $0x0  }
0x42: {  	s18 =	sadd.s32 s17, s6;
	[sflag:s8] =	ssyncadd.s32 $0xFFFFD800  }
0x43: {  	[tilespmem:s3], [sflag:$0x3] =	stream.linear.gather [hbm4b:s18+s3], $0x50, $0x38;
	[tilespmem:$0x5100] =	vst v63  }
0x44: {  	_ =	swait.ge [sflag:s8], $0x50  }
0x45: {  	[sflag:s8] =	ssyncset.done $0x0  }
0x46: {  	s30 =	sadd.s32 s17, s7;
	[sflag:s8] =	ssyncadd.s32 $0xFFFFFFB0  }
0x47: {  	[tilespmem:s9], [sflag:$0x3] =	stream.linear.gather [hbm4b:s30+s3], $0x50, $0x38;
	[tilespmem:$0x5100] =	vst v63  }
0x48: {  	_ =	swait.ge [sflag:s8], $0x50  }
0x49: {  	[sflag:s8] =	ssyncset.done $0x0  }
0x4a: {  	[sflag:s8] =	ssyncadd.s32 $0xFFFFFFB0  }
0x4b: {  	[tilespmem:s11], [sflag:$0x1] =	stream.indirect.gather [hbm4b:s2+s10], $0x80, s3, s10, $0xb8;
	[tilespmem:$0x5100] =	vst v63  }
0x4c: {  	_ = 	snop  }
0x4d: {  	[tilespmem:s12], [sflag:$0x2] =	stream.indirect.gather [hbm4b:s2+s10], $0x80, s9, s10, $0xb8;
	[tilespmem:$0x5100] =	vst v63  }
0x4e: {  	_ =	swait.ge [sflag:s13], $0x2800  }
0x4f: {  	[sflag:s13] =	ssyncset.done $0x0  }
0x50: {  	[sflag:s13] =	ssyncadd.s32 $0xFFFFD800  }
0x51: {  	_ =	swait.ge [sflag:s14], $0x2800  }
0x52: {  	[sflag:s14] =	ssyncset.done $0x0  }
0x53: {  	[sflag:s14] =	ssyncadd.s32 $0xFFFFD800  }
0x54: {  	[hbm4b:s16+s3] =	stream.linear.scatter [tilespmem:s11], [sflag:$0x3], $0x2800, $0x38;
	[tilespmem:$0x5100] =	vst v63  }
0x55: {  	s15 =	sadd.s32 $0x1, s15;
	_ =	swait.ge [sflag:s8], $0x2800  }
0x56: {  	p0 =	sne.s32 s15, s4;
	[sflag:s8] =	ssyncset.done $0x0  }
.Ltmp1:
0x57: {  	s31 =	sadd.s32 $0x500, s16;
	[sflag:s8] =	ssyncadd.s32 $0xFFFFD800;
	(pc) =	sbr.rel @p0 .LBB2_1-.Ltmp1, $4  }
0x58: {  	[hbm4b:s31+s3] =	stream.linear.scatter [tilespmem:s12], [sflag:$0x3], $0x2800, $0x38;
	[tilespmem:$0x5100] =	vst v63  }
0x59: {  	_ =	swait.ge [sflag:s8], $0x2800  }
0x5a: {  	[sflag:s8] =	ssyncset.done $0x0  }
0x5b: {  	[sflag:s8] =	ssyncadd.s32 $0xFFFFD800  }
0x5c: {  	_ =	sfence.sel $0x180000  }
0x5d: {  	[bflag:$0x0] =	sbarrier.arrive $0xFFFF  }
0x5e: {  	p0 =	sne.s32 s1, $0x0;
	_ =	strace $0x90000047  }
0x5f: {  	s0 =	sadd.s32 @!p0 $0x100000, s0;
	[bflag:$0x2] =	sbarrier.arrive $0xFFFF  }
0x60: {  	[sflag:s0] =	ssyncadd.tile.s32 @!p0 $0x1;
	_ =	shalt  }
.Lfunc_end2:
_tile_overlayer_lowered:
.L_overlay_start_2:
0x61: {  	(tag) =	ssettag $0x2  }
0x62: {  	s0 =	rddreg [dreg:$0x0];
	s2 =	stileid.u32  }
0x63: {  	s1 =	rddreg [dreg:$0x1];
	p0 =	sne.s32 s2, $0x0  }
0x64: {  	s3 =	rddreg [dreg:$0x2];
	[bflag:$0x3] =	sbarrier.arrive $0xFFFF;
	s2 =	simm.s32 @!p0 $0x1C03  }
0x65: {  	[timem:s3], [sflag:s2] =	dma.local @!p0 [hbm:s0], s1  }
0x66: {  	s0 =	simm.s32 @!p0 $0x3  }
0x67: {  	_ =	swait.ge @!p0 [sflag:s0], s1  }
0x68: {  	s1 =	ssub.s32 @!p0 $0x0, s1;
	[sflag:s0] =	ssyncset.done @!p0 $0x0  }
0x69: {  	[sflag:s0] =	ssyncadd.s32 @!p0 s1  }
0x6a: {  	[bflag:$0x3] =	sbarrier.arrive $0xFFFF  }
0x6b: {  	_ =	shalt  }

// kernel: kernel.21.cloned.1.call-start
scs
__scs_entry_jumppad:
0x0: {  	(pc) =	sbr.rel $0x88, $3  }
0x1: {  	(tag) =	ssettag $0x0;
	lr =	simm.s32 $0x1  }
0x2: {  	[smem:$0x3F91] =	sst lr;
	_ =	strace $0xD0000000  }
0x3: {  	_ = 	snop  }
0x4: {  	_ = 	snop  }
0x5: {  	_ = 	snop  }
0x6: {  	_ = 	snop  }
0x7: {  	_ = 	snop  }
__scs_overlays_trampoline_lowered:
0x8: {  	[smem:$0x3FA0] =	sst s0  }
0x9: {  	[smem:$0x3FA1] =	sst s1  }
0xa: {  	[smem:$0x3FA2] =	sst s2  }
0xb: {  	[smem:$0x3FA3] =	sst s3  }
0xc: {  	[smem:$0x3FA4] =	sst s4  }
0xd: {  	[smem:$0x3FA5] =	sst s5  }
0xe: {  	[smem:$0x3FA6] =	sst s6  }
0xf: {  	[smem:$0x3FA7] =	sst s7  }
0x10: {  	[smem:$0x3FA8] =	sst s8  }
0x11: {  	[smem:$0x3FA9] =	sst s9;
	s0 =	simm.s32 @!p0 $0x0  }
0x12: {  	s1 =	sld [smem:$0x3F8F];
	s0 =	simm.s32 @p0 $0x1  }
0x13: {  	[smem:$0x3FAA] =	sst s0;
	s0 =	simm.s32 @!p1 $0x0  }
0x14: {  	s2 =	sld [smem:$0x3F8E];
	s0 =	simm.s32 @p1 $0x1  }
0x15: {  	[smem:$0x3FAB] =	sst s0;
	s0 =	simm.s32 @!p2 $0x0  }
0x16: {  	s3 =	sld [smem:$0x3FDB];
	s0 =	simm.s32 @p2 $0x1  }
0x17: {  	s4 =	simm.s32 $0x1BF5;
	[smem:$0x3FAD] =	sst s0  }
0x18: {  	s0 =	sld [smem:$0x3F90];
	_ =	swait.ge [sflag:s4], $0x0  }
0x19: {  	s7 =	sld [smem:$0x3F91]  }
0x1a: {  	s8 =	sadd.s32 $0xFFFFE003, lr  }
0x1b: {  	s9 =	sadd.s32 $0xFFFFFEF7, lr;
	s5 =	simm.s32 $0xFFFFFFFF;
	p2 =	slt.u32 s8, $0xFFFFF086  }
0x1c: {  	p1 =	slt.u32 s9, $0xF7A;
	s5 =	simm.s32 @!p2 $0x0  }
0x1d: {  	s5 =	simm.s32 @p1 $0x1;
	p0 =	seq.s32 s7, s2  }
0x1e: {  	s7 =	smul.u32 @!p0 $0xF7A, s2;
	p2 =	seq.s32 @!p0 s5, $0x0  }
0x1f: {  	s9 =	smul.u32 $0xF7A, s1;
	s8 =	simm.s32 @!p0 $0x1BF5;
	p2 =	por !p2, p0  }
0x20: {  	[sflag:s8] =	ssyncset.s32 @!p0 $0xFFFFF086;
	s6 =	sadd.s32 @!p0 s3, s7;
	s7 =	simm.s32 @!p0 $0x108  }
0x21: {  	s3 =	sadd.s32 s3, s9;
	s6 =	sadd.s32 @!p0 $0x88, s6;
	s7 =	simm.s32 @p2 $0x1082  }
0x22: {  	[simem:s7], [sflag:s8] =	dma.local @!p0 [hbm:s6], $0xF7A  }
0x23: {  	s9 =	sor.u32 $0xD0000000, s2;
	s6 =	simm.s32 $0x108;
	_ =	swait.ge @!p0 [sflag:s8], $0x0  }
0x24: {  	s3 =	sadd.s32 $0x88, s3;
	s6 =	simm.s32 @!p1 $0x1082;
	[sflag:s4] =	ssyncset.s32 $0xFFFFF086  }
0x25: {  	[simem:s6], [sflag:s4] =	dma.local [hbm:s3], $0xF7A  }
0x26: {  	[smem:$0x3F91] =	sst s1;
	(tag) =	ssettag s2;
	_ =	strace s9  }
0x27: {  	s1 =	sld [smem:$0x3FA1]  }
0x28: {  	s2 =	sld [smem:$0x3FA2]  }
0x29: {  	s4 =	sld [smem:$0x3FA4]  }
0x2a: {  	p0 =	seq.s32 s5, $0x0;
	s5 =	sld [smem:$0x3FA5]  }
0x2b: {  	s6 =	sld [smem:$0x3FA6]  }
0x2c: {  	s7 =	sld [smem:$0x3FA7]  }
0x2d: {  	s3 =	simm.s32 $0x108;
	s8 =	sld [smem:$0x3FA8]  }
0x2e: {  	s3 =	simm.s32 @!p0 $0x1082;
	s9 =	sld [smem:$0x3FA9]  }
0x2f: {  	lr =	sadd.s32 s0, s3;
	s0 =	sld [smem:$0x3FA0]  }
0x30: {  	s3 =	sld [smem:$0x3FA3]  }
0x31: {  	[smem:$0x3FAC] =	sst s10  }
0x32: {  	s10 =	sld [smem:$0x3FAA];
	_ =	sdelay $0x3  }
0x33: {  	p0 =	seq.s32 s10, $0x1;
	s10 =	sld [smem:$0x3FAC];
	_ =	sdelay $0x3  }
0x34: {  	[smem:$0x3FAC] =	sst s10  }
0x35: {  	s10 =	sld [smem:$0x3FAB];
	_ =	sdelay $0x3  }
0x36: {  	p1 =	seq.s32 s10, $0x1;
	s10 =	sld [smem:$0x3FAC];
	_ =	sdelay $0x3  }
0x37: {  	[smem:$0x3FAC] =	sst s10  }
0x38: {  	s10 =	sld [smem:$0x3FAD]  }
0x39: {  	_ = 	snop;
	(pc) =	sbr.ind lr, $3  }
0x3a: {  	_ = 	snop  }
0x3b: {  	_ = 	snop  }
0x3c: {  	p2 =	seq.s32 s10, $0x1;
	s10 =	sld [smem:$0x3FAC]  }
0x3d: {  	_ =	shalt  }
0x3e: {  	_ =	shalt  }
0x3f: {  	_ =	shalt  }
0x40: {  	_ =	shalt  }
0x41: {  	_ =	shalt  }
0x42: {  	_ =	shalt  }
0x43: {  	_ =	shalt  }
0x44: {  	_ =	shalt  }
0x45: {  	_ =	shalt  }
0x46: {  	_ =	shalt  }
0x47: {  	_ =	shalt  }
0x48: {  	_ =	shalt  }
0x49: {  	_ =	shalt  }
0x4a: {  	_ =	shalt  }
0x4b: {  	_ =	shalt  }
0x4c: {  	_ =	shalt  }
0x4d: {  	_ =	shalt  }
0x4e: {  	_ =	shalt  }
0x4f: {  	_ =	shalt  }
0x50: {  	_ =	shalt  }
0x51: {  	_ =	shalt  }
0x52: {  	_ =	shalt  }
0x53: {  	_ =	shalt  }
0x54: {  	_ =	shalt  }
0x55: {  	_ =	shalt  }
0x56: {  	_ =	shalt  }
0x57: {  	_ =	shalt  }
0x58: {  	_ =	shalt  }
0x59: {  	_ =	shalt  }
0x5a: {  	_ =	shalt  }
0x5b: {  	_ =	shalt  }
0x5c: {  	_ =	shalt  }
0x5d: {  	_ =	shalt  }
0x5e: {  	_ =	shalt  }
0x5f: {  	_ =	shalt  }
0x60: {  	_ =	shalt  }
0x61: {  	_ =	shalt  }
0x62: {  	_ =	shalt  }
0x63: {  	_ =	shalt  }
0x64: {  	_ =	shalt  }
0x65: {  	_ =	shalt  }
0x66: {  	_ =	shalt  }
0x67: {  	_ =	shalt  }
0x68: {  	_ =	shalt  }
0x69: {  	_ =	shalt  }
0x6a: {  	_ =	shalt  }
0x6b: {  	_ =	shalt  }
0x6c: {  	_ =	shalt  }
0x6d: {  	_ =	shalt  }
0x6e: {  	_ =	shalt  }
0x6f: {  	_ =	shalt  }
0x70: {  	_ =	shalt  }
0x71: {  	_ =	shalt  }
0x72: {  	_ =	shalt  }
0x73: {  	_ =	shalt  }
0x74: {  	_ =	shalt  }
0x75: {  	_ =	shalt  }
0x76: {  	_ =	shalt  }
0x77: {  	_ =	shalt  }
0x78: {  	_ =	shalt  }
0x79: {  	_ =	shalt  }
0x7a: {  	_ =	shalt  }
0x7b: {  	_ =	shalt  }
0x7c: {  	_ =	shalt  }
0x7d: {  	_ =	shalt  }
0x7e: {  	_ =	shalt  }
0x7f: {  	_ =	shalt  }
0x80: {  	_ =	shalt  }
0x81: {  	_ =	shalt  }
0x82: {  	_ =	shalt  }
0x83: {  	_ =	shalt  }
0x84: {  	_ =	shalt  }
0x85: {  	_ =	shalt  }
0x86: {  	_ =	shalt  }
0x87: {  	_ =	shalt  }
.Lfunc_end0:
.L_simem_size_0:
called_computation.1_lowered:
.L_overlay_start_0:
0x88: {  	s2 =	sld [smem:$0x3FD9]  }
0x89: {  	s3 =	sld [smem:$0x3FFE];
	_ =	sdelay $0x1  }
0x8a: {  	s1 =	srdreg.scid  }
0x8b: {  	s0 =	sand.u32 $0x1, s1  }
0x8c: {  	s17 =	sshll.u32 s0, $0xA;
	s2 =	sadd.s32 s3, s2  }
0x8d: {  	s2 =	sadd.s32 s2, s17  }
0x8e: {  	[smem:$0x3FB8] =	sst s2  }
0x8f: {  	_ = 	snop  }
0x90: {  	s2 =	sld [smem:$0x3FD0];
	(tm) =	ssettm $0x1  }
0x91: {  	s18 =	sld [smem:$0x3FFB];
	_ =	sdelay $0x3  }
0x92: {  	_ =	strace s18  }
0x93: {  	s3 =	sld [smem:$0x3FFC];
	_ =	sdelay $0x3  }
0x94: {  	_ =	strace s3  }
0x95: {  	s3 =	sld [smem:$0x3FFD];
	_ =	sdelay $0x3  }
0x96: {  	_ =	strace s3  }
0x97: {  	_ =	strace $0x8FFFFFFF  }
0x98: {  	s19 =	sld [smem:$0x3FDB];
	_ =	sdelay $0x1  }
0x99: {  	s4 =	simm.s32 $_scs_section_size  }
0x9a: {  	s5 =	simm.s32 $_size__tile_overlayer_lowered;
	s6 =	simm.s32 $_tile_overlayer_lowered  }
0x9b: {  	s22 =	simm.s32 $0x1BFF;
	s21 =	sshll.u32 s6, $0x1;
	s3 =	sadd.s32 s4, s19  }
0x9c: {  	s7 =	simm.s32 $0x0;
	s20 =	sshll.u32 s5, $0x1;
	s5 =	sadd.s32 s21, s3  }
0x9d: {  	[timem:s7], [sflag:s22] =	dma.local [hbm:s5], s20  }
0x9e: {  	_ =	swait.ge [sflag:s22], s20  }
0x9f: {  	s4 =	ssub.s32 $0x0, s20;
	[sflag:s22] =	ssyncset.done $0x0  }
0xa0: {  	[sflag:s22] =	ssyncadd.s32 s4;
	_ =	sdelay $0x1  }
0xa1: {  	s23 =	simm.s32 $0x1B8B  }
0xa2: {  	_ =	swait.ge [sflag:s23], $0x1  }
0xa3: {  	[sflag:s23] =	ssyncset.done $0x0  }
0xa4: {  	s25 =	simm.s32 $0x1B8E;
	s24 =	sld [smem:$0x3FFE];
	[sflag:s23] =	ssyncadd.s32 $0xFFFFFFFF  }
0xa5: {  	s26 =	simm.s32 $execute0_lowered;
	[smem:$0x3FD2] =	sst s25  }
0xa6: {  	s5 =	sshll.u32 s26, $0x1;
	_ =	strace $0x80000049;
	[dreg:$0x1] =	wrdreg $0xFFFFFFFF  }
0xa7: {  	s28 =	simm.s32 $_size_execute0_lowered;
	s3 =	sadd.s32 s3, s5;
	[dreg:$0x0] =	wrdreg $0x0  }
0xa8: {  	s5 =	sshll.u32 s28, $0x1;
	[dreg:$0x2] =	wrdreg s3  }
0xa9: {  	[dreg:$0x3] =	wrdreg s5  }
0xaa: {  	[dreg:$0x4] =	wrdreg $0xC0  }
0xab: {  	_ =	task [dreg:s7], $0x5FFFF  }
0xac: {  	[dreg:$0x1] =	wrdreg $0xFFFFFFFF  }
0xad: {  	[dreg:$0x0] =	wrdreg $0x60  }
0xae: {  	[dreg:$0x2] =	wrdreg s2  }
0xaf: {  	[dreg:$0x3] =	wrdreg s24  }
0xb0: {  	[dreg:$0x4] =	wrdreg $0x9  }
0xb1: {  	_ =	task.clear_ibuf [dreg:s7], $0x5FFFF;
	_ =	strace $0x90000049  }
0xb2: {  	s29 =	simm.s32 $0x9;
	_ =	strace $0x8000004B  }
0xb3: {  	_ =	swait.ge [sflag:s29], $0x1  }
0xb4: {  	[sflag:s29] =	ssyncadd.s32 $0xFFFFFFFF  }
0xb5: {  	_ =	strace $0x9000004B  }
0xb6: {  	_ =	sfence  }
0xb7: {  	s30 =	sld [smem:$0x0];
	_ =	sdelay $0x2  }
0xb8: {  	s31 =	sshll.u32 s1, $0xD;
	s1 =	sshrl.u32 s1, $0x2  }
0xb9: {  	s3 =	sand.u32 $0x4000, s31;
	s1 =	sadd.s32 s1, s30  }
0xba: {  	s0 =	sor.u32 s3, s0;
	s1 =	sshll.u32 s1, $0x11  }
0xbb: {  	s0 =	sor.u32 s1, s0  }
0xbc: {  	s0 =	sadd.s32 $0x8F2B, s0  }
0xbd: {  	[sflag:s0] =	ssyncadd.remote.s32 $0x1  }
0xbe: {  	_ =	sfence.sel $0xFFFF  }
0xbf: {  	[dreg:$0x0] =	wrdreg $0xFFFFFFFF;
	(pc) =	sbr.abs _section_cstart, $3  }
0xc0: {  	[dreg:$0x1] =	wrdreg $0xFFFFFFFF  }
0xc1: {  	_ =	task.clear_ibuf [dreg:s7], $0x2FFFF;
	_ =	strace $0x9FFFFFFF  }
0xc2: {  	(tm) =	ssettm $0x7FFFFFFF  }
0xc3: {  	_ =	shalt  }
tec
execute0_lowered:
.L_overlay_start_1:
0x0: {  	(tag) =	ssettag $0x1  }
0x1: {  	s7 =	rddreg [dreg:$0x0]  }
0x2: {  	s4 =	rddreg [dreg:$0x1]  }
0x3: {  	s0 =	rddreg [dreg:$0x2]  }
0x4: {  	s1 =	stileid.u32;
	s3 =	srdreg.scid  }
0x5: {  	s2 =	simm.s32 $0x0;
	s12 =	simm.s32 $0x2900;
	s13 =	simm.s32 $0x1  }
0x6: {  	s14 =	simm.s32 $0x2;
	s15 =	simm.s32 $0x0;
	s5 =	smul.u32 $0x50000, s1  }
0x7: {  	s6 =	sand.u32 $0x1, s3;
	[smem:$0x7FF] =	sst s2;
	s9 =	smul.u32 $0x5000, s1  }
0x8: {  	s3 =	sadd.s32 $0x42E00, s4;
	s8 =	ssub.s32 $0x2, s6;
	s11 =	smul.u32 $0x2800, s6  }
0x9: {  	_ =	strace $0x8000004A;
	s6 =	smul.u32 $0x28000, s6;
	s10 =	sshrl.u32 s8, $0x1  }
0xa: {  	s5 =	sadd.s32 s5, s4;
	s8 =	ssub.s32 s8, s10;
	s30 =	sadd.s32 s11, s9  }
0xb: {  	s5 =	sadd.s32 s6, s5;
	s9 =	simm.s32 $0x80;
	s10 =	simm.s32 $0x50  }
0xc: {  	s11 =	simm.s32 $0x100;
	s4 =	smax.u32 s8, $0x1;
	s8 =	sor.u32 $0x50, s30  }
0xd: {  	s31 =	sshrl.u32 s30, $0x3;
	s5 =	sadd.s32 $0x82E00, s5;
	s8 =	sshrl.u32 s8, $0x3  }
0xe: {  	s6 =	sadd.s32 s31, s7;
	s7 =	sadd.s32 s8, s7;
	s8 =	simm.s32 $0x3  }
.LBB2_1:
0xf: {  	s16 =	sadd.s32 $0x0, s6  }
0x10: {  	[tilespmem:s2], [sflag:$0x3] =	stream.linear.gather [hbm4b:s16+s2], $0x50, $0x38;
	[tilespmem:$0x5100] =	vst v63  }
0x11: {  	_ =	swait.ge [sflag:s8], $0x50  }
0x12: {  	[sflag:s8] =	ssyncset.done $0x0  }
0x13: {  	s30 =	sadd.s32 $0x0, s7;
	[sflag:s8] =	ssyncadd.s32 $0xFFFFFFB0  }
0x14: {  	[tilespmem:s9], [sflag:$0x3] =	stream.linear.gather [hbm4b:s30+s2], $0x50, $0x38;
	[tilespmem:$0x5100] =	vst v63  }
0x15: {  	_ =	swait.ge [sflag:s8], $0x50  }
0x16: {  	[sflag:s8] =	ssyncset.done $0x0  }
0x17: {  	[sflag:s8] =	ssyncadd.s32 $0xFFFFFFB0  }
0x18: {  	[tilespmem:s11], [sflag:$0x1] =	stream.indirect.gather [hbm4b:s3+s10], $0x80, s2, s10, $0xb8;
	[tilespmem:$0x5100] =	vst v63  }
0x19: {  	_ = 	snop  }
0x1a: {  	[tilespmem:s12], [sflag:$0x2] =	stream.indirect.gather [hbm4b:s3+s10], $0x80, s9, s10, $0xb8;
	[tilespmem:$0x5100] =	vst v63  }
0x1b: {  	_ =	swait.ge [sflag:s13], $0x2800  }
0x1c: {  	[sflag:s13] =	ssyncset.done $0x0  }
0x1d: {  	[sflag:s13] =	ssyncadd.s32 $0xFFFFD800  }
0x1e: {  	_ =	swait.ge [sflag:s14], $0x2800  }
0x1f: {  	[sflag:s14] =	ssyncset.done $0x0  }
0x20: {  	[sflag:s14] =	ssyncadd.s32 $0xFFFFD800  }
0x21: {  	[hbm4b:s5+s2] =	stream.linear.scatter [tilespmem:s11], [sflag:$0x3], $0x2800, $0x38;
	[tilespmem:$0x5100] =	vst v63  }
0x22: {  	_ =	swait.ge [sflag:s8], $0x2800  }
0x23: {  	[sflag:s8] =	ssyncset.done $0x0  }
0x24: {  	s31 =	sadd.s32 $0x500, s5;
	[sflag:s8] =	ssyncadd.s32 $0xFFFFD800  }
0x25: {  	[hbm4b:s31+s2] =	stream.linear.scatter [tilespmem:s12], [sflag:$0x3], $0x2800, $0x38;
	[tilespmem:$0x5100] =	vst v63  }
0x26: {  	s17 =	simm.s32 $0x14;
	_ =	swait.ge [sflag:s8], $0x2800  }
0x27: {  	s18 =	simm.s32 $0x28;
	s16 =	sadd.s32 $0xA00, s5;
	[sflag:s8] =	ssyncset.done $0x0  }
.LBB2_2:
0x28: {  	s19 =	sadd.s32 s17, s6  }
0x29: {  	[sflag:s8] =	ssyncadd.s32 $0xFFFFD800;
	s20 =	smov.u32 s18;
	s21 =	sadd.s32 $0x14, s18  }
0x2a: {  	[tilespmem:s2], [sflag:$0x3] =	stream.linear.gather [hbm4b:s19+s2], $0x50, $0x38;
	[tilespmem:$0x5100] =	vst v63  }
0x2b: {  	p0 =	sne.s32 s18, $0x4EC;
	_ =	swait.ge [sflag:s8], $0x50  }
0x2c: {  	[sflag:s8] =	ssyncset.done $0x0  }
0x2d: {  	s18 =	sadd.s32 s17, s7;
	s17 =	smov.u32 s20;
	[sflag:s8] =	ssyncadd.s32 $0xFFFFFFB0  }
0x2e: {  	[tilespmem:s9], [sflag:$0x3] =	stream.linear.gather [hbm4b:s18+s2], $0x50, $0x38;
	[tilespmem:$0x5100] =	vst v63  }
0x2f: {  	_ =	swait.ge [sflag:s8], $0x50  }
0x30: {  	[sflag:s8] =	ssyncset.done $0x0  }
0x31: {  	[sflag:s8] =	ssyncadd.s32 $0xFFFFFFB0  }
0x32: {  	[tilespmem:s11], [sflag:$0x1] =	stream.indirect.gather [hbm4b:s3+s10], $0x80, s2, s10, $0xb8;
	[tilespmem:$0x5100] =	vst v63  }
0x33: {  	_ = 	snop  }
0x34: {  	[tilespmem:s12], [sflag:$0x2] =	stream.indirect.gather [hbm4b:s3+s10], $0x80, s9, s10, $0xb8;
	[tilespmem:$0x5100] =	vst v63  }
0x35: {  	_ =	swait.ge [sflag:s13], $0x2800  }
0x36: {  	[sflag:s13] =	ssyncset.done $0x0  }
0x37: {  	[sflag:s13] =	ssyncadd.s32 $0xFFFFD800  }
0x38: {  	_ =	swait.ge [sflag:s14], $0x2800  }
0x39: {  	[sflag:s14] =	ssyncset.done $0x0  }
0x3a: {  	[sflag:s14] =	ssyncadd.s32 $0xFFFFD800  }
0x3b: {  	[hbm4b:s16+s2] =	stream.linear.scatter [tilespmem:s11], [sflag:$0x3], $0x2800, $0x38;
	[tilespmem:$0x5100] =	vst v63  }
0x3c: {  	_ =	swait.ge [sflag:s8], $0x2800  }
.Ltmp0:
0x3d: {  	[sflag:s8] =	ssyncset.done $0x0;
	(pc) =	sbr.rel @p0 .LBB2_2-.Ltmp0, $4  }
0x3e: {  	s18 =	sadd.s32 $0x500, s16;
	[sflag:s8] =	ssyncadd.s32 $0xFFFFD800  }
0x3f: {  	[hbm4b:s18+s2] =	stream.linear.scatter [tilespmem:s12], [sflag:$0x3], $0x2800, $0x38;
	[tilespmem:$0x5100] =	vst v63  }
0x40: {  	_ =	swait.ge [sflag:s8], $0x2800  }
0x41: {  	s16 =	sadd.s32 $0xA00, s16;
	s18 =	smov.u32 s21;
	[sflag:s8] =	ssyncset.done $0x0  }
0x42: {  	s18 =	sadd.s32 s17, s6;
	[sflag:s8] =	ssyncadd.s32 $0xFFFFD800  }
0x43: {  	[tilespmem:s2], [sflag:$0x3] =	stream.linear.gather [hbm4b:s18+s2], $0x50, $0x38;
	[tilespmem:$0x5100] =	vst v63  }
0x44: {  	_ =	swait.ge [sflag:s8], $0x50  }
0x45: {  	[sflag:s8] =	ssyncset.done $0x0  }
0x46: {  	s30 =	sadd.s32 s17, s7;
	[sflag:s8] =	ssyncadd.s32 $0xFFFFFFB0  }
0x47: {  	[tilespmem:s9], [sflag:$0x3] =	stream.linear.gather [hbm4b:s30+s2], $0x50, $0x38;
	[tilespmem:$0x5100] =	vst v63  }
0x48: {  	_ =	swait.ge [sflag:s8], $0x50  }
0x49: {  	[sflag:s8] =	ssyncset.done $0x0  }
0x4a: {  	[sflag:s8] =	ssyncadd.s32 $0xFFFFFFB0  }
0x4b: {  	[tilespmem:s11], [sflag:$0x1] =	stream.indirect.gather [hbm4b:s3+s10], $0x80, s2, s10, $0xb8;
	[tilespmem:$0x5100] =	vst v63  }
0x4c: {  	_ = 	snop  }
0x4d: {  	[tilespmem:s12], [sflag:$0x2] =	stream.indirect.gather [hbm4b:s3+s10], $0x80, s9, s10, $0xb8;
	[tilespmem:$0x5100] =	vst v63  }
0x4e: {  	_ =	swait.ge [sflag:s13], $0x2800  }
0x4f: {  	[sflag:s13] =	ssyncset.done $0x0  }
0x50: {  	[sflag:s13] =	ssyncadd.s32 $0xFFFFD800  }
0x51: {  	_ =	swait.ge [sflag:s14], $0x2800  }
0x52: {  	[sflag:s14] =	ssyncset.done $0x0  }
0x53: {  	[sflag:s14] =	ssyncadd.s32 $0xFFFFD800  }
0x54: {  	[hbm4b:s16+s2] =	stream.linear.scatter [tilespmem:s11], [sflag:$0x3], $0x2800, $0x38;
	[tilespmem:$0x5100] =	vst v63  }
0x55: {  	s15 =	sadd.s32 $0x1, s15;
	_ =	swait.ge [sflag:s8], $0x2800  }
0x56: {  	p0 =	sne.s32 s15, s4;
	[sflag:s8] =	ssyncset.done $0x0  }
.Ltmp1:
0x57: {  	s31 =	sadd.s32 $0x500, s16;
	[sflag:s8] =	ssyncadd.s32 $0xFFFFD800;
	(pc) =	sbr.rel @p0 .LBB2_1-.Ltmp1, $4  }
0x58: {  	[hbm4b:s31+s2] =	stream.linear.scatter [tilespmem:s12], [sflag:$0x3], $0x2800, $0x38;
	[tilespmem:$0x5100] =	vst v63  }
0x59: {  	_ =	swait.ge [sflag:s8], $0x2800  }
0x5a: {  	[sflag:s8] =	ssyncset.done $0x0  }
0x5b: {  	[sflag:s8] =	ssyncadd.s32 $0xFFFFD800  }
0x5c: {  	_ =	sfence.sel $0x180000  }
0x5d: {  	[bflag:$0x0] =	sbarrier.arrive $0xFFFF  }
0x5e: {  	p0 =	sne.s32 s1, $0x0;
	_ =	strace $0x9000004A  }
0x5f: {  	s0 =	sadd.s32 @!p0 $0x100000, s0;
	[bflag:$0x2] =	sbarrier.arrive $0xFFFF  }
0x60: {  	[sflag:s0] =	ssyncadd.tile.s32 @!p0 $0x1;
	_ =	shalt  }
.Lfunc_end2:
_tile_overlayer_lowered:
.L_overlay_start_2:
0x61: {  	(tag) =	ssettag $0x2  }
0x62: {  	s0 =	rddreg [dreg:$0x0];
	s2 =	stileid.u32  }
0x63: {  	s1 =	rddreg [dreg:$0x1];
	p0 =	sne.s32 s2, $0x0  }
0x64: {  	s3 =	rddreg [dreg:$0x2];
	[bflag:$0x3] =	sbarrier.arrive $0xFFFF;
	s2 =	simm.s32 @!p0 $0x1C03  }
0x65: {  	[timem:s3], [sflag:s2] =	dma.local @!p0 [hbm:s0], s1  }
0x66: {  	s0 =	simm.s32 @!p0 $0x3  }
0x67: {  	_ =	swait.ge @!p0 [sflag:s0], s1  }
0x68: {  	s1 =	ssub.s32 @!p0 $0x0, s1;
	[sflag:s0] =	ssyncset.done @!p0 $0x0  }
0x69: {  	[sflag:s0] =	ssyncadd.s32 @!p0 s1  }
0x6a: {  	[bflag:$0x3] =	sbarrier.arrive $0xFFFF  }
0x6b: {  	_ =	shalt  }

// kernel: kernel.24.cloned.1.call-start
scs
__scs_entry_jumppad:
0x0: {  	(pc) =	sbr.rel $0x88, $3  }
0x1: {  	(tag) =	ssettag $0x0;
	lr =	simm.s32 $0x1  }
0x2: {  	[smem:$0x3F91] =	sst lr;
	_ =	strace $0xD0000000  }
0x3: {  	_ = 	snop  }
0x4: {  	_ = 	snop  }
0x5: {  	_ = 	snop  }
0x6: {  	_ = 	snop  }
0x7: {  	_ = 	snop  }
__scs_overlays_trampoline_lowered:
0x8: {  	[smem:$0x3FA0] =	sst s0  }
0x9: {  	[smem:$0x3FA1] =	sst s1  }
0xa: {  	[smem:$0x3FA2] =	sst s2  }
0xb: {  	[smem:$0x3FA3] =	sst s3  }
0xc: {  	[smem:$0x3FA4] =	sst s4  }
0xd: {  	[smem:$0x3FA5] =	sst s5  }
0xe: {  	[smem:$0x3FA6] =	sst s6  }
0xf: {  	[smem:$0x3FA7] =	sst s7  }
0x10: {  	[smem:$0x3FA8] =	sst s8  }
0x11: {  	[smem:$0x3FA9] =	sst s9;
	s0 =	simm.s32 @!p0 $0x0  }
0x12: {  	s1 =	sld [smem:$0x3F8F];
	s0 =	simm.s32 @p0 $0x1  }
0x13: {  	[smem:$0x3FAA] =	sst s0;
	s0 =	simm.s32 @!p1 $0x0  }
0x14: {  	s2 =	sld [smem:$0x3F8E];
	s0 =	simm.s32 @p1 $0x1  }
0x15: {  	[smem:$0x3FAB] =	sst s0;
	s0 =	simm.s32 @!p2 $0x0  }
0x16: {  	s3 =	sld [smem:$0x3FDB];
	s0 =	simm.s32 @p2 $0x1  }
0x17: {  	s4 =	simm.s32 $0x1BF5;
	[smem:$0x3FAD] =	sst s0  }
0x18: {  	s0 =	sld [smem:$0x3F90];
	_ =	swait.ge [sflag:s4], $0x0  }
0x19: {  	s7 =	sld [smem:$0x3F91]  }
0x1a: {  	s8 =	sadd.s32 $0xFFFFE003, lr  }
0x1b: {  	s9 =	sadd.s32 $0xFFFFFEF7, lr;
	s5 =	simm.s32 $0xFFFFFFFF;
	p2 =	slt.u32 s8, $0xFFFFF086  }
0x1c: {  	p1 =	slt.u32 s9, $0xF7A;
	s5 =	simm.s32 @!p2 $0x0  }
0x1d: {  	s5 =	simm.s32 @p1 $0x1;
	p0 =	seq.s32 s7, s2  }
0x1e: {  	s7 =	smul.u32 @!p0 $0xF7A, s2;
	p2 =	seq.s32 @!p0 s5, $0x0  }
0x1f: {  	s9 =	smul.u32 $0xF7A, s1;
	s8 =	simm.s32 @!p0 $0x1BF5;
	p2 =	por !p2, p0  }
0x20: {  	[sflag:s8] =	ssyncset.s32 @!p0 $0xFFFFF086;
	s6 =	sadd.s32 @!p0 s3, s7;
	s7 =	simm.s32 @!p0 $0x108  }
0x21: {  	s3 =	sadd.s32 s3, s9;
	s6 =	sadd.s32 @!p0 $0x88, s6;
	s7 =	simm.s32 @p2 $0x1082  }
0x22: {  	[simem:s7], [sflag:s8] =	dma.local @!p0 [hbm:s6], $0xF7A  }
0x23: {  	s9 =	sor.u32 $0xD0000000, s2;
	s6 =	simm.s32 $0x108;
	_ =	swait.ge @!p0 [sflag:s8], $0x0  }
0x24: {  	s3 =	sadd.s32 $0x88, s3;
	s6 =	simm.s32 @!p1 $0x1082;
	[sflag:s4] =	ssyncset.s32 $0xFFFFF086  }
0x25: {  	[simem:s6], [sflag:s4] =	dma.local [hbm:s3], $0xF7A  }
0x26: {  	[smem:$0x3F91] =	sst s1;
	(tag) =	ssettag s2;
	_ =	strace s9  }
0x27: {  	s1 =	sld [smem:$0x3FA1]  }
0x28: {  	s2 =	sld [smem:$0x3FA2]  }
0x29: {  	s4 =	sld [smem:$0x3FA4]  }
0x2a: {  	p0 =	seq.s32 s5, $0x0;
	s5 =	sld [smem:$0x3FA5]  }
0x2b: {  	s6 =	sld [smem:$0x3FA6]  }
0x2c: {  	s7 =	sld [smem:$0x3FA7]  }
0x2d: {  	s3 =	simm.s32 $0x108;
	s8 =	sld [smem:$0x3FA8]  }
0x2e: {  	s3 =	simm.s32 @!p0 $0x1082;
	s9 =	sld [smem:$0x3FA9]  }
0x2f: {  	lr =	sadd.s32 s0, s3;
	s0 =	sld [smem:$0x3FA0]  }
0x30: {  	s3 =	sld [smem:$0x3FA3]  }
0x31: {  	[smem:$0x3FAC] =	sst s10  }
0x32: {  	s10 =	sld [smem:$0x3FAA];
	_ =	sdelay $0x3  }
0x33: {  	p0 =	seq.s32 s10, $0x1;
	s10 =	sld [smem:$0x3FAC];
	_ =	sdelay $0x3  }
0x34: {  	[smem:$0x3FAC] =	sst s10  }
0x35: {  	s10 =	sld [smem:$0x3FAB];
	_ =	sdelay $0x3  }
0x36: {  	p1 =	seq.s32 s10, $0x1;
	s10 =	sld [smem:$0x3FAC];
	_ =	sdelay $0x3  }
0x37: {  	[smem:$0x3FAC] =	sst s10  }
0x38: {  	s10 =	sld [smem:$0x3FAD]  }
0x39: {  	_ = 	snop;
	(pc) =	sbr.ind lr, $3  }
0x3a: {  	_ = 	snop  }
0x3b: {  	_ = 	snop  }
0x3c: {  	p2 =	seq.s32 s10, $0x1;
	s10 =	sld [smem:$0x3FAC]  }
0x3d: {  	_ =	shalt  }
0x3e: {  	_ =	shalt  }
0x3f: {  	_ =	shalt  }
0x40: {  	_ =	shalt  }
0x41: {  	_ =	shalt  }
0x42: {  	_ =	shalt  }
0x43: {  	_ =	shalt  }
0x44: {  	_ =	shalt  }
0x45: {  	_ =	shalt  }
0x46: {  	_ =	shalt  }
0x47: {  	_ =	shalt  }
0x48: {  	_ =	shalt  }
0x49: {  	_ =	shalt  }
0x4a: {  	_ =	shalt  }
0x4b: {  	_ =	shalt  }
0x4c: {  	_ =	shalt  }
0x4d: {  	_ =	shalt  }
0x4e: {  	_ =	shalt  }
0x4f: {  	_ =	shalt  }
0x50: {  	_ =	shalt  }
0x51: {  	_ =	shalt  }
0x52: {  	_ =	shalt  }
0x53: {  	_ =	shalt  }
0x54: {  	_ =	shalt  }
0x55: {  	_ =	shalt  }
0x56: {  	_ =	shalt  }
0x57: {  	_ =	shalt  }
0x58: {  	_ =	shalt  }
0x59: {  	_ =	shalt  }
0x5a: {  	_ =	shalt  }
0x5b: {  	_ =	shalt  }
0x5c: {  	_ =	shalt  }
0x5d: {  	_ =	shalt  }
0x5e: {  	_ =	shalt  }
0x5f: {  	_ =	shalt  }
0x60: {  	_ =	shalt  }
0x61: {  	_ =	shalt  }
0x62: {  	_ =	shalt  }
0x63: {  	_ =	shalt  }
0x64: {  	_ =	shalt  }
0x65: {  	_ =	shalt  }
0x66: {  	_ =	shalt  }
0x67: {  	_ =	shalt  }
0x68: {  	_ =	shalt  }
0x69: {  	_ =	shalt  }
0x6a: {  	_ =	shalt  }
0x6b: {  	_ =	shalt  }
0x6c: {  	_ =	shalt  }
0x6d: {  	_ =	shalt  }
0x6e: {  	_ =	shalt  }
0x6f: {  	_ =	shalt  }
0x70: {  	_ =	shalt  }
0x71: {  	_ =	shalt  }
0x72: {  	_ =	shalt  }
0x73: {  	_ =	shalt  }
0x74: {  	_ =	shalt  }
0x75: {  	_ =	shalt  }
0x76: {  	_ =	shalt  }
0x77: {  	_ =	shalt  }
0x78: {  	_ =	shalt  }
0x79: {  	_ =	shalt  }
0x7a: {  	_ =	shalt  }
0x7b: {  	_ =	shalt  }
0x7c: {  	_ =	shalt  }
0x7d: {  	_ =	shalt  }
0x7e: {  	_ =	shalt  }
0x7f: {  	_ =	shalt  }
0x80: {  	_ =	shalt  }
0x81: {  	_ =	shalt  }
0x82: {  	_ =	shalt  }
0x83: {  	_ =	shalt  }
0x84: {  	_ =	shalt  }
0x85: {  	_ =	shalt  }
0x86: {  	_ =	shalt  }
0x87: {  	_ =	shalt  }
.Lfunc_end0:
.L_simem_size_0:
called_computation.2_lowered:
.L_overlay_start_0:
0x88: {  	s2 =	sld [smem:$0x3FD9]  }
0x89: {  	s3 =	sld [smem:$0x3FFE];
	_ =	sdelay $0x1  }
0x8a: {  	s1 =	srdreg.scid  }
0x8b: {  	s0 =	sand.u32 $0x1, s1  }
0x8c: {  	s17 =	sshll.u32 s0, $0xA;
	s2 =	sadd.s32 s3, s2  }
0x8d: {  	s2 =	sadd.s32 s2, s17  }
0x8e: {  	[smem:$0x3FB8] =	sst s2  }
0x8f: {  	_ = 	snop  }
0x90: {  	s2 =	sld [smem:$0x3FD0];
	(tm) =	ssettm $0x1  }
0x91: {  	s18 =	sld [smem:$0x3FFB];
	_ =	sdelay $0x3  }
0x92: {  	_ =	strace s18  }
0x93: {  	s3 =	sld [smem:$0x3FFC];
	_ =	sdelay $0x3  }
0x94: {  	_ =	strace s3  }
0x95: {  	s3 =	sld [smem:$0x3FFD];
	_ =	sdelay $0x3  }
0x96: {  	_ =	strace s3  }
0x97: {  	_ =	strace $0x8FFFFFFF  }
0x98: {  	s19 =	sld [smem:$0x3FDB];
	_ =	sdelay $0x1  }
0x99: {  	s4 =	simm.s32 $_scs_section_size  }
0x9a: {  	s5 =	simm.s32 $_size__tile_overlayer_lowered;
	s6 =	simm.s32 $_tile_overlayer_lowered  }
0x9b: {  	s22 =	simm.s32 $0x1BFF;
	s21 =	sshll.u32 s6, $0x1;
	s3 =	sadd.s32 s4, s19  }
0x9c: {  	s7 =	simm.s32 $0x0;
	s20 =	sshll.u32 s5, $0x1;
	s5 =	sadd.s32 s21, s3  }
0x9d: {  	[timem:s7], [sflag:s22] =	dma.local [hbm:s5], s20  }
0x9e: {  	_ =	swait.ge [sflag:s22], s20  }
0x9f: {  	s4 =	ssub.s32 $0x0, s20;
	[sflag:s22] =	ssyncset.done $0x0  }
0xa0: {  	[sflag:s22] =	ssyncadd.s32 s4;
	_ =	sdelay $0x1  }
0xa1: {  	s23 =	simm.s32 $0x1B8B  }
0xa2: {  	_ =	swait.ge [sflag:s23], $0x1  }
0xa3: {  	[sflag:s23] =	ssyncset.done $0x0  }
0xa4: {  	s25 =	simm.s32 $0x1B8E;
	s24 =	sld [smem:$0x3FFE];
	[sflag:s23] =	ssyncadd.s32 $0xFFFFFFFF  }
0xa5: {  	s26 =	simm.s32 $execute0_lowered;
	[smem:$0x3FD2] =	sst s25  }
0xa6: {  	s5 =	sshll.u32 s26, $0x1;
	_ =	strace $0x8000004C;
	[dreg:$0x1] =	wrdreg $0xFFFFFFFF  }
0xa7: {  	s28 =	simm.s32 $_size_execute0_lowered;
	s3 =	sadd.s32 s3, s5;
	[dreg:$0x0] =	wrdreg $0x0  }
0xa8: {  	s5 =	sshll.u32 s28, $0x1;
	[dreg:$0x2] =	wrdreg s3  }
0xa9: {  	[dreg:$0x3] =	wrdreg s5  }
0xaa: {  	[dreg:$0x4] =	wrdreg $0xC0  }
0xab: {  	_ =	task [dreg:s7], $0x5FFFF  }
0xac: {  	[dreg:$0x1] =	wrdreg $0xFFFFFFFF  }
0xad: {  	[dreg:$0x0] =	wrdreg $0x60  }
0xae: {  	[dreg:$0x2] =	wrdreg s2  }
0xaf: {  	[dreg:$0x3] =	wrdreg s24  }
0xb0: {  	[dreg:$0x4] =	wrdreg $0x9  }
0xb1: {  	_ =	task.clear_ibuf [dreg:s7], $0x5FFFF;
	_ =	strace $0x9000004C  }
0xb2: {  	s29 =	simm.s32 $0x9;
	_ =	strace $0x8000004E  }
0xb3: {  	_ =	swait.ge [sflag:s29], $0x1  }
0xb4: {  	[sflag:s29] =	ssyncadd.s32 $0xFFFFFFFF  }
0xb5: {  	_ =	strace $0x9000004E  }
0xb6: {  	_ =	sfence  }
0xb7: {  	s30 =	sld [smem:$0x0];
	_ =	sdelay $0x2  }
0xb8: {  	s31 =	sshll.u32 s1, $0xD;
	s1 =	sshrl.u32 s1, $0x2  }
0xb9: {  	s3 =	sand.u32 $0x4000, s31;
	s1 =	sadd.s32 s1, s30  }
0xba: {  	s0 =	sor.u32 s3, s0;
	s1 =	sshll.u32 s1, $0x11  }
0xbb: {  	s0 =	sor.u32 s1, s0  }
0xbc: {  	s0 =	sadd.s32 $0x8F2B, s0  }
0xbd: {  	[sflag:s0] =	ssyncadd.remote.s32 $0x1  }
0xbe: {  	_ =	sfence.sel $0xFFFF  }
0xbf: {  	[dreg:$0x0] =	wrdreg $0xFFFFFFFF;
	(pc) =	sbr.abs _section_cstart, $3  }
0xc0: {  	[dreg:$0x1] =	wrdreg $0xFFFFFFFF  }
0xc1: {  	_ =	task.clear_ibuf [dreg:s7], $0x2FFFF;
	_ =	strace $0x9FFFFFFF  }
0xc2: {  	(tm) =	ssettm $0x7FFFFFFF  }
0xc3: {  	_ =	shalt  }
tec
execute0_lowered:
.L_overlay_start_1:
0x0: {  	(tag) =	ssettag $0x1  }
0x1: {  	s7 =	rddreg [dreg:$0x0]  }
0x2: {  	s4 =	rddreg [dreg:$0x1]  }
0x3: {  	s0 =	rddreg [dreg:$0x2]  }
0x4: {  	s1 =	stileid.u32;
	s3 =	srdreg.scid  }
0x5: {  	s2 =	simm.s32 $0x0;
	s12 =	simm.s32 $0x2900;
	s13 =	simm.s32 $0x1  }
0x6: {  	s14 =	simm.s32 $0x2;
	s15 =	simm.s32 $0x0;
	s5 =	smul.u32 $0x50000, s1  }
0x7: {  	s6 =	sand.u32 $0x1, s3;
	[smem:$0x7FF] =	sst s2;
	s9 =	smul.u32 $0x5000, s1  }
0x8: {  	s3 =	sadd.s32 $0x82E00, s4;
	s8 =	ssub.s32 $0x2, s6;
	s11 =	smul.u32 $0x2800, s6  }
0x9: {  	_ =	strace $0x8000004D;
	s6 =	smul.u32 $0x28000, s6;
	s10 =	sshrl.u32 s8, $0x1  }
0xa: {  	s5 =	sadd.s32 s5, s4;
	s8 =	ssub.s32 s8, s10;
	s30 =	sadd.s32 s11, s9  }
0xb: {  	s5 =	sadd.s32 s6, s5;
	s9 =	simm.s32 $0x80;
	s10 =	simm.s32 $0x50  }
0xc: {  	s11 =	simm.s32 $0x100;
	s4 =	smax.u32 s8, $0x1;
	s8 =	sor.u32 $0x50, s30  }
0xd: {  	s31 =	sshrl.u32 s30, $0x3;
	s5 =	sadd.s32 $0xC2E00, s5;
	s8 =	sshrl.u32 s8, $0x3  }
0xe: {  	s6 =	sadd.s32 s31, s7;
	s7 =	sadd.s32 s8, s7;
	s8 =	simm.s32 $0x3  }
.LBB2_1:
0xf: {  	s16 =	sadd.s32 $0x0, s6  }
0x10: {  	[tilespmem:s2], [sflag:$0x3] =	stream.linear.gather [hbm4b:s16+s2], $0x50, $0x38;
	[tilespmem:$0x5100] =	vst v63  }
0x11: {  	_ =	swait.ge [sflag:s8], $0x50  }
0x12: {  	[sflag:s8] =	ssyncset.done $0x0  }
0x13: {  	s30 =	sadd.s32 $0x0, s7;
	[sflag:s8] =	ssyncadd.s32 $0xFFFFFFB0  }
0x14: {  	[tilespmem:s9], [sflag:$0x3] =	stream.linear.gather [hbm4b:s30+s2], $0x50, $0x38;
	[tilespmem:$0x5100] =	vst v63  }
0x15: {  	_ =	swait.ge [sflag:s8], $0x50  }
0x16: {  	[sflag:s8] =	ssyncset.done $0x0  }
0x17: {  	[sflag:s8] =	ssyncadd.s32 $0xFFFFFFB0  }
0x18: {  	[tilespmem:s11], [sflag:$0x1] =	stream.indirect.gather [hbm4b:s3+s10], $0x80, s2, s10, $0xb8;
	[tilespmem:$0x5100] =	vst v63  }
0x19: {  	_ = 	snop  }
0x1a: {  	[tilespmem:s12], [sflag:$0x2] =	stream.indirect.gather [hbm4b:s3+s10], $0x80, s9, s10, $0xb8;
	[tilespmem:$0x5100] =	vst v63  }
0x1b: {  	_ =	swait.ge [sflag:s13], $0x2800  }
0x1c: {  	[sflag:s13] =	ssyncset.done $0x0  }
0x1d: {  	[sflag:s13] =	ssyncadd.s32 $0xFFFFD800  }
0x1e: {  	_ =	swait.ge [sflag:s14], $0x2800  }
0x1f: {  	[sflag:s14] =	ssyncset.done $0x0  }
0x20: {  	[sflag:s14] =	ssyncadd.s32 $0xFFFFD800  }
0x21: {  	[hbm4b:s5+s2] =	stream.linear.scatter [tilespmem:s11], [sflag:$0x3], $0x2800, $0x38;
	[tilespmem:$0x5100] =	vst v63  }
0x22: {  	_ =	swait.ge [sflag:s8], $0x2800  }
0x23: {  	[sflag:s8] =	ssyncset.done $0x0  }
0x24: {  	s31 =	sadd.s32 $0x500, s5;
	[sflag:s8] =	ssyncadd.s32 $0xFFFFD800  }
0x25: {  	[hbm4b:s31+s2] =	stream.linear.scatter [tilespmem:s12], [sflag:$0x3], $0x2800, $0x38;
	[tilespmem:$0x5100] =	vst v63  }
0x26: {  	s17 =	simm.s32 $0x14;
	_ =	swait.ge [sflag:s8], $0x2800  }
0x27: {  	s18 =	simm.s32 $0x28;
	s16 =	sadd.s32 $0xA00, s5;
	[sflag:s8] =	ssyncset.done $0x0  }
.LBB2_2:
0x28: {  	s19 =	sadd.s32 s17, s6  }
0x29: {  	[sflag:s8] =	ssyncadd.s32 $0xFFFFD800;
	s20 =	smov.u32 s18;
	s21 =	sadd.s32 $0x14, s18  }
0x2a: {  	[tilespmem:s2], [sflag:$0x3] =	stream.linear.gather [hbm4b:s19+s2], $0x50, $0x38;
	[tilespmem:$0x5100] =	vst v63  }
0x2b: {  	p0 =	sne.s32 s18, $0x4EC;
	_ =	swait.ge [sflag:s8], $0x50  }
0x2c: {  	[sflag:s8] =	ssyncset.done $0x0  }
0x2d: {  	s18 =	sadd.s32 s17, s7;
	s17 =	smov.u32 s20;
	[sflag:s8] =	ssyncadd.s32 $0xFFFFFFB0  }
0x2e: {  	[tilespmem:s9], [sflag:$0x3] =	stream.linear.gather [hbm4b:s18+s2], $0x50, $0x38;
	[tilespmem:$0x5100] =	vst v63  }
0x2f: {  	_ =	swait.ge [sflag:s8], $0x50  }
0x30: {  	[sflag:s8] =	ssyncset.done $0x0  }
0x31: {  	[sflag:s8] =	ssyncadd.s32 $0xFFFFFFB0  }
0x32: {  	[tilespmem:s11], [sflag:$0x1] =	stream.indirect.gather [hbm4b:s3+s10], $0x80, s2, s10, $0xb8;
	[tilespmem:$0x5100] =	vst v63  }
0x33: {  	_ = 	snop  }
0x34: {  	[tilespmem:s12], [sflag:$0x2] =	stream.indirect.gather [hbm4b:s3+s10], $0x80, s9, s10, $0xb8;
	[tilespmem:$0x5100] =	vst v63  }
0x35: {  	_ =	swait.ge [sflag:s13], $0x2800  }
0x36: {  	[sflag:s13] =	ssyncset.done $0x0  }
0x37: {  	[sflag:s13] =	ssyncadd.s32 $0xFFFFD800  }
0x38: {  	_ =	swait.ge [sflag:s14], $0x2800  }
0x39: {  	[sflag:s14] =	ssyncset.done $0x0  }
0x3a: {  	[sflag:s14] =	ssyncadd.s32 $0xFFFFD800  }
0x3b: {  	[hbm4b:s16+s2] =	stream.linear.scatter [tilespmem:s11], [sflag:$0x3], $0x2800, $0x38;
	[tilespmem:$0x5100] =	vst v63  }
0x3c: {  	_ =	swait.ge [sflag:s8], $0x2800  }
.Ltmp0:
0x3d: {  	[sflag:s8] =	ssyncset.done $0x0;
	(pc) =	sbr.rel @p0 .LBB2_2-.Ltmp0, $4  }
0x3e: {  	s18 =	sadd.s32 $0x500, s16;
	[sflag:s8] =	ssyncadd.s32 $0xFFFFD800  }
0x3f: {  	[hbm4b:s18+s2] =	stream.linear.scatter [tilespmem:s12], [sflag:$0x3], $0x2800, $0x38;
	[tilespmem:$0x5100] =	vst v63  }
0x40: {  	_ =	swait.ge [sflag:s8], $0x2800  }
0x41: {  	s16 =	sadd.s32 $0xA00, s16;
	s18 =	smov.u32 s21;
	[sflag:s8] =	ssyncset.done $0x0  }
0x42: {  	s18 =	sadd.s32 s17, s6;
	[sflag:s8] =	ssyncadd.s32 $0xFFFFD800  }
0x43: {  	[tilespmem:s2], [sflag:$0x3] =	stream.linear.gather [hbm4b:s18+s2], $0x50, $0x38;
	[tilespmem:$0x5100] =	vst v63  }
0x44: {  	_ =	swait.ge [sflag:s8], $0x50  }
0x45: {  	[sflag:s8] =	ssyncset.done $0x0  }
0x46: {  	s30 =	sadd.s32 s17, s7;
	[sflag:s8] =	ssyncadd.s32 $0xFFFFFFB0  }
0x47: {  	[tilespmem:s9], [sflag:$0x3] =	stream.linear.gather [hbm4b:s30+s2], $0x50, $0x38;
	[tilespmem:$0x5100] =	vst v63  }
0x48: {  	_ =	swait.ge [sflag:s8], $0x50  }
0x49: {  	[sflag:s8] =	ssyncset.done $0x0  }
0x4a: {  	[sflag:s8] =	ssyncadd.s32 $0xFFFFFFB0  }
0x4b: {  	[tilespmem:s11], [sflag:$0x1] =	stream.indirect.gather [hbm4b:s3+s10], $0x80, s2, s10, $0xb8;
	[tilespmem:$0x5100] =	vst v63  }
0x4c: {  	_ = 	snop  }
0x4d: {  	[tilespmem:s12], [sflag:$0x2] =	stream.indirect.gather [hbm4b:s3+s10], $0x80, s9, s10, $0xb8;
	[tilespmem:$0x5100] =	vst v63  }
0x4e: {  	_ =	swait.ge [sflag:s13], $0x2800  }
0x4f: {  	[sflag:s13] =	ssyncset.done $0x0  }
0x50: {  	[sflag:s13] =	ssyncadd.s32 $0xFFFFD800  }
0x51: {  	_ =	swait.ge [sflag:s14], $0x2800  }
0x52: {  	[sflag:s14] =	ssyncset.done $0x0  }
0x53: {  	[sflag:s14] =	ssyncadd.s32 $0xFFFFD800  }
0x54: {  	[hbm4b:s16+s2] =	stream.linear.scatter [tilespmem:s11], [sflag:$0x3], $0x2800, $0x38;
	[tilespmem:$0x5100] =	vst v63  }
0x55: {  	s15 =	sadd.s32 $0x1, s15;
	_ =	swait.ge [sflag:s8], $0x2800  }
0x56: {  	p0 =	sne.s32 s15, s4;
	[sflag:s8] =	ssyncset.done $0x0  }
.Ltmp1:
0x57: {  	s31 =	sadd.s32 $0x500, s16;
	[sflag:s8] =	ssyncadd.s32 $0xFFFFD800;
	(pc) =	sbr.rel @p0 .LBB2_1-.Ltmp1, $4  }
0x58: {  	[hbm4b:s31+s2] =	stream.linear.scatter [tilespmem:s12], [sflag:$0x3], $0x2800, $0x38;
	[tilespmem:$0x5100] =	vst v63  }
0x59: {  	_ =	swait.ge [sflag:s8], $0x2800  }
0x5a: {  	[sflag:s8] =	ssyncset.done $0x0  }
0x5b: {  	[sflag:s8] =	ssyncadd.s32 $0xFFFFD800  }
0x5c: {  	_ =	sfence.sel $0x180000  }
0x5d: {  	[bflag:$0x0] =	sbarrier.arrive $0xFFFF  }
0x5e: {  	p0 =	sne.s32 s1, $0x0;
	_ =	strace $0x9000004D  }
0x5f: {  	s0 =	sadd.s32 @!p0 $0x100000, s0;
	[bflag:$0x2] =	sbarrier.arrive $0xFFFF  }
0x60: {  	[sflag:s0] =	ssyncadd.tile.s32 @!p0 $0x1;
	_ =	shalt  }
.Lfunc_end2:
_tile_overlayer_lowered:
.L_overlay_start_2:
0x61: {  	(tag) =	ssettag $0x2  }
0x62: {  	s0 =	rddreg [dreg:$0x0];
	s2 =	stileid.u32  }
0x63: {  	s1 =	rddreg [dreg:$0x1];
	p0 =	sne.s32 s2, $0x0  }
0x64: {  	s3 =	rddreg [dreg:$0x2];
	[bflag:$0x3] =	sbarrier.arrive $0xFFFF;
	s2 =	simm.s32 @!p0 $0x1C03  }
0x65: {  	[timem:s3], [sflag:s2] =	dma.local @!p0 [hbm:s0], s1  }
0x66: {  	s0 =	simm.s32 @!p0 $0x3  }
0x67: {  	_ =	swait.ge @!p0 [sflag:s0], s1  }
0x68: {  	s1 =	ssub.s32 @!p0 $0x0, s1;
	[sflag:s0] =	ssyncset.done @!p0 $0x0  }
0x69: {  	[sflag:s0] =	ssyncadd.s32 @!p0 s1  }
0x6a: {  	[bflag:$0x3] =	sbarrier.arrive $0xFFFF  }
0x6b: {  	_ =	shalt  }

// kernel: kernel.27.cloned.1.call-start
scs
__scs_entry_jumppad:
0x0: {  	(pc) =	sbr.rel $0x88, $3  }
0x1: {  	(tag) =	ssettag $0x0;
	lr =	simm.s32 $0x1  }
0x2: {  	[smem:$0x3F91] =	sst lr;
	_ =	strace $0xD0000000  }
0x3: {  	_ = 	snop  }
0x4: {  	_ = 	snop  }
0x5: {  	_ = 	snop  }
0x6: {  	_ = 	snop  }
0x7: {  	_ = 	snop  }
__scs_overlays_trampoline_lowered:
0x8: {  	[smem:$0x3FA0] =	sst s0  }
0x9: {  	[smem:$0x3FA1] =	sst s1  }
0xa: {  	[smem:$0x3FA2] =	sst s2  }
0xb: {  	[smem:$0x3FA3] =	sst s3  }
0xc: {  	[smem:$0x3FA4] =	sst s4  }
0xd: {  	[smem:$0x3FA5] =	sst s5  }
0xe: {  	[smem:$0x3FA6] =	sst s6  }
0xf: {  	[smem:$0x3FA7] =	sst s7  }
0x10: {  	[smem:$0x3FA8] =	sst s8  }
0x11: {  	[smem:$0x3FA9] =	sst s9;
	s0 =	simm.s32 @!p0 $0x0  }
0x12: {  	s1 =	sld [smem:$0x3F8F];
	s0 =	simm.s32 @p0 $0x1  }
0x13: {  	[smem:$0x3FAA] =	sst s0;
	s0 =	simm.s32 @!p1 $0x0  }
0x14: {  	s2 =	sld [smem:$0x3F8E];
	s0 =	simm.s32 @p1 $0x1  }
0x15: {  	[smem:$0x3FAB] =	sst s0;
	s0 =	simm.s32 @!p2 $0x0  }
0x16: {  	s3 =	sld [smem:$0x3FDB];
	s0 =	simm.s32 @p2 $0x1  }
0x17: {  	s4 =	simm.s32 $0x1BF5;
	[smem:$0x3FAD] =	sst s0  }
0x18: {  	s0 =	sld [smem:$0x3F90];
	_ =	swait.ge [sflag:s4], $0x0  }
0x19: {  	s7 =	sld [smem:$0x3F91]  }
0x1a: {  	s8 =	sadd.s32 $0xFFFFE003, lr  }
0x1b: {  	s9 =	sadd.s32 $0xFFFFFEF7, lr;
	s5 =	simm.s32 $0xFFFFFFFF;
	p2 =	slt.u32 s8, $0xFFFFF086  }
0x1c: {  	p1 =	slt.u32 s9, $0xF7A;
	s5 =	simm.s32 @!p2 $0x0  }
0x1d: {  	s5 =	simm.s32 @p1 $0x1;
	p0 =	seq.s32 s7, s2  }
0x1e: {  	s7 =	smul.u32 @!p0 $0xF7A, s2;
	p2 =	seq.s32 @!p0 s5, $0x0  }
0x1f: {  	s9 =	smul.u32 $0xF7A, s1;
	s8 =	simm.s32 @!p0 $0x1BF5;
	p2 =	por !p2, p0  }
0x20: {  	[sflag:s8] =	ssyncset.s32 @!p0 $0xFFFFF086;
	s6 =	sadd.s32 @!p0 s3, s7;
	s7 =	simm.s32 @!p0 $0x108  }
0x21: {  	s3 =	sadd.s32 s3, s9;
	s6 =	sadd.s32 @!p0 $0x88, s6;
	s7 =	simm.s32 @p2 $0x1082  }
0x22: {  	[simem:s7], [sflag:s8] =	dma.local @!p0 [hbm:s6], $0xF7A  }
0x23: {  	s9 =	sor.u32 $0xD0000000, s2;
	s6 =	simm.s32 $0x108;
	_ =	swait.ge @!p0 [sflag:s8], $0x0  }
0x24: {  	s3 =	sadd.s32 $0x88, s3;
	s6 =	simm.s32 @!p1 $0x1082;
	[sflag:s4] =	ssyncset.s32 $0xFFFFF086  }
0x25: {  	[simem:s6], [sflag:s4] =	dma.local [hbm:s3], $0xF7A  }
0x26: {  	[smem:$0x3F91] =	sst s1;
	(tag) =	ssettag s2;
	_ =	strace s9  }
0x27: {  	s1 =	sld [smem:$0x3FA1]  }
0x28: {  	s2 =	sld [smem:$0x3FA2]  }
0x29: {  	s4 =	sld [smem:$0x3FA4]  }
0x2a: {  	p0 =	seq.s32 s5, $0x0;
	s5 =	sld [smem:$0x3FA5]  }
0x2b: {  	s6 =	sld [smem:$0x3FA6]  }
0x2c: {  	s7 =	sld [smem:$0x3FA7]  }
0x2d: {  	s3 =	simm.s32 $0x108;
	s8 =	sld [smem:$0x3FA8]  }
0x2e: {  	s3 =	simm.s32 @!p0 $0x1082;
	s9 =	sld [smem:$0x3FA9]  }
0x2f: {  	lr =	sadd.s32 s0, s3;
	s0 =	sld [smem:$0x3FA0]  }
0x30: {  	s3 =	sld [smem:$0x3FA3]  }
0x31: {  	[smem:$0x3FAC] =	sst s10  }
0x32: {  	s10 =	sld [smem:$0x3FAA];
	_ =	sdelay $0x3  }
0x33: {  	p0 =	seq.s32 s10, $0x1;
	s10 =	sld [smem:$0x3FAC];
	_ =	sdelay $0x3  }
0x34: {  	[smem:$0x3FAC] =	sst s10  }
0x35: {  	s10 =	sld [smem:$0x3FAB];
	_ =	sdelay $0x3  }
0x36: {  	p1 =	seq.s32 s10, $0x1;
	s10 =	sld [smem:$0x3FAC];
	_ =	sdelay $0x3  }
0x37: {  	[smem:$0x3FAC] =	sst s10  }
0x38: {  	s10 =	sld [smem:$0x3FAD]  }
0x39: {  	_ = 	snop;
	(pc) =	sbr.ind lr, $3  }
0x3a: {  	_ = 	snop  }
0x3b: {  	_ = 	snop  }
0x3c: {  	p2 =	seq.s32 s10, $0x1;
	s10 =	sld [smem:$0x3FAC]  }
0x3d: {  	_ =	shalt  }
0x3e: {  	_ =	shalt  }
0x3f: {  	_ =	shalt  }
0x40: {  	_ =	shalt  }
0x41: {  	_ =	shalt  }
0x42: {  	_ =	shalt  }
0x43: {  	_ =	shalt  }
0x44: {  	_ =	shalt  }
0x45: {  	_ =	shalt  }
0x46: {  	_ =	shalt  }
0x47: {  	_ =	shalt  }
0x48: {  	_ =	shalt  }
0x49: {  	_ =	shalt  }
0x4a: {  	_ =	shalt  }
0x4b: {  	_ =	shalt  }
0x4c: {  	_ =	shalt  }
0x4d: {  	_ =	shalt  }
0x4e: {  	_ =	shalt  }
0x4f: {  	_ =	shalt  }
0x50: {  	_ =	shalt  }
0x51: {  	_ =	shalt  }
0x52: {  	_ =	shalt  }
0x53: {  	_ =	shalt  }
0x54: {  	_ =	shalt  }
0x55: {  	_ =	shalt  }
0x56: {  	_ =	shalt  }
0x57: {  	_ =	shalt  }
0x58: {  	_ =	shalt  }
0x59: {  	_ =	shalt  }
0x5a: {  	_ =	shalt  }
0x5b: {  	_ =	shalt  }
0x5c: {  	_ =	shalt  }
0x5d: {  	_ =	shalt  }
0x5e: {  	_ =	shalt  }
0x5f: {  	_ =	shalt  }
0x60: {  	_ =	shalt  }
0x61: {  	_ =	shalt  }
0x62: {  	_ =	shalt  }
0x63: {  	_ =	shalt  }
0x64: {  	_ =	shalt  }
0x65: {  	_ =	shalt  }
0x66: {  	_ =	shalt  }
0x67: {  	_ =	shalt  }
0x68: {  	_ =	shalt  }
0x69: {  	_ =	shalt  }
0x6a: {  	_ =	shalt  }
0x6b: {  	_ =	shalt  }
0x6c: {  	_ =	shalt  }
0x6d: {  	_ =	shalt  }
0x6e: {  	_ =	shalt  }
0x6f: {  	_ =	shalt  }
0x70: {  	_ =	shalt  }
0x71: {  	_ =	shalt  }
0x72: {  	_ =	shalt  }
0x73: {  	_ =	shalt  }
0x74: {  	_ =	shalt  }
0x75: {  	_ =	shalt  }
0x76: {  	_ =	shalt  }
0x77: {  	_ =	shalt  }
0x78: {  	_ =	shalt  }
0x79: {  	_ =	shalt  }
0x7a: {  	_ =	shalt  }
0x7b: {  	_ =	shalt  }
0x7c: {  	_ =	shalt  }
0x7d: {  	_ =	shalt  }
0x7e: {  	_ =	shalt  }
0x7f: {  	_ =	shalt  }
0x80: {  	_ =	shalt  }
0x81: {  	_ =	shalt  }
0x82: {  	_ =	shalt  }
0x83: {  	_ =	shalt  }
0x84: {  	_ =	shalt  }
0x85: {  	_ =	shalt  }
0x86: {  	_ =	shalt  }
0x87: {  	_ =	shalt  }
.Lfunc_end0:
.L_simem_size_0:
called_computation.3_lowered:
.L_overlay_start_0:
0x88: {  	s2 =	sld [smem:$0x3FD9]  }
0x89: {  	s3 =	sld [smem:$0x3FFE];
	_ =	sdelay $0x1  }
0x8a: {  	s1 =	srdreg.scid  }
0x8b: {  	s0 =	sand.u32 $0x1, s1  }
0x8c: {  	s17 =	sshll.u32 s0, $0xA;
	s2 =	sadd.s32 s3, s2  }
0x8d: {  	s2 =	sadd.s32 s2, s17  }
0x8e: {  	[smem:$0x3FB8] =	sst s2  }
0x8f: {  	_ = 	snop  }
0x90: {  	s2 =	sld [smem:$0x3FD0];
	(tm) =	ssettm $0x1  }
0x91: {  	s18 =	sld [smem:$0x3FFB];
	_ =	sdelay $0x3  }
0x92: {  	_ =	strace s18  }
0x93: {  	s3 =	sld [smem:$0x3FFC];
	_ =	sdelay $0x3  }
0x94: {  	_ =	strace s3  }
0x95: {  	s3 =	sld [smem:$0x3FFD];
	_ =	sdelay $0x3  }
0x96: {  	_ =	strace s3  }
0x97: {  	_ =	strace $0x8FFFFFFF  }
0x98: {  	s19 =	sld [smem:$0x3FDB];
	_ =	sdelay $0x1  }
0x99: {  	s4 =	simm.s32 $_scs_section_size  }
0x9a: {  	s5 =	simm.s32 $_size__tile_overlayer_lowered;
	s6 =	simm.s32 $_tile_overlayer_lowered  }
0x9b: {  	s22 =	simm.s32 $0x1BFF;
	s21 =	sshll.u32 s6, $0x1;
	s3 =	sadd.s32 s4, s19  }
0x9c: {  	s7 =	simm.s32 $0x0;
	s20 =	sshll.u32 s5, $0x1;
	s5 =	sadd.s32 s21, s3  }
0x9d: {  	[timem:s7], [sflag:s22] =	dma.local [hbm:s5], s20  }
0x9e: {  	_ =	swait.ge [sflag:s22], s20  }
0x9f: {  	s4 =	ssub.s32 $0x0, s20;
	[sflag:s22] =	ssyncset.done $0x0  }
0xa0: {  	[sflag:s22] =	ssyncadd.s32 s4;
	_ =	sdelay $0x1  }
0xa1: {  	s23 =	simm.s32 $0x1B8B  }
0xa2: {  	_ =	swait.ge [sflag:s23], $0x1  }
0xa3: {  	[sflag:s23] =	ssyncset.done $0x0  }
0xa4: {  	s25 =	simm.s32 $0x1B8E;
	s24 =	sld [smem:$0x3FFE];
	[sflag:s23] =	ssyncadd.s32 $0xFFFFFFFF  }
0xa5: {  	s26 =	simm.s32 $execute0_lowered;
	[smem:$0x3FD2] =	sst s25  }
0xa6: {  	s5 =	sshll.u32 s26, $0x1;
	_ =	strace $0x8000004F;
	[dreg:$0x1] =	wrdreg $0xFFFFFFFF  }
0xa7: {  	s28 =	simm.s32 $_size_execute0_lowered;
	s3 =	sadd.s32 s3, s5;
	[dreg:$0x0] =	wrdreg $0x0  }
0xa8: {  	s5 =	sshll.u32 s28, $0x1;
	[dreg:$0x2] =	wrdreg s3  }
0xa9: {  	[dreg:$0x3] =	wrdreg s5  }
0xaa: {  	[dreg:$0x4] =	wrdreg $0xC0  }
0xab: {  	_ =	task [dreg:s7], $0x5FFFF  }
0xac: {  	[dreg:$0x1] =	wrdreg $0xFFFFFFFF  }
0xad: {  	[dreg:$0x0] =	wrdreg $0x60  }
0xae: {  	[dreg:$0x2] =	wrdreg s2  }
0xaf: {  	[dreg:$0x3] =	wrdreg s24  }
0xb0: {  	[dreg:$0x4] =	wrdreg $0x9  }
0xb1: {  	_ =	task.clear_ibuf [dreg:s7], $0x5FFFF;
	_ =	strace $0x9000004F  }
0xb2: {  	s29 =	simm.s32 $0x9;
	_ =	strace $0x80000051  }
0xb3: {  	_ =	swait.ge [sflag:s29], $0x1  }
0xb4: {  	[sflag:s29] =	ssyncadd.s32 $0xFFFFFFFF  }
0xb5: {  	_ =	strace $0x90000051  }
0xb6: {  	_ =	sfence  }
0xb7: {  	s30 =	sld [smem:$0x0];
	_ =	sdelay $0x2  }
0xb8: {  	s31 =	sshll.u32 s1, $0xD;
	s1 =	sshrl.u32 s1, $0x2  }
0xb9: {  	s3 =	sand.u32 $0x4000, s31;
	s1 =	sadd.s32 s1, s30  }
0xba: {  	s0 =	sor.u32 s3, s0;
	s1 =	sshll.u32 s1, $0x11  }
0xbb: {  	s0 =	sor.u32 s1, s0  }
0xbc: {  	s0 =	sadd.s32 $0x8F2B, s0  }
0xbd: {  	[sflag:s0] =	ssyncadd.remote.s32 $0x1  }
0xbe: {  	_ =	sfence.sel $0xFFFF  }
0xbf: {  	[dreg:$0x0] =	wrdreg $0xFFFFFFFF;
	(pc) =	sbr.abs _section_cstart, $3  }
0xc0: {  	[dreg:$0x1] =	wrdreg $0xFFFFFFFF  }
0xc1: {  	_ =	task.clear_ibuf [dreg:s7], $0x2FFFF;
	_ =	strace $0x9FFFFFFF  }
0xc2: {  	(tm) =	ssettm $0x7FFFFFFF  }
0xc3: {  	_ =	shalt  }
tec
execute0_lowered:
.L_overlay_start_1:
0x0: {  	(tag) =	ssettag $0x1  }
0x1: {  	s7 =	rddreg [dreg:$0x0]  }
0x2: {  	s4 =	rddreg [dreg:$0x1]  }
0x3: {  	s0 =	rddreg [dreg:$0x2]  }
0x4: {  	s1 =	stileid.u32;
	s3 =	srdreg.scid  }
0x5: {  	s2 =	simm.s32 $0x0;
	s12 =	simm.s32 $0x2900;
	s13 =	simm.s32 $0x1  }
0x6: {  	s14 =	simm.s32 $0x2;
	s15 =	simm.s32 $0x0;
	s5 =	smul.u32 $0x50000, s1  }
0x7: {  	s6 =	sand.u32 $0x1, s3;
	[smem:$0x7FF] =	sst s2;
	s9 =	smul.u32 $0x5000, s1  }
0x8: {  	s3 =	sadd.s32 $0x82E00, s4;
	s8 =	ssub.s32 $0x2, s6;
	s11 =	smul.u32 $0x2800, s6  }
0x9: {  	_ =	strace $0x80000050;
	s6 =	smul.u32 $0x28000, s6;
	s10 =	sshrl.u32 s8, $0x1  }
0xa: {  	s5 =	sadd.s32 s5, s4;
	s8 =	ssub.s32 s8, s10;
	s30 =	sadd.s32 s11, s9  }
0xb: {  	s5 =	sadd.s32 s6, s5;
	s9 =	simm.s32 $0x80;
	s10 =	simm.s32 $0x50  }
0xc: {  	s11 =	simm.s32 $0x100;
	s4 =	smax.u32 s8, $0x1;
	s8 =	sor.u32 $0x50, s30  }
0xd: {  	s31 =	sshrl.u32 s30, $0x3;
	s5 =	sadd.s32 $0xC2E00, s5;
	s8 =	sshrl.u32 s8, $0x3  }
0xe: {  	s6 =	sadd.s32 s31, s7;
	s7 =	sadd.s32 s8, s7;
	s8 =	simm.s32 $0x3  }
.LBB2_1:
0xf: {  	s16 =	sadd.s32 $0x0, s6  }
0x10: {  	[tilespmem:s2], [sflag:$0x3] =	stream.linear.gather [hbm4b:s16+s2], $0x50, $0x38;
	[tilespmem:$0x5100] =	vst v63  }
0x11: {  	_ =	swait.ge [sflag:s8], $0x50  }
0x12: {  	[sflag:s8] =	ssyncset.done $0x0  }
0x13: {  	s30 =	sadd.s32 $0x0, s7;
	[sflag:s8] =	ssyncadd.s32 $0xFFFFFFB0  }
0x14: {  	[tilespmem:s9], [sflag:$0x3] =	stream.linear.gather [hbm4b:s30+s2], $0x50, $0x38;
	[tilespmem:$0x5100] =	vst v63  }
0x15: {  	_ =	swait.ge [sflag:s8], $0x50  }
0x16: {  	[sflag:s8] =	ssyncset.done $0x0  }
0x17: {  	[sflag:s8] =	ssyncadd.s32 $0xFFFFFFB0  }
0x18: {  	[tilespmem:s11], [sflag:$0x1] =	stream.indirect.gather [hbm4b:s3+s10], $0x80, s2, s10, $0xb8;
	[tilespmem:$0x5100] =	vst v63  }
0x19: {  	_ = 	snop  }
0x1a: {  	[tilespmem:s12], [sflag:$0x2] =	stream.indirect.gather [hbm4b:s3+s10], $0x80, s9, s10, $0xb8;
	[tilespmem:$0x5100] =	vst v63  }
0x1b: {  	_ =	swait.ge [sflag:s13], $0x2800  }
0x1c: {  	[sflag:s13] =	ssyncset.done $0x0  }
0x1d: {  	[sflag:s13] =	ssyncadd.s32 $0xFFFFD800  }
0x1e: {  	_ =	swait.ge [sflag:s14], $0x2800  }
0x1f: {  	[sflag:s14] =	ssyncset.done $0x0  }
0x20: {  	[sflag:s14] =	ssyncadd.s32 $0xFFFFD800  }
0x21: {  	[hbm4b:s5+s2] =	stream.linear.scatter [tilespmem:s11], [sflag:$0x3], $0x2800, $0x38;
	[tilespmem:$0x5100] =	vst v63  }
0x22: {  	_ =	swait.ge [sflag:s8], $0x2800  }
0x23: {  	[sflag:s8] =	ssyncset.done $0x0  }
0x24: {  	s31 =	sadd.s32 $0x500, s5;
	[sflag:s8] =	ssyncadd.s32 $0xFFFFD800  }
0x25: {  	[hbm4b:s31+s2] =	stream.linear.scatter [tilespmem:s12], [sflag:$0x3], $0x2800, $0x38;
	[tilespmem:$0x5100] =	vst v63  }
0x26: {  	s17 =	simm.s32 $0x14;
	_ =	swait.ge [sflag:s8], $0x2800  }
0x27: {  	s18 =	simm.s32 $0x28;
	s16 =	sadd.s32 $0xA00, s5;
	[sflag:s8] =	ssyncset.done $0x0  }
.LBB2_2:
0x28: {  	s19 =	sadd.s32 s17, s6  }
0x29: {  	[sflag:s8] =	ssyncadd.s32 $0xFFFFD800;
	s20 =	smov.u32 s18;
	s21 =	sadd.s32 $0x14, s18  }
0x2a: {  	[tilespmem:s2], [sflag:$0x3] =	stream.linear.gather [hbm4b:s19+s2], $0x50, $0x38;
	[tilespmem:$0x5100] =	vst v63  }
0x2b: {  	p0 =	sne.s32 s18, $0x4EC;
	_ =	swait.ge [sflag:s8], $0x50  }
0x2c: {  	[sflag:s8] =	ssyncset.done $0x0  }
0x2d: {  	s18 =	sadd.s32 s17, s7;
	s17 =	smov.u32 s20;
	[sflag:s8] =	ssyncadd.s32 $0xFFFFFFB0  }
0x2e: {  	[tilespmem:s9], [sflag:$0x3] =	stream.linear.gather [hbm4b:s18+s2], $0x50, $0x38;
	[tilespmem:$0x5100] =	vst v63  }
0x2f: {  	_ =	swait.ge [sflag:s8], $0x50  }
0x30: {  	[sflag:s8] =	ssyncset.done $0x0  }
0x31: {  	[sflag:s8] =	ssyncadd.s32 $0xFFFFFFB0  }
0x32: {  	[tilespmem:s11], [sflag:$0x1] =	stream.indirect.gather [hbm4b:s3+s10], $0x80, s2, s10, $0xb8;
	[tilespmem:$0x5100] =	vst v63  }
0x33: {  	_ = 	snop  }
0x34: {  	[tilespmem:s12], [sflag:$0x2] =	stream.indirect.gather [hbm4b:s3+s10], $0x80, s9, s10, $0xb8;
	[tilespmem:$0x5100] =	vst v63  }
0x35: {  	_ =	swait.ge [sflag:s13], $0x2800  }
0x36: {  	[sflag:s13] =	ssyncset.done $0x0  }
0x37: {  	[sflag:s13] =	ssyncadd.s32 $0xFFFFD800  }
0x38: {  	_ =	swait.ge [sflag:s14], $0x2800  }
0x39: {  	[sflag:s14] =	ssyncset.done $0x0  }
0x3a: {  	[sflag:s14] =	ssyncadd.s32 $0xFFFFD800  }
0x3b: {  	[hbm4b:s16+s2] =	stream.linear.scatter [tilespmem:s11], [sflag:$0x3], $0x2800, $0x38;
	[tilespmem:$0x5100] =	vst v63  }
0x3c: {  	_ =	swait.ge [sflag:s8], $0x2800  }
.Ltmp0:
0x3d: {  	[sflag:s8] =	ssyncset.done $0x0;
	(pc) =	sbr.rel @p0 .LBB2_2-.Ltmp0, $4  }
0x3e: {  	s18 =	sadd.s32 $0x500, s16;
	[sflag:s8] =	ssyncadd.s32 $0xFFFFD800  }
0x3f: {  	[hbm4b:s18+s2] =	stream.linear.scatter [tilespmem:s12], [sflag:$0x3], $0x2800, $0x38;
	[tilespmem:$0x5100] =	vst v63  }
0x40: {  	_ =	swait.ge [sflag:s8], $0x2800  }
0x41: {  	s16 =	sadd.s32 $0xA00, s16;
	s18 =	smov.u32 s21;
	[sflag:s8] =	ssyncset.done $0x0  }
0x42: {  	s18 =	sadd.s32 s17, s6;
	[sflag:s8] =	ssyncadd.s32 $0xFFFFD800  }
0x43: {  	[tilespmem:s2], [sflag:$0x3] =	stream.linear.gather [hbm4b:s18+s2], $0x50, $0x38;
	[tilespmem:$0x5100] =	vst v63  }
0x44: {  	_ =	swait.ge [sflag:s8], $0x50  }
0x45: {  	[sflag:s8] =	ssyncset.done $0x0  }
0x46: {  	s30 =	sadd.s32 s17, s7;
	[sflag:s8] =	ssyncadd.s32 $0xFFFFFFB0  }
0x47: {  	[tilespmem:s9], [sflag:$0x3] =	stream.linear.gather [hbm4b:s30+s2], $0x50, $0x38;
	[tilespmem:$0x5100] =	vst v63  }
0x48: {  	_ =	swait.ge [sflag:s8], $0x50  }
0x49: {  	[sflag:s8] =	ssyncset.done $0x0  }
0x4a: {  	[sflag:s8] =	ssyncadd.s32 $0xFFFFFFB0  }
0x4b: {  	[tilespmem:s11], [sflag:$0x1] =	stream.indirect.gather [hbm4b:s3+s10], $0x80, s2, s10, $0xb8;
	[tilespmem:$0x5100] =	vst v63  }
0x4c: {  	_ = 	snop  }
0x4d: {  	[tilespmem:s12], [sflag:$0x2] =	stream.indirect.gather [hbm4b:s3+s10], $0x80, s9, s10, $0xb8;
	[tilespmem:$0x5100] =	vst v63  }
0x4e: {  	_ =	swait.ge [sflag:s13], $0x2800  }
0x4f: {  	[sflag:s13] =	ssyncset.done $0x0  }
0x50: {  	[sflag:s13] =	ssyncadd.s32 $0xFFFFD800  }
0x51: {  	_ =	swait.ge [sflag:s14], $0x2800  }
0x52: {  	[sflag:s14] =	ssyncset.done $0x0  }
0x53: {  	[sflag:s14] =	ssyncadd.s32 $0xFFFFD800  }
0x54: {  	[hbm4b:s16+s2] =	stream.linear.scatter [tilespmem:s11], [sflag:$0x3], $0x2800, $0x38;
	[tilespmem:$0x5100] =	vst v63  }
0x55: {  	s15 =	sadd.s32 $0x1, s15;
	_ =	swait.ge [sflag:s8], $0x2800  }
0x56: {  	p0 =	sne.s32 s15, s4;
	[sflag:s8] =	ssyncset.done $0x0  }
.Ltmp1:
0x57: {  	s31 =	sadd.s32 $0x500, s16;
	[sflag:s8] =	ssyncadd.s32 $0xFFFFD800;
	(pc) =	sbr.rel @p0 .LBB2_1-.Ltmp1, $4  }
0x58: {  	[hbm4b:s31+s2] =	stream.linear.scatter [tilespmem:s12], [sflag:$0x3], $0x2800, $0x38;
	[tilespmem:$0x5100] =	vst v63  }
0x59: {  	_ =	swait.ge [sflag:s8], $0x2800  }
0x5a: {  	[sflag:s8] =	ssyncset.done $0x0  }
0x5b: {  	[sflag:s8] =	ssyncadd.s32 $0xFFFFD800  }
0x5c: {  	_ =	sfence.sel $0x180000  }
0x5d: {  	[bflag:$0x0] =	sbarrier.arrive $0xFFFF  }
0x5e: {  	p0 =	sne.s32 s1, $0x0;
	_ =	strace $0x90000050  }
0x5f: {  	s0 =	sadd.s32 @!p0 $0x100000, s0;
	[bflag:$0x2] =	sbarrier.arrive $0xFFFF  }
0x60: {  	[sflag:s0] =	ssyncadd.tile.s32 @!p0 $0x1;
	_ =	shalt  }
.Lfunc_end2:
_tile_overlayer_lowered:
.L_overlay_start_2:
0x61: {  	(tag) =	ssettag $0x2  }
0x62: {  	s0 =	rddreg [dreg:$0x0];
	s2 =	stileid.u32  }
0x63: {  	s1 =	rddreg [dreg:$0x1];
	p0 =	sne.s32 s2, $0x0  }
0x64: {  	s3 =	rddreg [dreg:$0x2];
	[bflag:$0x3] =	sbarrier.arrive $0xFFFF;
	s2 =	simm.s32 @!p0 $0x1C03  }
0x65: {  	[timem:s3], [sflag:s2] =	dma.local @!p0 [hbm:s0], s1  }
0x66: {  	s0 =	simm.s32 @!p0 $0x3  }
0x67: {  	_ =	swait.ge @!p0 [sflag:s0], s1  }
0x68: {  	s1 =	ssub.s32 @!p0 $0x0, s1;
	[sflag:s0] =	ssyncset.done @!p0 $0x0  }
0x69: {  	[sflag:s0] =	ssyncadd.s32 @!p0 s1  }
0x6a: {  	[bflag:$0x3] =	sbarrier.arrive $0xFFFF  }
0x6b: {  	_ =	shalt  }

</sc_bundles>
